<compile_context>
chip_gen: v7x
topology: tpu7x:2x2x1
jax: 0.10.2.dev20260603
libtpu: 0.0.44.dev20260713+nightly
codegen_flags: <defaults>
</compile_context>

<pallas_src>
import functools

import jax
import jax.numpy as jnp
from jax import lax
from jax.experimental import pallas as pl
from jax.experimental.pallas import tpu as pltpu
from jax.experimental.pallas import tpu_sc as plsc

_E = 64
_K = 2
_T = 1024


def _logits_body(x_ref, w_ref, b_ref, out_ref):
    acc = lax.dot_general(
        w_ref[...], x_ref[...],
        (((1,), (1,)), ((), ())),
        preferred_element_type=jnp.float32,
    )
    out_ref[...] = acc + b_ref[...][:, None]


def _tc_logits(x, W, b):
    ntok, H = x.shape
    return pl.pallas_call(
        _logits_body,
        grid=(ntok // _T,),
        in_specs=[
            pl.BlockSpec((_T, H), lambda i: (i, 0)),
            pl.BlockSpec((_E, H), lambda i: (0, 0)),
            pl.BlockSpec((_E,), lambda i: (0,)),
        ],
        out_specs=pl.BlockSpec((_E, _T), lambda i: (0, i)),
        out_shape=jax.ShapeDtypeStruct((_E, ntok), jnp.float32),
    )(x, W, b)


@functools.cache
def _sc_router(ntok):
    info = plsc.get_sparse_core_info()
    nc, ns, L = info.num_cores, info.num_subcores, info.num_lanes
    nw = nc * ns
    tpw = ntok // nw
    mesh = plsc.VectorSubcoreMesh(core_axis_name="c", subcore_axis_name="s")

    @functools.partial(
        pl.kernel,
        out_type=(
            jax.ShapeDtypeStruct((_K, ntok), jnp.int32),
            jax.ShapeDtypeStruct((_K, ntok), jnp.float32),
        ),
        mesh=mesh,
        scratch_types=[
            pltpu.VMEM((_E, tpw), jnp.float32),
            pltpu.VMEM((_K, tpw), jnp.int32),
            pltpu.VMEM((_K, tpw), jnp.float32),
        ],
        compiler_params=pltpu.CompilerParams(use_tc_tiling_on_sc=True),
    )
    def route(logits_hbm, idx_hbm, w_hbm, chunk_v, idx_v, w_v):
        wid = lax.axis_index("s") * nc + lax.axis_index("c")
        base = wid * tpw
        pltpu.sync_copy(logits_hbm.at[:, pl.ds(base, tpw)], chunk_v)

        n_ilp = 2

        def group(g, carry):
            offs = [(g * n_ilp + j) * L for j in range(n_ilp)]
            neg = jnp.full((L,), -jnp.inf, jnp.float32)
            zero = jnp.zeros((L,), jnp.int32)
            m1 = [neg] * n_ilp
            m2 = [neg] * n_ilp
            i1 = [zero] * n_ilp
            i2 = [zero] * n_ilp
            for e in range(_E):
                ev = jnp.full((L,), e, jnp.int32)
                for j in range(n_ilp):
                    v = chunk_v[e, pl.ds(offs[j], L)]
                    gt1 = v > m1[j]
                    gt2 = v > m2[j]
                    m2[j] = jnp.where(gt1, m1[j], jnp.where(gt2, v, m2[j]))
                    i2[j] = jnp.where(gt1, i1[j], jnp.where(gt2, ev, i2[j]))
                    m1[j] = jnp.where(gt1, v, m1[j])
                    i1[j] = jnp.where(gt1, ev, i1[j])
            for j in range(n_ilp):
                w1 = 1.0 / (1.0 + jnp.exp(m2[j] - m1[j]))
                idx_v[0, pl.ds(offs[j], L)] = i1[j]
                idx_v[1, pl.ds(offs[j], L)] = i2[j]
                w_v[0, pl.ds(offs[j], L)] = w1
                w_v[1, pl.ds(offs[j], L)] = 1.0 - w1
            return carry

        lax.fori_loop(0, tpw // (L * n_ilp), group, 0)
        pltpu.sync_copy(idx_v, idx_hbm.at[:, pl.ds(base, tpw)])
        pltpu.sync_copy(w_v, w_hbm.at[:, pl.ds(base, tpw)])

    return route


def kernel(hidden_states, W, b):
    B, S, H = hidden_states.shape
    ntok = B * S
    x = hidden_states.reshape(ntok, H)
    logits_t = _tc_logits(x, W, b)
    idx_t, w_t = _sc_router(ntok)(logits_t)
    expert_indices = idx_t.T.reshape(B, S, _K)
    routing_weights = w_t.T.reshape(B, S, _K)
    return expert_indices, routing_weights

# --- scband reference (transcript-rebuilt; emitter-appended) ---
"""Pipeline reference for scband-expert-router-49435073577787 (READ-ONLY COPY).

The authoritative reference and input builder live on the scoring server;
editing this copy changes nothing except your own understanding.
"""

import jax, jax.numpy as jnp
import numpy as np

NUM_EXPERTS = 64
HIDDEN = 2048
EXPERT_CAPACITY = 2
BATCH = 2
SEQ = 4096


def setup_inputs(seed: int = 0) -> dict:
    key = jax.random.key(seed)
    k1, k2, k3 = jax.random.split(key, 3)
    hidden_states = jax.random.normal(k1, (BATCH, SEQ, HIDDEN), dtype=jnp.float32)
    # router = nn.Linear(hidden_size, num_experts): weight [E, H], bias [E]
    bound = 1.0 / np.sqrt(HIDDEN)
    W = jax.random.uniform(k2, (NUM_EXPERTS, HIDDEN), dtype=jnp.float32, minval=-bound, maxval=bound)
    b = jax.random.uniform(k3, (NUM_EXPERTS,), dtype=jnp.float32, minval=-bound, maxval=bound)
    return {"hidden_states": hidden_states, "W": W, "b": b}


def reference(hidden_states, W, b):
    # router_logits = self.router(hidden_states)
    router_logits = jnp.einsum('bsh,eh->bse', hidden_states, W) + b
    # routing_probs = softmax(router_logits, dim=-1)
    routing_probs = jax.nn.softmax(router_logits, axis=-1)
    # topk over experts, k = expert_capacity
    routing_weights, expert_indices = jax.lax.top_k(routing_probs, EXPERT_CAPACITY)
    # renormalize selected weights
    routing_weights = routing_weights / jnp.sum(routing_weights, axis=-1, keepdims=True)
    # routing_info is None when return_routing_weights=False
    return expert_indices, routing_weights

if __name__ == "__main__":
    import jax
    _d = setup_inputs()
    print(jax.jit(kernel)(*tuple(_d.values())))

</pallas_src>

<mosaic_0001>
#map = affine_map<(d0, d1) -> (0, 0)>
module attributes {stable_mosaic.version = 14 : i64} {
  func.func @route(%arg0: i32, %arg1: i32, %arg2: memref<64x8192xf32, #tpu.memory_space<hbm>>, %arg3: memref<2x8192xi32, #tpu.memory_space<hbm>>, %arg4: memref<2x8192xf32, #tpu.memory_space<hbm>>, %arg5: memref<64x256xf32, #tpu.memory_space<vmem>>, %arg6: memref<2x256xi32, #tpu.memory_space<vmem>>, %arg7: memref<2x256xf32, #tpu.memory_space<vmem>>) attributes {dimension_semantics = [#tpu.dimension_semantics<core_parallel>, #tpu.dimension_semantics<subcore_parallel>], iteration_bounds = array<i64: 2, 16>, scalar_prefetch = 0 : i64, scratch_operands = 3 : i64, tpu.core_type = #tpu.core_type<sc_vector_subcore>, window_params = [{transform_indices = #map}, {transform_indices = #map}, {transform_indices = #map}]} {
    %mul3A = arith.constant 2 : i32
    %mul3A_0 = arith.muli %arg1, %mul3A : i32
    %add3A = arith.addi %mul3A_0, %arg0 : i32
    %mul3A_1 = arith.constant 256 : i32
    %mul3A_2 = arith.muli %add3A, %mul3A_1 : i32
    "tpu.region"() ({
      %run_scoped3A = tpu.sem_alloc : memref<!tpu.dma_semaphore, #tpu.memory_space<semaphore_mem>>
      %dma_start3A = arith.constant 0 : i32
      %dma_start3A_8 = tpu.memref_slice %arg2[%dma_start3A, %mul3A_2] : memref<64x8192xf32, #tpu.memory_space<hbm>> -> memref<64x256xf32, #tpu.memory_space<hbm>>
      %dma_start3A_9 = arith.constant 0 : i32
      %dma_start3A_10 = tpu.memref_slice %arg2[%dma_start3A_9, %mul3A_2] : memref<64x8192xf32, #tpu.memory_space<hbm>> -> memref<64x256xf32, #tpu.memory_space<hbm>>
      tpu.enqueue_dma source(%dma_start3A_10 : memref<64x256xf32, #tpu.memory_space<hbm>>) target(%arg5 : memref<64x256xf32, #tpu.memory_space<vmem>>) target_semaphore(%run_scoped3A : memref<!tpu.dma_semaphore, #tpu.memory_space<semaphore_mem>>)
      %dma_wait3A = arith.constant 0 : i32
      %dma_wait3A_11 = tpu.memref_slice %arg2[%dma_wait3A, %mul3A_2] : memref<64x8192xf32, #tpu.memory_space<hbm>> -> memref<64x256xf32, #tpu.memory_space<hbm>>
      %dma_wait3A_12 = arith.constant 0 : i32
      %dma_wait3A_13 = tpu.memref_slice %arg2[%dma_wait3A_12, %mul3A_2] : memref<64x8192xf32, #tpu.memory_space<hbm>> -> memref<64x256xf32, #tpu.memory_space<hbm>>
      tpu.wait_dma2 semaphore(%run_scoped3A : memref<!tpu.dma_semaphore, #tpu.memory_space<semaphore_mem>>) src(%dma_wait3A_13 : memref<64x256xf32, #tpu.memory_space<hbm>>) dst(%arg5 : memref<64x256xf32, #tpu.memory_space<vmem>>)
      tpu.yield
    }) : () -> ()
    %scan3A = arith.constant 0 : i32
    %scan3A_3 = arith.constant 0 : i32
    %scan3A_4 = arith.constant 8 : i32
    %scan3A_5 = arith.addi %scan3A_3, %scan3A_4 : i32
    %scan3A_6 = arith.constant 1 : i32
    scf.for %scan3A_8 = %scan3A_3 to %scan3A_5 step %scan3A_6  : i32 {
      %mul3A_9 = arith.constant 2 : i32
      %mul3A_10 = arith.muli %scan3A_8, %mul3A_9 : i32
      %add3A_11 = arith.constant 0 : i32
      %add3A_12 = arith.addi %mul3A_10, %add3A_11 : i32
      %mul3A_13 = arith.constant 16 : i32
      %mul3A_14 = arith.muli %add3A_12, %mul3A_13 : i32
      %mul3A_15 = arith.constant 2 : i32
      %mul3A_16 = arith.muli %scan3A_8, %mul3A_15 : i32
      %add3A_17 = arith.constant 1 : i32
      %add3A_18 = arith.addi %mul3A_16, %add3A_17 : i32
      %mul3A_19 = arith.constant 16 : i32
      %mul3A_20 = arith.muli %add3A_18, %mul3A_19 : i32
      %broadcast_in_dim3A = arith.constant 0xFF800000 : f32
      %broadcast_in_dim3A_21 = vector.broadcast %broadcast_in_dim3A : f32 to vector<16xf32>
      %broadcast_in_dim3A_22 = arith.constant 0 : i32
      %broadcast_in_dim3A_23 = vector.broadcast %broadcast_in_dim3A_22 : i32 to vector<16xi32>
      %broadcast_in_dim3A_24 = arith.constant 0 : i32
      %broadcast_in_dim3A_25 = vector.broadcast %broadcast_in_dim3A_24 : i32 to vector<16xi32>
      %get3A = arith.constant 0 : i32
      %get3A_26 = arith.index_cast %get3A : i32 to index
      %get3A_27 = arith.index_cast %mul3A_14 : i32 to index
      %get3A_28 = tpu.vector_load %arg5[%get3A_26, %get3A_27] {strides = array<i32>} : memref<64x256xf32, #tpu.memory_space<vmem>>, vector<1x16xf32>,
      %get3A_29 = vector.shape_cast %get3A_28 : vector<1x16xf32> to vector<16xf32>
      %gt3A = arith.cmpf ogt, %get3A_29, %broadcast_in_dim3A_21 : vector<16xf32>
      %gt3A_30 = arith.cmpf ogt, %get3A_29, %broadcast_in_dim3A_21 : vector<16xf32>
      %select_n3A = arith.select %gt3A_30, %get3A_29, %broadcast_in_dim3A_21 : vector<16xi1>, vector<16xf32>
      %select_n3A_31 = arith.select %gt3A, %broadcast_in_dim3A_21, %select_n3A : vector<16xi1>, vector<16xf32>
      %select_n3A_32 = arith.select %gt3A_30, %broadcast_in_dim3A_25, %broadcast_in_dim3A_23 : vector<16xi1>, vector<16xi32>
      %select_n3A_33 = arith.select %gt3A, %broadcast_in_dim3A_23, %select_n3A_32 : vector<16xi1>, vector<16xi32>
      %select_n3A_34 = arith.select %gt3A, %get3A_29, %broadcast_in_dim3A_21 : vector<16xi1>, vector<16xf32>
      %select_n3A_35 = arith.select %gt3A, %broadcast_in_dim3A_25, %broadcast_in_dim3A_23 : vector<16xi1>, vector<16xi32>
      %get3A_36 = arith.constant 0 : i32
      %get3A_37 = arith.index_cast %get3A_36 : i32 to index
      %get3A_38 = arith.index_cast %mul3A_20 : i32 to index
      %get3A_39 = tpu.vector_load %arg5[%get3A_37, %get3A_38] {strides = array<i32>} : memref<64x256xf32, #tpu.memory_space<vmem>>, vector<1x16xf32>,
      %get3A_40 = vector.shape_cast %get3A_39 : vector<1x16xf32> to vector<16xf32>
      %gt3A_41 = arith.cmpf ogt, %get3A_40, %broadcast_in_dim3A_21 : vector<16xf32>
      %gt3A_42 = arith.cmpf ogt, %get3A_40, %broadcast_in_dim3A_21 : vector<16xf32>
      %select_n3A_43 = arith.select %gt3A_42, %get3A_40, %broadcast_in_dim3A_21 : vector<16xi1>, vector<16xf32>
      %select_n3A_44 = arith.select %gt3A_41, %broadcast_in_dim3A_21, %select_n3A_43 : vector<16xi1>, vector<16xf32>
      %select_n3A_45 = arith.select %gt3A_42, %broadcast_in_dim3A_25, %broadcast_in_dim3A_23 : vector<16xi1>, vector<16xi32>
      %select_n3A_46 = arith.select %gt3A_41, %broadcast_in_dim3A_23, %select_n3A_45 : vector<16xi1>, vector<16xi32>
      %select_n3A_47 = arith.select %gt3A_41, %get3A_40, %broadcast_in_dim3A_21 : vector<16xi1>, vector<16xf32>
      %select_n3A_48 = arith.select %gt3A_41, %broadcast_in_dim3A_25, %broadcast_in_dim3A_23 : vector<16xi1>, vector<16xi32>
      %broadcast_in_dim3A_49 = arith.constant 1 : i32
      %broadcast_in_dim3A_50 = vector.broadcast %broadcast_in_dim3A_49 : i32 to vector<16xi32>
      %get3A_51 = arith.constant 1 : i32
      %get3A_52 = arith.index_cast %get3A_51 : i32 to index
      %get3A_53 = arith.index_cast %mul3A_14 : i32 to index
      %get3A_54 = tpu.vector_load %arg5[%get3A_52, %get3A_53] {strides = array<i32>} : memref<64x256xf32, #tpu.memory_space<vmem>>, vector<1x16xf32>,
      %get3A_55 = vector.shape_cast %get3A_54 : vector<1x16xf32> to vector<16xf32>
      %gt3A_56 = arith.cmpf ogt, %get3A_55, %select_n3A_34 : vector<16xf32>
      %gt3A_57 = arith.cmpf ogt, %get3A_55, %select_n3A_31 : vector<16xf32>
      %select_n3A_58 = arith.select %gt3A_57, %get3A_55, %select_n3A_31 : vector<16xi1>, vector<16xf32>
      %select_n3A_59 = arith.select %gt3A_56, %select_n3A_34, %select_n3A_58 : vector<16xi1>, vector<16xf32>
      %select_n3A_60 = arith.select %gt3A_57, %broadcast_in_dim3A_50, %select_n3A_33 : vector<16xi1>, vector<16xi32>
      %select_n3A_61 = arith.select %gt3A_56, %select_n3A_35, %select_n3A_60 : vector<16xi1>, vector<16xi32>
      %select_n3A_62 = arith.select %gt3A_56, %get3A_55, %select_n3A_34 : vector<16xi1>, vector<16xf32>
      %select_n3A_63 = arith.select %gt3A_56, %broadcast_in_dim3A_50, %select_n3A_35 : vector<16xi1>, vector<16xi32>
      %get3A_64 = arith.constant 1 : i32
      %get3A_65 = arith.index_cast %get3A_64 : i32 to index
      %get3A_66 = arith.index_cast %mul3A_20 : i32 to index
      %get3A_67 = tpu.vector_load %arg5[%get3A_65, %get3A_66] {strides = array<i32>} : memref<64x256xf32, #tpu.memory_space<vmem>>, vector<1x16xf32>,
      %get3A_68 = vector.shape_cast %get3A_67 : vector<1x16xf32> to vector<16xf32>
      %gt3A_69 = arith.cmpf ogt, %get3A_68, %select_n3A_47 : vector<16xf32>
      %gt3A_70 = arith.cmpf ogt, %get3A_68, %select_n3A_44 : vector<16xf32>
      %select_n3A_71 = arith.select %gt3A_70, %get3A_68, %select_n3A_44 : vector<16xi1>, vector<16xf32>
      %select_n3A_72 = arith.select %gt3A_69, %select_n3A_47, %select_n3A_71 : vector<16xi1>, vector<16xf32>
      %select_n3A_73 = arith.select %gt3A_70, %broadcast_in_dim3A_50, %select_n3A_46 : vector<16xi1>, vector<16xi32>
      %select_n3A_74 = arith.select %gt3A_69, %select_n3A_48, %select_n3A_73 : vector<16xi1>, vector<16xi32>
      %select_n3A_75 = arith.select %gt3A_69, %get3A_68, %select_n3A_47 : vector<16xi1>, vector<16xf32>
      %select_n3A_76 = arith.select %gt3A_69, %broadcast_in_dim3A_50, %select_n3A_48 : vector<16xi1>, vector<16xi32>
      %broadcast_in_dim3A_77 = arith.constant 2 : i32
      %broadcast_in_dim3A_78 = vector.broadcast %broadcast_in_dim3A_77 : i32 to vector<16xi32>
      %get3A_79 = arith.constant 2 : i32
      %get3A_80 = arith.index_cast %get3A_79 : i32 to index
      %get3A_81 = arith.index_cast %mul3A_14 : i32 to index
      %get3A_82 = tpu.vector_load %arg5[%get3A_80, %get3A_81] {strides = array<i32>} : memref<64x256xf32, #tpu.memory_space<vmem>>, vector<1x16xf32>,
      %get3A_83 = vector.shape_cast %get3A_82 : vector<1x16xf32> to vector<16xf32>
      %gt3A_84 = arith.cmpf ogt, %get3A_83, %select_n3A_62 : vector<16xf32>
      %gt3A_85 = arith.cmpf ogt, %get3A_83, %select_n3A_59 : vector<16xf32>
      %select_n3A_86 = arith.select %gt3A_85, %get3A_83, %select_n3A_59 : vector<16xi1>, vector<16xf32>
      %select_n3A_87 = arith.select %gt3A_84, %select_n3A_62, %select_n3A_86 : vector<16xi1>, vector<16xf32>
      %select_n3A_88 = arith.select %gt3A_85, %broadcast_in_dim3A_78, %select_n3A_61 : vector<16xi1>, vector<16xi32>
      %select_n3A_89 = arith.select %gt3A_84, %select_n3A_63, %select_n3A_88 : vector<16xi1>, vector<16xi32>
      %select_n3A_90 = arith.select %gt3A_84, %get3A_83, %select_n3A_62 : vector<16xi1>, vector<16xf32>
      %select_n3A_91 = arith.select %gt3A_84, %broadcast_in_dim3A_78, %select_n3A_63 : vector<16xi1>, vector<16xi32>
      %get3A_92 = arith.constant 2 : i32
      %get3A_93 = arith.index_cast %get3A_92 : i32 to index
      %get3A_94 = arith.index_cast %mul3A_20 : i32 to index
      %get3A_95 = tpu.vector_load %arg5[%get3A_93, %get3A_94] {strides = array<i32>} : memref<64x256xf32, #tpu.memory_space<vmem>>, vector<1x16xf32>,
      %get3A_96 = vector.shape_cast %get3A_95 : vector<1x16xf32> to vector<16xf32>
      %gt3A_97 = arith.cmpf ogt, %get3A_96, %select_n3A_75 : vector<16xf32>
      %gt3A_98 = arith.cmpf ogt, %get3A_96, %select_n3A_72 : vector<16xf32>
      %select_n3A_99 = arith.select %gt3A_98, %get3A_96, %select_n3A_72 : vector<16xi1>, vector<16xf32>
      %select_n3A_100 = arith.select %gt3A_97, %select_n3A_75, %select_n3A_99 : vector<16xi1>, vector<16xf32>
      %select_n3A_101 = arith.select %gt3A_98, %broadcast_in_dim3A_78, %select_n3A_74 : vector<16xi1>, vector<16xi32>
      %select_n3A_102 = arith.select %gt3A_97, %select_n3A_76, %select_n3A_101 : vector<16xi1>, vector<16xi32>
      %select_n3A_103 = arith.select %gt3A_97, %get3A_96, %select_n3A_75 : vector<16xi1>, vector<16xf32>
      %select_n3A_104 = arith.select %gt3A_97, %broadcast_in_dim3A_78, %select_n3A_76 : vector<16xi1>, vector<16xi32>
      %broadcast_in_dim3A_105 = arith.constant 3 : i32
      %broadcast_in_dim3A_106 = vector.broadcast %broadcast_in_dim3A_105 : i32 to vector<16xi32>
      %get3A_107 = arith.constant 3 : i32
      %get3A_108 = arith.index_cast %get3A_107 : i32 to index
      %get3A_109 = arith.index_cast %mul3A_14 : i32 to index
      %get3A_110 = tpu.vector_load %arg5[%get3A_108, %get3A_109] {strides = array<i32>} : memref<64x256xf32, #tpu.memory_space<vmem>>, vector<1x16xf32>,
      %get3A_111 = vector.shape_cast %get3A_110 : vector<1x16xf32> to vector<16xf32>
      %gt3A_112 = arith.cmpf ogt, %get3A_111, %select_n3A_90 : vector<16xf32>
      %gt3A_113 = arith.cmpf ogt, %get3A_111, %select_n3A_87 : vector<16xf32>
      %select_n3A_114 = arith.select %gt3A_113, %get3A_111, %select_n3A_87 : vector<16xi1>, vector<16xf32>
      %select_n3A_115 = arith.select %gt3A_112, %select_n3A_90, %select_n3A_114 : vector<16xi1>, vector<16xf32>
      %select_n3A_116 = arith.select %gt3A_113, %broadcast_in_dim3A_106, %select_n3A_89 : vector<16xi1>, vector<16xi32>
      %select_n3A_117 = arith.select %gt3A_112, %select_n3A_91, %select_n3A_116 : vector<16xi1>, vector<16xi32>
      %select_n3A_118 = arith.select %gt3A_112, %get3A_111, %select_n3A_90 : vector<16xi1>, vector<16xf32>
      %select_n3A_119 = arith.select %gt3A_112, %broadcast_in_dim3A_106, %select_n3A_91 : vector<16xi1>, vector<16xi32>
      %get3A_120 = arith.constant 3 : i32
      %get3A_121 = arith.index_cast %get3A_120 : i32 to index
      %get3A_122 = arith.index_cast %mul3A_20 : i32 to index
      %get3A_123 = tpu.vector_load %arg5[%get3A_121, %get3A_122] {strides = array<i32>} : memref<64x256xf32, #tpu.memory_space<vmem>>, vector<1x16xf32>,
      %get3A_124 = vector.shape_cast %get3A_123 : vector<1x16xf32> to vector<16xf32>
      %gt3A_125 = arith.cmpf ogt, %get3A_124, %select_n3A_103 : vector<16xf32>
      %gt3A_126 = arith.cmpf ogt, %get3A_124, %select_n3A_100 : vector<16xf32>
      %select_n3A_127 = arith.select %gt3A_126, %get3A_124, %select_n3A_100 : vector<16xi1>, vector<16xf32>
      %select_n3A_128 = arith.select %gt3A_125, %select_n3A_103, %select_n3A_127 : vector<16xi1>, vector<16xf32>
      %select_n3A_129 = arith.select %gt3A_126, %broadcast_in_dim3A_106, %select_n3A_102 : vector<16xi1>, vector<16xi32>
      %select_n3A_130 = arith.select %gt3A_125, %select_n3A_104, %select_n3A_129 : vector<16xi1>, vector<16xi32>
      %select_n3A_131 = arith.select %gt3A_125, %get3A_124, %select_n3A_103 : vector<16xi1>, vector<16xf32>
      %select_n3A_132 = arith.select %gt3A_125, %broadcast_in_dim3A_106, %select_n3A_104 : vector<16xi1>, vector<16xi32>
      %broadcast_in_dim3A_133 = arith.constant 4 : i32
      %broadcast_in_dim3A_134 = vector.broadcast %broadcast_in_dim3A_133 : i32 to vector<16xi32>
      %get3A_135 = arith.constant 4 : i32
      %get3A_136 = arith.index_cast %get3A_135 : i32 to index
      %get3A_137 = arith.index_cast %mul3A_14 : i32 to index
      %get3A_138 = tpu.vector_load %arg5[%get3A_136, %get3A_137] {strides = array<i32>} : memref<64x256xf32, #tpu.memory_space<vmem>>, vector<1x16xf32>,
      %get3A_139 = vector.shape_cast %get3A_138 : vector<1x16xf32> to vector<16xf32>
      %gt3A_140 = arith.cmpf ogt, %get3A_139, %select_n3A_118 : vector<16xf32>
      %gt3A_141 = arith.cmpf ogt, %get3A_139, %select_n3A_115 : vector<16xf32>
      %select_n3A_142 = arith.select %gt3A_141, %get3A_139, %select_n3A_115 : vector<16xi1>, vector<16xf32>
      %select_n3A_143 = arith.select %gt3A_140, %select_n3A_118, %select_n3A_142 : vector<16xi1>, vector<16xf32>
      %select_n3A_144 = arith.select %gt3A_141, %broadcast_in_dim3A_134, %select_n3A_117 : vector<16xi1>, vector<16xi32>
      %select_n3A_145 = arith.select %gt3A_140, %select_n3A_119, %select_n3A_144 : vector<16xi1>, vector<16xi32>
      %select_n3A_146 = arith.select %gt3A_140, %get3A_139, %select_n3A_118 : vector<16xi1>, vector<16xf32>
      %select_n3A_147 = arith.select %gt3A_140, %broadcast_in_dim3A_134, %select_n3A_119 : vector<16xi1>, vector<16xi32>
      %get3A_148 = arith.constant 4 : i32
      %get3A_149 = arith.index_cast %get3A_148 : i32 to index
      %get3A_150 = arith.index_cast %mul3A_20 : i32 to index
      %get3A_151 = tpu.vector_load %arg5[%get3A_149, %get3A_150] {strides = array<i32>} : memref<64x256xf32, #tpu.memory_space<vmem>>, vector<1x16xf32>,
      %get3A_152 = vector.shape_cast %get3A_151 : vector<1x16xf32> to vector<16xf32>
      %gt3A_153 = arith.cmpf ogt, %get3A_152, %select_n3A_131 : vector<16xf32>
      %gt3A_154 = arith.cmpf ogt, %get3A_152, %select_n3A_128 : vector<16xf32>
      %select_n3A_155 = arith.select %gt3A_154, %get3A_152, %select_n3A_128 : vector<16xi1>, vector<16xf32>
      %select_n3A_156 = arith.select %gt3A_153, %select_n3A_131, %select_n3A_155 : vector<16xi1>, vector<16xf32>
      %select_n3A_157 = arith.select %gt3A_154, %broadcast_in_dim3A_134, %select_n3A_130 : vector<16xi1>, vector<16xi32>
      %select_n3A_158 = arith.select %gt3A_153, %select_n3A_132, %select_n3A_157 : vector<16xi1>, vector<16xi32>
      %select_n3A_159 = arith.select %gt3A_153, %get3A_152, %select_n3A_131 : vector<16xi1>, vector<16xf32>
      %select_n3A_160 = arith.select %gt3A_153, %broadcast_in_dim3A_134, %select_n3A_132 : vector<16xi1>, vector<16xi32>
      %broadcast_in_dim3A_161 = arith.constant 5 : i32
      %broadcast_in_dim3A_162 = vector.broadcast %broadcast_in_dim3A_161 : i32 to vector<16xi32>
      %get3A_163 = arith.constant 5 : i32
      %get3A_164 = arith.index_cast %get3A_163 : i32 to index
      %get3A_165 = arith.index_cast %mul3A_14 : i32 to index
      %get3A_166 = tpu.vector_load %arg5[%get3A_164, %get3A_165] {strides = array<i32>} : memref<64x256xf32, #tpu.memory_space<vmem>>, vector<1x16xf32>,
      %get3A_167 = vector.shape_cast %get3A_166 : vector<1x16xf32> to vector<16xf32>
      %gt3A_168 = arith.cmpf ogt, %get3A_167, %select_n3A_146 : vector<16xf32>
      %gt3A_169 = arith.cmpf ogt, %get3A_167, %select_n3A_143 : vector<16xf32>
      %select_n3A_170 = arith.select %gt3A_169, %get3A_167, %select_n3A_143 : vector<16xi1>, vector<16xf32>
      %select_n3A_171 = arith.select %gt3A_168, %select_n3A_146, %select_n3A_170 : vector<16xi1>, vector<16xf32>
      %select_n3A_172 = arith.select %gt3A_169, %broadcast_in_dim3A_162, %select_n3A_145 : vector<16xi1>, vector<16xi32>
      %select_n3A_173 = arith.select %gt3A_168, %select_n3A_147, %select_n3A_172 : vector<16xi1>, vector<16xi32>
      %select_n3A_174 = arith.select %gt3A_168, %get3A_167, %select_n3A_146 : vector<16xi1>, vector<16xf32>
      %select_n3A_175 = arith.select %gt3A_168, %broadcast_in_dim3A_162, %select_n3A_147 : vector<16xi1>, vector<16xi32>
      %get3A_176 = arith.constant 5 : i32
      %get3A_177 = arith.index_cast %get3A_176 : i32 to index
      %get3A_178 = arith.index_cast %mul3A_20 : i32 to index
      %get3A_179 = tpu.vector_load %arg5[%get3A_177, %get3A_178] {strides = array<i32>} : memref<64x256xf32, #tpu.memory_space<vmem>>, vector<1x16xf32>,
      %get3A_180 = vector.shape_cast %get3A_179 : vector<1x16xf32> to vector<16xf32>
      %gt3A_181 = arith.cmpf ogt, %get3A_180, %select_n3A_159 : vector<16xf32>
      %gt3A_182 = arith.cmpf ogt, %get3A_180, %select_n3A_156 : vector<16xf32>
      %select_n3A_183 = arith.select %gt3A_182, %get3A_180, %select_n3A_156 : vector<16xi1>, vector<16xf32>
      %select_n3A_184 = arith.select %gt3A_181, %select_n3A_159, %select_n3A_183 : vector<16xi1>, vector<16xf32>
      %select_n3A_185 = arith.select %gt3A_182, %broadcast_in_dim3A_162, %select_n3A_158 : vector<16xi1>, vector<16xi32>
      %select_n3A_186 = arith.select %gt3A_181, %select_n3A_160, %select_n3A_185 : vector<16xi1>, vector<16xi32>
      %select_n3A_187 = arith.select %gt3A_181, %get3A_180, %select_n3A_159 : vector<16xi1>, vector<16xf32>
      %select_n3A_188 = arith.select %gt3A_181, %broadcast_in_dim3A_162, %select_n3A_160 : vector<16xi1>, vector<16xi32>
      %broadcast_in_dim3A_189 = arith.constant 6 : i32
      %broadcast_in_dim3A_190 = vector.broadcast %broadcast_in_dim3A_189 : i32 to vector<16xi32>
      %get3A_191 = arith.constant 6 : i32
      %get3A_192 = arith.index_cast %get3A_191 : i32 to index
      %get3A_193 = arith.index_cast %mul3A_14 : i32 to index
      %get3A_194 = tpu.vector_load %arg5[%get3A_192, %get3A_193] {strides = array<i32>} : memref<64x256xf32, #tpu.memory_space<vmem>>, vector<1x16xf32>,
      %get3A_195 = vector.shape_cast %get3A_194 : vector<1x16xf32> to vector<16xf32>
      %gt3A_196 = arith.cmpf ogt, %get3A_195, %select_n3A_174 : vector<16xf32>
      %gt3A_197 = arith.cmpf ogt, %get3A_195, %select_n3A_171 : vector<16xf32>
      %select_n3A_198 = arith.select %gt3A_197, %get3A_195, %select_n3A_171 : vector<16xi1>, vector<16xf32>
      %select_n3A_199 = arith.select %gt3A_196, %select_n3A_174, %select_n3A_198 : vector<16xi1>, vector<16xf32>
      %select_n3A_200 = arith.select %gt3A_197, %broadcast_in_dim3A_190, %select_n3A_173 : vector<16xi1>, vector<16xi32>
      %select_n3A_201 = arith.select %gt3A_196, %select_n3A_175, %select_n3A_200 : vector<16xi1>, vector<16xi32>
      %select_n3A_202 = arith.select %gt3A_196, %get3A_195, %select_n3A_174 : vector<16xi1>, vector<16xf32>
      %select_n3A_203 = arith.select %gt3A_196, %broadcast_in_dim3A_190, %select_n3A_175 : vector<16xi1>, vector<16xi32>
      %get3A_204 = arith.constant 6 : i32
      %get3A_205 = arith.index_cast %get3A_204 : i32 to index
      %get3A_206 = arith.index_cast %mul3A_20 : i32 to index
      %get3A_207 = tpu.vector_load %arg5[%get3A_205, %get3A_206] {strides = array<i32>} : memref<64x256xf32, #tpu.memory_space<vmem>>, vector<1x16xf32>,
      %get3A_208 = vector.shape_cast %get3A_207 : vector<1x16xf32> to vector<16xf32>
      %gt3A_209 = arith.cmpf ogt, %get3A_208, %select_n3A_187 : vector<16xf32>
      %gt3A_210 = arith.cmpf ogt, %get3A_208, %select_n3A_184 : vector<16xf32>
      %select_n3A_211 = arith.select %gt3A_210, %get3A_208, %select_n3A_184 : vector<16xi1>, vector<16xf32>
      %select_n3A_212 = arith.select %gt3A_209, %select_n3A_187, %select_n3A_211 : vector<16xi1>, vector<16xf32>
      %select_n3A_213 = arith.select %gt3A_210, %broadcast_in_dim3A_190, %select_n3A_186 : vector<16xi1>, vector<16xi32>
      %select_n3A_214 = arith.select %gt3A_209, %select_n3A_188, %select_n3A_213 : vector<16xi1>, vector<16xi32>
      %select_n3A_215 = arith.select %gt3A_209, %get3A_208, %select_n3A_187 : vector<16xi1>, vector<16xf32>
      %select_n3A_216 = arith.select %gt3A_209, %broadcast_in_dim3A_190, %select_n3A_188 : vector<16xi1>, vector<16xi32>
      %broadcast_in_dim3A_217 = arith.constant 7 : i32
      %broadcast_in_dim3A_218 = vector.broadcast %broadcast_in_dim3A_217 : i32 to vector<16xi32>
      %get3A_219 = arith.constant 7 : i32
      %get3A_220 = arith.index_cast %get3A_219 : i32 to index
      %get3A_221 = arith.index_cast %mul3A_14 : i32 to index
      %get3A_222 = tpu.vector_load %arg5[%get3A_220, %get3A_221] {strides = array<i32>} : memref<64x256xf32, #tpu.memory_space<vmem>>, vector<1x16xf32>,
      %get3A_223 = vector.shape_cast %get3A_222 : vector<1x16xf32> to vector<16xf32>
      %gt3A_224 = arith.cmpf ogt, %get3A_223, %select_n3A_202 : vector<16xf32>
      %gt3A_225 = arith.cmpf ogt, %get3A_223, %select_n3A_199 : vector<16xf32>
      %select_n3A_226 = arith.select %gt3A_225, %get3A_223, %select_n3A_199 : vector<16xi1>, vector<16xf32>
      %select_n3A_227 = arith.select %gt3A_224, %select_n3A_202, %select_n3A_226 : vector<16xi1>, vector<16xf32>
      %select_n3A_228 = arith.select %gt3A_225, %broadcast_in_dim3A_218, %select_n3A_201 : vector<16xi1>, vector<16xi32>
      %select_n3A_229 = arith.select %gt3A_224, %select_n3A_203, %select_n3A_228 : vector<16xi1>, vector<16xi32>
      %select_n3A_230 = arith.select %gt3A_224, %get3A_223, %select_n3A_202 : vector<16xi1>, vector<16xf32>
      %select_n3A_231 = arith.select %gt3A_224, %broadcast_in_dim3A_218, %select_n3A_203 : vector<16xi1>, vector<16xi32>
      %get3A_232 = arith.constant 7 : i32
      %get3A_233 = arith.index_cast %get3A_232 : i32 to index
      %get3A_234 = arith.index_cast %mul3A_20 : i32 to index
      %get3A_235 = tpu.vector_load %arg5[%get3A_233, %get3A_234] {strides = array<i32>} : memref<64x256xf32, #tpu.memory_space<vmem>>, vector<1x16xf32>,
      %get3A_236 = vector.shape_cast %get3A_235 : vector<1x16xf32> to vector<16xf32>
      %gt3A_237 = arith.cmpf ogt, %get3A_236, %select_n3A_215 : vector<16xf32>
      %gt3A_238 = arith.cmpf ogt, %get3A_236, %select_n3A_212 : vector<16xf32>
      %select_n3A_239 = arith.select %gt3A_238, %get3A_236, %select_n3A_212 : vector<16xi1>, vector<16xf32>
      %select_n3A_240 = arith.select %gt3A_237, %select_n3A_215, %select_n3A_239 : vector<16xi1>, vector<16xf32>
      %select_n3A_241 = arith.select %gt3A_238, %broadcast_in_dim3A_218, %select_n3A_214 : vector<16xi1>, vector<16xi32>
      %select_n3A_242 = arith.select %gt3A_237, %select_n3A_216, %select_n3A_241 : vector<16xi1>, vector<16xi32>
      %select_n3A_243 = arith.select %gt3A_237, %get3A_236, %select_n3A_215 : vector<16xi1>, vector<16xf32>
      %select_n3A_244 = arith.select %gt3A_237, %broadcast_in_dim3A_218, %select_n3A_216 : vector<16xi1>, vector<16xi32>
      %broadcast_in_dim3A_245 = arith.constant 8 : i32
      %broadcast_in_dim3A_246 = vector.broadcast %broadcast_in_dim3A_245 : i32 to vector<16xi32>
      %get3A_247 = arith.constant 8 : i32
      %get3A_248 = arith.index_cast %get3A_247 : i32 to index
      %get3A_249 = arith.index_cast %mul3A_14 : i32 to index
      %get3A_250 = tpu.vector_load %arg5[%get3A_248, %get3A_249] {strides = array<i32>} : memref<64x256xf32, #tpu.memory_space<vmem>>, vector<1x16xf32>,
      %get3A_251 = vector.shape_cast %get3A_250 : vector<1x16xf32> to vector<16xf32>
      %gt3A_252 = arith.cmpf ogt, %get3A_251, %select_n3A_230 : vector<16xf32>
      %gt3A_253 = arith.cmpf ogt, %get3A_251, %select_n3A_227 : vector<16xf32>
      %select_n3A_254 = arith.select %gt3A_253, %get3A_251, %select_n3A_227 : vector<16xi1>, vector<16xf32>
      %select_n3A_255 = arith.select %gt3A_252, %select_n3A_230, %select_n3A_254 : vector<16xi1>, vector<16xf32>
      %select_n3A_256 = arith.select %gt3A_253, %broadcast_in_dim3A_246, %select_n3A_229 : vector<16xi1>, vector<16xi32>
      %select_n3A_257 = arith.select %gt3A_252, %select_n3A_231, %select_n3A_256 : vector<16xi1>, vector<16xi32>
      %select_n3A_258 = arith.select %gt3A_252, %get3A_251, %select_n3A_230 : vector<16xi1>, vector<16xf32>
      %select_n3A_259 = arith.select %gt3A_252, %broadcast_in_dim3A_246, %select_n3A_231 : vector<16xi1>, vector<16xi32>
      %get3A_260 = arith.constant 8 : i32
      %get3A_261 = arith.index_cast %get3A_260 : i32 to index
      %get3A_262 = arith.index_cast %mul3A_20 : i32 to index
      %get3A_263 = tpu.vector_load %arg5[%get3A_261, %get3A_262] {strides = array<i32>} : memref<64x256xf32, #tpu.memory_space<vmem>>, vector<1x16xf32>,
      %get3A_264 = vector.shape_cast %get3A_263 : vector<1x16xf32> to vector<16xf32>
      %gt3A_265 = arith.cmpf ogt, %get3A_264, %select_n3A_243 : vector<16xf32>
      %gt3A_266 = arith.cmpf ogt, %get3A_264, %select_n3A_240 : vector<16xf32>
      %select_n3A_267 = arith.select %gt3A_266, %get3A_264, %select_n3A_240 : vector<16xi1>, vector<16xf32>
      %select_n3A_268 = arith.select %gt3A_265, %select_n3A_243, %select_n3A_267 : vector<16xi1>, vector<16xf32>
      %select_n3A_269 = arith.select %gt3A_266, %broadcast_in_dim3A_246, %select_n3A_242 : vector<16xi1>, vector<16xi32>
      %select_n3A_270 = arith.select %gt3A_265, %select_n3A_244, %select_n3A_269 : vector<16xi1>, vector<16xi32>
      %select_n3A_271 = arith.select %gt3A_265, %get3A_264, %select_n3A_243 : vector<16xi1>, vector<16xf32>
      %select_n3A_272 = arith.select %gt3A_265, %broadcast_in_dim3A_246, %select_n3A_244 : vector<16xi1>, vector<16xi32>
      %broadcast_in_dim3A_273 = arith.constant 9 : i32
      %broadcast_in_dim3A_274 = vector.broadcast %broadcast_in_dim3A_273 : i32 to vector<16xi32>
      %get3A_275 = arith.constant 9 : i32
      %get3A_276 = arith.index_cast %get3A_275 : i32 to index
      %get3A_277 = arith.index_cast %mul3A_14 : i32 to index
      %get3A_278 = tpu.vector_load %arg5[%get3A_276, %get3A_277] {strides = array<i32>} : memref<64x256xf32, #tpu.memory_space<vmem>>, vector<1x16xf32>,
      %get3A_279 = vector.shape_cast %get3A_278 : vector<1x16xf32> to vector<16xf32>
      %gt3A_280 = arith.cmpf ogt, %get3A_279, %select_n3A_258 : vector<16xf32>
      %gt3A_281 = arith.cmpf ogt, %get3A_279, %select_n3A_255 : vector<16xf32>
      %select_n3A_282 = arith.select %gt3A_281, %get3A_279, %select_n3A_255 : vector<16xi1>, vector<16xf32>
      %select_n3A_283 = arith.select %gt3A_280, %select_n3A_258, %select_n3A_282 : vector<16xi1>, vector<16xf32>
      %select_n3A_284 = arith.select %gt3A_281, %broadcast_in_dim3A_274, %select_n3A_257 : vector<16xi1>, vector<16xi32>
      %select_n3A_285 = arith.select %gt3A_280, %select_n3A_259, %select_n3A_284 : vector<16xi1>, vector<16xi32>
      %select_n3A_286 = arith.select %gt3A_280, %get3A_279, %select_n3A_258 : vector<16xi1>, vector<16xf32>
      %select_n3A_287 = arith.select %gt3A_280, %broadcast_in_dim3A_274, %select_n3A_259 : vector<16xi1>, vector<16xi32>
      %get3A_288 = arith.constant 9 : i32
      %get3A_289 = arith.index_cast %get3A_288 : i32 to index
      %get3A_290 = arith.index_cast %mul3A_20 : i32 to index
      %get3A_291 = tpu.vector_load %arg5[%get3A_289, %get3A_290] {strides = array<i32>} : memref<64x256xf32, #tpu.memory_space<vmem>>, vector<1x16xf32>,
      %get3A_292 = vector.shape_cast %get3A_291 : vector<1x16xf32> to vector<16xf32>
      %gt3A_293 = arith.cmpf ogt, %get3A_292, %select_n3A_271 : vector<16xf32>
      %gt3A_294 = arith.cmpf ogt, %get3A_292, %select_n3A_268 : vector<16xf32>
      %select_n3A_295 = arith.select %gt3A_294, %get3A_292, %select_n3A_268 : vector<16xi1>, vector<16xf32>
      %select_n3A_296 = arith.select %gt3A_293, %select_n3A_271, %select_n3A_295 : vector<16xi1>, vector<16xf32>
      %select_n3A_297 = arith.select %gt3A_294, %broadcast_in_dim3A_274, %select_n3A_270 : vector<16xi1>, vector<16xi32>
      %select_n3A_298 = arith.select %gt3A_293, %select_n3A_272, %select_n3A_297 : vector<16xi1>, vector<16xi32>
      %select_n3A_299 = arith.select %gt3A_293, %get3A_292, %select_n3A_271 : vector<16xi1>, vector<16xf32>
      %select_n3A_300 = arith.select %gt3A_293, %broadcast_in_dim3A_274, %select_n3A_272 : vector<16xi1>, vector<16xi32>
      %broadcast_in_dim3A_301 = arith.constant 10 : i32
      %broadcast_in_dim3A_302 = vector.broadcast %broadcast_in_dim3A_301 : i32 to vector<16xi32>
      %get3A_303 = arith.constant 10 : i32
      %get3A_304 = arith.index_cast %get3A_303 : i32 to index
      %get3A_305 = arith.index_cast %mul3A_14 : i32 to index
      %get3A_306 = tpu.vector_load %arg5[%get3A_304, %get3A_305] {strides = array<i32>} : memref<64x256xf32, #tpu.memory_space<vmem>>, vector<1x16xf32>,
      %get3A_307 = vector.shape_cast %get3A_306 : vector<1x16xf32> to vector<16xf32>
      %gt3A_308 = arith.cmpf ogt, %get3A_307, %select_n3A_286 : vector<16xf32>
      %gt3A_309 = arith.cmpf ogt, %get3A_307, %select_n3A_283 : vector<16xf32>
      %select_n3A_310 = arith.select %gt3A_309, %get3A_307, %select_n3A_283 : vector<16xi1>, vector<16xf32>
      %select_n3A_311 = arith.select %gt3A_308, %select_n3A_286, %select_n3A_310 : vector<16xi1>, vector<16xf32>
      %select_n3A_312 = arith.select %gt3A_309, %broadcast_in_dim3A_302, %select_n3A_285 : vector<16xi1>, vector<16xi32>
      %select_n3A_313 = arith.select %gt3A_308, %select_n3A_287, %select_n3A_312 : vector<16xi1>, vector<16xi32>
      %select_n3A_314 = arith.select %gt3A_308, %get3A_307, %select_n3A_286 : vector<16xi1>, vector<16xf32>
      %select_n3A_315 = arith.select %gt3A_308, %broadcast_in_dim3A_302, %select_n3A_287 : vector<16xi1>, vector<16xi32>
      %get3A_316 = arith.constant 10 : i32
      %get3A_317 = arith.index_cast %get3A_316 : i32 to index
      %get3A_318 = arith.index_cast %mul3A_20 : i32 to index
      %get3A_319 = tpu.vector_load %arg5[%get3A_317, %get3A_318] {strides = array<i32>} : memref<64x256xf32, #tpu.memory_space<vmem>>, vector<1x16xf32>,
      %get3A_320 = vector.shape_cast %get3A_319 : vector<1x16xf32> to vector<16xf32>
      %gt3A_321 = arith.cmpf ogt, %get3A_320, %select_n3A_299 : vector<16xf32>
      %gt3A_322 = arith.cmpf ogt, %get3A_320, %select_n3A_296 : vector<16xf32>
      %select_n3A_323 = arith.select %gt3A_322, %get3A_320, %select_n3A_296 : vector<16xi1>, vector<16xf32>
      %select_n3A_324 = arith.select %gt3A_321, %select_n3A_299, %select_n3A_323 : vector<16xi1>, vector<16xf32>
      %select_n3A_325 = arith.select %gt3A_322, %broadcast_in_dim3A_302, %select_n3A_298 : vector<16xi1>, vector<16xi32>
      %select_n3A_326 = arith.select %gt3A_321, %select_n3A_300, %select_n3A_325 : vector<16xi1>, vector<16xi32>
      %select_n3A_327 = arith.select %gt3A_321, %get3A_320, %select_n3A_299 : vector<16xi1>, vector<16xf32>
      %select_n3A_328 = arith.select %gt3A_321, %broadcast_in_dim3A_302, %select_n3A_300 : vector<16xi1>, vector<16xi32>
      %broadcast_in_dim3A_329 = arith.constant 11 : i32
      %broadcast_in_dim3A_330 = vector.broadcast %broadcast_in_dim3A_329 : i32 to vector<16xi32>
      %get3A_331 = arith.constant 11 : i32
      %get3A_332 = arith.index_cast %get3A_331 : i32 to index
      %get3A_333 = arith.index_cast %mul3A_14 : i32 to index
      %get3A_334 = tpu.vector_load %arg5[%get3A_332, %get3A_333] {strides = array<i32>} : memref<64x256xf32, #tpu.memory_space<vmem>>, vector<1x16xf32>,
      %get3A_335 = vector.shape_cast %get3A_334 : vector<1x16xf32> to vector<16xf32>
      %gt3A_336 = arith.cmpf ogt, %get3A_335, %select_n3A_314 : vector<16xf32>
      %gt3A_337 = arith.cmpf ogt, %get3A_335, %select_n3A_311 : vector<16xf32>
      %select_n3A_338 = arith.select %gt3A_337, %get3A_335, %select_n3A_311 : vector<16xi1>, vector<16xf32>
      %select_n3A_339 = arith.select %gt3A_336, %select_n3A_314, %select_n3A_338 : vector<16xi1>, vector<16xf32>
      %select_n3A_340 = arith.select %gt3A_337, %broadcast_in_dim3A_330, %select_n3A_313 : vector<16xi1>, vector<16xi32>
      %select_n3A_341 = arith.select %gt3A_336, %select_n3A_315, %select_n3A_340 : vector<16xi1>, vector<16xi32>
      %select_n3A_342 = arith.select %gt3A_336, %get3A_335, %select_n3A_314 : vector<16xi1>, vector<16xf32>
      %select_n3A_343 = arith.select %gt3A_336, %broadcast_in_dim3A_330, %select_n3A_315 : vector<16xi1>, vector<16xi32>
      %get3A_344 = arith.constant 11 : i32
      %get3A_345 = arith.index_cast %get3A_344 : i32 to index
      %get3A_346 = arith.index_cast %mul3A_20 : i32 to index
      %get3A_347 = tpu.vector_load %arg5[%get3A_345, %get3A_346] {strides = array<i32>} : memref<64x256xf32, #tpu.memory_space<vmem>>, vector<1x16xf32>,
      %get3A_348 = vector.shape_cast %get3A_347 : vector<1x16xf32> to vector<16xf32>
      %gt3A_349 = arith.cmpf ogt, %get3A_348, %select_n3A_327 : vector<16xf32>
      %gt3A_350 = arith.cmpf ogt, %get3A_348, %select_n3A_324 : vector<16xf32>
      %select_n3A_351 = arith.select %gt3A_350, %get3A_348, %select_n3A_324 : vector<16xi1>, vector<16xf32>
      %select_n3A_352 = arith.select %gt3A_349, %select_n3A_327, %select_n3A_351 : vector<16xi1>, vector<16xf32>
      %select_n3A_353 = arith.select %gt3A_350, %broadcast_in_dim3A_330, %select_n3A_326 : vector<16xi1>, vector<16xi32>
      %select_n3A_354 = arith.select %gt3A_349, %select_n3A_328, %select_n3A_353 : vector<16xi1>, vector<16xi32>
      %select_n3A_355 = arith.select %gt3A_349, %get3A_348, %select_n3A_327 : vector<16xi1>, vector<16xf32>
      %select_n3A_356 = arith.select %gt3A_349, %broadcast_in_dim3A_330, %select_n3A_328 : vector<16xi1>, vector<16xi32>
      %broadcast_in_dim3A_357 = arith.constant 12 : i32
      %broadcast_in_dim3A_358 = vector.broadcast %broadcast_in_dim3A_357 : i32 to vector<16xi32>
      %get3A_359 = arith.constant 12 : i32
      %get3A_360 = arith.index_cast %get3A_359 : i32 to index
      %get3A_361 = arith.index_cast %mul3A_14 : i32 to index
      %get3A_362 = tpu.vector_load %arg5[%get3A_360, %get3A_361] {strides = array<i32>} : memref<64x256xf32, #tpu.memory_space<vmem>>, vector<1x16xf32>,
      %get3A_363 = vector.shape_cast %get3A_362 : vector<1x16xf32> to vector<16xf32>
      %gt3A_364 = arith.cmpf ogt, %get3A_363, %select_n3A_342 : vector<16xf32>
      %gt3A_365 = arith.cmpf ogt, %get3A_363, %select_n3A_339 : vector<16xf32>
      %select_n3A_366 = arith.select %gt3A_365, %get3A_363, %select_n3A_339 : vector<16xi1>, vector<16xf32>
      %select_n3A_367 = arith.select %gt3A_364, %select_n3A_342, %select_n3A_366 : vector<16xi1>, vector<16xf32>
      %select_n3A_368 = arith.select %gt3A_365, %broadcast_in_dim3A_358, %select_n3A_341 : vector<16xi1>, vector<16xi32>
      %select_n3A_369 = arith.select %gt3A_364, %select_n3A_343, %select_n3A_368 : vector<16xi1>, vector<16xi32>
      %select_n3A_370 = arith.select %gt3A_364, %get3A_363, %select_n3A_342 : vector<16xi1>, vector<16xf32>
      %select_n3A_371 = arith.select %gt3A_364, %broadcast_in_dim3A_358, %select_n3A_343 : vector<16xi1>, vector<16xi32>
      %get3A_372 = arith.constant 12 : i32
      %get3A_373 = arith.index_cast %get3A_372 : i32 to index
      %get3A_374 = arith.index_cast %mul3A_20 : i32 to index
      %get3A_375 = tpu.vector_load %arg5[%get3A_373, %get3A_374] {strides = array<i32>} : memref<64x256xf32, #tpu.memory_space<vmem>>, vector<1x16xf32>,
      %get3A_376 = vector.shape_cast %get3A_375 : vector<1x16xf32> to vector<16xf32>
      %gt3A_377 = arith.cmpf ogt, %get3A_376, %select_n3A_355 : vector<16xf32>
      %gt3A_378 = arith.cmpf ogt, %get3A_376, %select_n3A_352 : vector<16xf32>
      %select_n3A_379 = arith.select %gt3A_378, %get3A_376, %select_n3A_352 : vector<16xi1>, vector<16xf32>
      %select_n3A_380 = arith.select %gt3A_377, %select_n3A_355, %select_n3A_379 : vector<16xi1>, vector<16xf32>
      %select_n3A_381 = arith.select %gt3A_378, %broadcast_in_dim3A_358, %select_n3A_354 : vector<16xi1>, vector<16xi32>
      %select_n3A_382 = arith.select %gt3A_377, %select_n3A_356, %select_n3A_381 : vector<16xi1>, vector<16xi32>
      %select_n3A_383 = arith.select %gt3A_377, %get3A_376, %select_n3A_355 : vector<16xi1>, vector<16xf32>
      %select_n3A_384 = arith.select %gt3A_377, %broadcast_in_dim3A_358, %select_n3A_356 : vector<16xi1>, vector<16xi32>
      %broadcast_in_dim3A_385 = arith.constant 13 : i32
      %broadcast_in_dim3A_386 = vector.broadcast %broadcast_in_dim3A_385 : i32 to vector<16xi32>
      %get3A_387 = arith.constant 13 : i32
      %get3A_388 = arith.index_cast %get3A_387 : i32 to index
      %get3A_389 = arith.index_cast %mul3A_14 : i32 to index
      %get3A_390 = tpu.vector_load %arg5[%get3A_388, %get3A_389] {strides = array<i32>} : memref<64x256xf32, #tpu.memory_space<vmem>>, vector<1x16xf32>,
      %get3A_391 = vector.shape_cast %get3A_390 : vector<1x16xf32> to vector<16xf32>
      %gt3A_392 = arith.cmpf ogt, %get3A_391, %select_n3A_370 : vector<16xf32>
      %gt3A_393 = arith.cmpf ogt, %get3A_391, %select_n3A_367 : vector<16xf32>
      %select_n3A_394 = arith.select %gt3A_393, %get3A_391, %select_n3A_367 : vector<16xi1>, vector<16xf32>
      %select_n3A_395 = arith.select %gt3A_392, %select_n3A_370, %select_n3A_394 : vector<16xi1>, vector<16xf32>
      %select_n3A_396 = arith.select %gt3A_393, %broadcast_in_dim3A_386, %select_n3A_369 : vector<16xi1>, vector<16xi32>
      %select_n3A_397 = arith.select %gt3A_392, %select_n3A_371, %select_n3A_396 : vector<16xi1>, vector<16xi32>
      %select_n3A_398 = arith.select %gt3A_392, %get3A_391, %select_n3A_370 : vector<16xi1>, vector<16xf32>
      %select_n3A_399 = arith.select %gt3A_392, %broadcast_in_dim3A_386, %select_n3A_371 : vector<16xi1>, vector<16xi32>
      %get3A_400 = arith.constant 13 : i32
      %get3A_401 = arith.index_cast %get3A_400 : i32 to index
      %get3A_402 = arith.index_cast %mul3A_20 : i32 to index
      %get3A_403 = tpu.vector_load %arg5[%get3A_401, %get3A_402] {strides = array<i32>} : memref<64x256xf32, #tpu.memory_space<vmem>>, vector<1x16xf32>,
      %get3A_404 = vector.shape_cast %get3A_403 : vector<1x16xf32> to vector<16xf32>
      %gt3A_405 = arith.cmpf ogt, %get3A_404, %select_n3A_383 : vector<16xf32>
      %gt3A_406 = arith.cmpf ogt, %get3A_404, %select_n3A_380 : vector<16xf32>
      %select_n3A_407 = arith.select %gt3A_406, %get3A_404, %select_n3A_380 : vector<16xi1>, vector<16xf32>
      %select_n3A_408 = arith.select %gt3A_405, %select_n3A_383, %select_n3A_407 : vector<16xi1>, vector<16xf32>
      %select_n3A_409 = arith.select %gt3A_406, %broadcast_in_dim3A_386, %select_n3A_382 : vector<16xi1>, vector<16xi32>
      %select_n3A_410 = arith.select %gt3A_405, %select_n3A_384, %select_n3A_409 : vector<16xi1>, vector<16xi32>
      %select_n3A_411 = arith.select %gt3A_405, %get3A_404, %select_n3A_383 : vector<16xi1>, vector<16xf32>
      %select_n3A_412 = arith.select %gt3A_405, %broadcast_in_dim3A_386, %select_n3A_384 : vector<16xi1>, vector<16xi32>
      %broadcast_in_dim3A_413 = arith.constant 14 : i32
      %broadcast_in_dim3A_414 = vector.broadcast %broadcast_in_dim3A_413 : i32 to vector<16xi32>
      %get3A_415 = arith.constant 14 : i32
      %get3A_416 = arith.index_cast %get3A_415 : i32 to index
      %get3A_417 = arith.index_cast %mul3A_14 : i32 to index
      %get3A_418 = tpu.vector_load %arg5[%get3A_416, %get3A_417] {strides = array<i32>} : memref<64x256xf32, #tpu.memory_space<vmem>>, vector<1x16xf32>,
      %get3A_419 = vector.shape_cast %get3A_418 : vector<1x16xf32> to vector<16xf32>
      %gt3A_420 = arith.cmpf ogt, %get3A_419, %select_n3A_398 : vector<16xf32>
      %gt3A_421 = arith.cmpf ogt, %get3A_419, %select_n3A_395 : vector<16xf32>
      %select_n3A_422 = arith.select %gt3A_421, %get3A_419, %select_n3A_395 : vector<16xi1>, vector<16xf32>
      %select_n3A_423 = arith.select %gt3A_420, %select_n3A_398, %select_n3A_422 : vector<16xi1>, vector<16xf32>
      %select_n3A_424 = arith.select %gt3A_421, %broadcast_in_dim3A_414, %select_n3A_397 : vector<16xi1>, vector<16xi32>
      %select_n3A_425 = arith.select %gt3A_420, %select_n3A_399, %select_n3A_424 : vector<16xi1>, vector<16xi32>
      %select_n3A_426 = arith.select %gt3A_420, %get3A_419, %select_n3A_398 : vector<16xi1>, vector<16xf32>
      %select_n3A_427 = arith.select %gt3A_420, %broadcast_in_dim3A_414, %select_n3A_399 : vector<16xi1>, vector<16xi32>
      %get3A_428 = arith.constant 14 : i32
      %get3A_429 = arith.index_cast %get3A_428 : i32 to index
      %get3A_430 = arith.index_cast %mul3A_20 : i32 to index
      %get3A_431 = tpu.vector_load %arg5[%get3A_429, %get3A_430] {strides = array<i32>} : memref<64x256xf32, #tpu.memory_space<vmem>>, vector<1x16xf32>,
      %get3A_432 = vector.shape_cast %get3A_431 : vector<1x16xf32> to vector<16xf32>
      %gt3A_433 = arith.cmpf ogt, %get3A_432, %select_n3A_411 : vector<16xf32>
      %gt3A_434 = arith.cmpf ogt, %get3A_432, %select_n3A_408 : vector<16xf32>
      %select_n3A_435 = arith.select %gt3A_434, %get3A_432, %select_n3A_408 : vector<16xi1>, vector<16xf32>
      %select_n3A_436 = arith.select %gt3A_433, %select_n3A_411, %select_n3A_435 : vector<16xi1>, vector<16xf32>
      %select_n3A_437 = arith.select %gt3A_434, %broadcast_in_dim3A_414, %select_n3A_410 : vector<16xi1>, vector<16xi32>
      %select_n3A_438 = arith.select %gt3A_433, %select_n3A_412, %select_n3A_437 : vector<16xi1>, vector<16xi32>
      %select_n3A_439 = arith.select %gt3A_433, %get3A_432, %select_n3A_411 : vector<16xi1>, vector<16xf32>
      %select_n3A_440 = arith.select %gt3A_433, %broadcast_in_dim3A_414, %select_n3A_412 : vector<16xi1>, vector<16xi32>
      %broadcast_in_dim3A_441 = arith.constant 15 : i32
      %broadcast_in_dim3A_442 = vector.broadcast %broadcast_in_dim3A_441 : i32 to vector<16xi32>
      %get3A_443 = arith.constant 15 : i32
      %get3A_444 = arith.index_cast %get3A_443 : i32 to index
      %get3A_445 = arith.index_cast %mul3A_14 : i32 to index
      %get3A_446 = tpu.vector_load %arg5[%get3A_444, %get3A_445] {strides = array<i32>} : memref<64x256xf32, #tpu.memory_space<vmem>>, vector<1x16xf32>,
      %get3A_447 = vector.shape_cast %get3A_446 : vector<1x16xf32> to vector<16xf32>
      %gt3A_448 = arith.cmpf ogt, %get3A_447, %select_n3A_426 : vector<16xf32>
      %gt3A_449 = arith.cmpf ogt, %get3A_447, %select_n3A_423 : vector<16xf32>
      %select_n3A_450 = arith.select %gt3A_449, %get3A_447, %select_n3A_423 : vector<16xi1>, vector<16xf32>
      %select_n3A_451 = arith.select %gt3A_448, %select_n3A_426, %select_n3A_450 : vector<16xi1>, vector<16xf32>
      %select_n3A_452 = arith.select %gt3A_449, %broadcast_in_dim3A_442, %select_n3A_425 : vector<16xi1>, vector<16xi32>
      %select_n3A_453 = arith.select %gt3A_448, %select_n3A_427, %select_n3A_452 : vector<16xi1>, vector<16xi32>
      %select_n3A_454 = arith.select %gt3A_448, %get3A_447, %select_n3A_426 : vector<16xi1>, vector<16xf32>
      %select_n3A_455 = arith.select %gt3A_448, %broadcast_in_dim3A_442, %select_n3A_427 : vector<16xi1>, vector<16xi32>
      %get3A_456 = arith.constant 15 : i32
      %get3A_457 = arith.index_cast %get3A_456 : i32 to index
      %get3A_458 = arith.index_cast %mul3A_20 : i32 to index
      %get3A_459 = tpu.vector_load %arg5[%get3A_457, %get3A_458] {strides = array<i32>} : memref<64x256xf32, #tpu.memory_space<vmem>>, vector<1x16xf32>,
      %get3A_460 = vector.shape_cast %get3A_459 : vector<1x16xf32> to vector<16xf32>
      %gt3A_461 = arith.cmpf ogt, %get3A_460, %select_n3A_439 : vector<16xf32>
      %gt3A_462 = arith.cmpf ogt, %get3A_460, %select_n3A_436 : vector<16xf32>
      %select_n3A_463 = arith.select %gt3A_462, %get3A_460, %select_n3A_436 : vector<16xi1>, vector<16xf32>
      %select_n3A_464 = arith.select %gt3A_461, %select_n3A_439, %select_n3A_463 : vector<16xi1>, vector<16xf32>
      %select_n3A_465 = arith.select %gt3A_462, %broadcast_in_dim3A_442, %select_n3A_438 : vector<16xi1>, vector<16xi32>
      %select_n3A_466 = arith.select %gt3A_461, %select_n3A_440, %select_n3A_465 : vector<16xi1>, vector<16xi32>
      %select_n3A_467 = arith.select %gt3A_461, %get3A_460, %select_n3A_439 : vector<16xi1>, vector<16xf32>
      %select_n3A_468 = arith.select %gt3A_461, %broadcast_in_dim3A_442, %select_n3A_440 : vector<16xi1>, vector<16xi32>
      %broadcast_in_dim3A_469 = arith.constant 16 : i32
      %broadcast_in_dim3A_470 = vector.broadcast %broadcast_in_dim3A_469 : i32 to vector<16xi32>
      %get3A_471 = arith.constant 16 : i32
      %get3A_472 = arith.index_cast %get3A_471 : i32 to index
      %get3A_473 = arith.index_cast %mul3A_14 : i32 to index
      %get3A_474 = tpu.vector_load %arg5[%get3A_472, %get3A_473] {strides = array<i32>} : memref<64x256xf32, #tpu.memory_space<vmem>>, vector<1x16xf32>,
      %get3A_475 = vector.shape_cast %get3A_474 : vector<1x16xf32> to vector<16xf32>
      %gt3A_476 = arith.cmpf ogt, %get3A_475, %select_n3A_454 : vector<16xf32>
      %gt3A_477 = arith.cmpf ogt, %get3A_475, %select_n3A_451 : vector<16xf32>
      %select_n3A_478 = arith.select %gt3A_477, %get3A_475, %select_n3A_451 : vector<16xi1>, vector<16xf32>
      %select_n3A_479 = arith.select %gt3A_476, %select_n3A_454, %select_n3A_478 : vector<16xi1>, vector<16xf32>
      %select_n3A_480 = arith.select %gt3A_477, %broadcast_in_dim3A_470, %select_n3A_453 : vector<16xi1>, vector<16xi32>
      %select_n3A_481 = arith.select %gt3A_476, %select_n3A_455, %select_n3A_480 : vector<16xi1>, vector<16xi32>
      %select_n3A_482 = arith.select %gt3A_476, %get3A_475, %select_n3A_454 : vector<16xi1>, vector<16xf32>
      %select_n3A_483 = arith.select %gt3A_476, %broadcast_in_dim3A_470, %select_n3A_455 : vector<16xi1>, vector<16xi32>
      %get3A_484 = arith.constant 16 : i32
      %get3A_485 = arith.index_cast %get3A_484 : i32 to index
      %get3A_486 = arith.index_cast %mul3A_20 : i32 to index
      %get3A_487 = tpu.vector_load %arg5[%get3A_485, %get3A_486] {strides = array<i32>} : memref<64x256xf32, #tpu.memory_space<vmem>>, vector<1x16xf32>,
      %get3A_488 = vector.shape_cast %get3A_487 : vector<1x16xf32> to vector<16xf32>
      %gt3A_489 = arith.cmpf ogt, %get3A_488, %select_n3A_467 : vector<16xf32>
      %gt3A_490 = arith.cmpf ogt, %get3A_488, %select_n3A_464 : vector<16xf32>
      %select_n3A_491 = arith.select %gt3A_490, %get3A_488, %select_n3A_464 : vector<16xi1>, vector<16xf32>
      %select_n3A_492 = arith.select %gt3A_489, %select_n3A_467, %select_n3A_491 : vector<16xi1>, vector<16xf32>
      %select_n3A_493 = arith.select %gt3A_490, %broadcast_in_dim3A_470, %select_n3A_466 : vector<16xi1>, vector<16xi32>
      %select_n3A_494 = arith.select %gt3A_489, %select_n3A_468, %select_n3A_493 : vector<16xi1>, vector<16xi32>
      %select_n3A_495 = arith.select %gt3A_489, %get3A_488, %select_n3A_467 : vector<16xi1>, vector<16xf32>
      %select_n3A_496 = arith.select %gt3A_489, %broadcast_in_dim3A_470, %select_n3A_468 : vector<16xi1>, vector<16xi32>
      %broadcast_in_dim3A_497 = arith.constant 17 : i32
      %broadcast_in_dim3A_498 = vector.broadcast %broadcast_in_dim3A_497 : i32 to vector<16xi32>
      %get3A_499 = arith.constant 17 : i32
      %get3A_500 = arith.index_cast %get3A_499 : i32 to index
      %get3A_501 = arith.index_cast %mul3A_14 : i32 to index
      %get3A_502 = tpu.vector_load %arg5[%get3A_500, %get3A_501] {strides = array<i32>} : memref<64x256xf32, #tpu.memory_space<vmem>>, vector<1x16xf32>,
      %get3A_503 = vector.shape_cast %get3A_502 : vector<1x16xf32> to vector<16xf32>
      %gt3A_504 = arith.cmpf ogt, %get3A_503, %select_n3A_482 : vector<16xf32>
      %gt3A_505 = arith.cmpf ogt, %get3A_503, %select_n3A_479 : vector<16xf32>
      %select_n3A_506 = arith.select %gt3A_505, %get3A_503, %select_n3A_479 : vector<16xi1>, vector<16xf32>
      %select_n3A_507 = arith.select %gt3A_504, %select_n3A_482, %select_n3A_506 : vector<16xi1>, vector<16xf32>
      %select_n3A_508 = arith.select %gt3A_505, %broadcast_in_dim3A_498, %select_n3A_481 : vector<16xi1>, vector<16xi32>
      %select_n3A_509 = arith.select %gt3A_504, %select_n3A_483, %select_n3A_508 : vector<16xi1>, vector<16xi32>
      %select_n3A_510 = arith.select %gt3A_504, %get3A_503, %select_n3A_482 : vector<16xi1>, vector<16xf32>
      %select_n3A_511 = arith.select %gt3A_504, %broadcast_in_dim3A_498, %select_n3A_483 : vector<16xi1>, vector<16xi32>
      %get3A_512 = arith.constant 17 : i32
      %get3A_513 = arith.index_cast %get3A_512 : i32 to index
      %get3A_514 = arith.index_cast %mul3A_20 : i32 to index
      %get3A_515 = tpu.vector_load %arg5[%get3A_513, %get3A_514] {strides = array<i32>} : memref<64x256xf32, #tpu.memory_space<vmem>>, vector<1x16xf32>,
      %get3A_516 = vector.shape_cast %get3A_515 : vector<1x16xf32> to vector<16xf32>
      %gt3A_517 = arith.cmpf ogt, %get3A_516, %select_n3A_495 : vector<16xf32>
      %gt3A_518 = arith.cmpf ogt, %get3A_516, %select_n3A_492 : vector<16xf32>
      %select_n3A_519 = arith.select %gt3A_518, %get3A_516, %select_n3A_492 : vector<16xi1>, vector<16xf32>
      %select_n3A_520 = arith.select %gt3A_517, %select_n3A_495, %select_n3A_519 : vector<16xi1>, vector<16xf32>
      %select_n3A_521 = arith.select %gt3A_518, %broadcast_in_dim3A_498, %select_n3A_494 : vector<16xi1>, vector<16xi32>
      %select_n3A_522 = arith.select %gt3A_517, %select_n3A_496, %select_n3A_521 : vector<16xi1>, vector<16xi32>
      %select_n3A_523 = arith.select %gt3A_517, %get3A_516, %select_n3A_495 : vector<16xi1>, vector<16xf32>
      %select_n3A_524 = arith.select %gt3A_517, %broadcast_in_dim3A_498, %select_n3A_496 : vector<16xi1>, vector<16xi32>
      %broadcast_in_dim3A_525 = arith.constant 18 : i32
      %broadcast_in_dim3A_526 = vector.broadcast %broadcast_in_dim3A_525 : i32 to vector<16xi32>
      %get3A_527 = arith.constant 18 : i32
      %get3A_528 = arith.index_cast %get3A_527 : i32 to index
      %get3A_529 = arith.index_cast %mul3A_14 : i32 to index
      %get3A_530 = tpu.vector_load %arg5[%get3A_528, %get3A_529] {strides = array<i32>} : memref<64x256xf32, #tpu.memory_space<vmem>>, vector<1x16xf32>,
      %get3A_531 = vector.shape_cast %get3A_530 : vector<1x16xf32> to vector<16xf32>
      %gt3A_532 = arith.cmpf ogt, %get3A_531, %select_n3A_510 : vector<16xf32>
      %gt3A_533 = arith.cmpf ogt, %get3A_531, %select_n3A_507 : vector<16xf32>
      %select_n3A_534 = arith.select %gt3A_533, %get3A_531, %select_n3A_507 : vector<16xi1>, vector<16xf32>
      %select_n3A_535 = arith.select %gt3A_532, %select_n3A_510, %select_n3A_534 : vector<16xi1>, vector<16xf32>
      %select_n3A_536 = arith.select %gt3A_533, %broadcast_in_dim3A_526, %select_n3A_509 : vector<16xi1>, vector<16xi32>
      %select_n3A_537 = arith.select %gt3A_532, %select_n3A_511, %select_n3A_536 : vector<16xi1>, vector<16xi32>
      %select_n3A_538 = arith.select %gt3A_532, %get3A_531, %select_n3A_510 : vector<16xi1>, vector<16xf32>
      %select_n3A_539 = arith.select %gt3A_532, %broadcast_in_dim3A_526, %select_n3A_511 : vector<16xi1>, vector<16xi32>
      %get3A_540 = arith.constant 18 : i32
      %get3A_541 = arith.index_cast %get3A_540 : i32 to index
      %get3A_542 = arith.index_cast %mul3A_20 : i32 to index
      %get3A_543 = tpu.vector_load %arg5[%get3A_541, %get3A_542] {strides = array<i32>} : memref<64x256xf32, #tpu.memory_space<vmem>>, vector<1x16xf32>,
      %get3A_544 = vector.shape_cast %get3A_543 : vector<1x16xf32> to vector<16xf32>
      %gt3A_545 = arith.cmpf ogt, %get3A_544, %select_n3A_523 : vector<16xf32>
      %gt3A_546 = arith.cmpf ogt, %get3A_544, %select_n3A_520 : vector<16xf32>
      %select_n3A_547 = arith.select %gt3A_546, %get3A_544, %select_n3A_520 : vector<16xi1>, vector<16xf32>
      %select_n3A_548 = arith.select %gt3A_545, %select_n3A_523, %select_n3A_547 : vector<16xi1>, vector<16xf32>
      %select_n3A_549 = arith.select %gt3A_546, %broadcast_in_dim3A_526, %select_n3A_522 : vector<16xi1>, vector<16xi32>
      %select_n3A_550 = arith.select %gt3A_545, %select_n3A_524, %select_n3A_549 : vector<16xi1>, vector<16xi32>
      %select_n3A_551 = arith.select %gt3A_545, %get3A_544, %select_n3A_523 : vector<16xi1>, vector<16xf32>
      %select_n3A_552 = arith.select %gt3A_545, %broadcast_in_dim3A_526, %select_n3A_524 : vector<16xi1>, vector<16xi32>
      %broadcast_in_dim3A_553 = arith.constant 19 : i32
      %broadcast_in_dim3A_554 = vector.broadcast %broadcast_in_dim3A_553 : i32 to vector<16xi32>
      %get3A_555 = arith.constant 19 : i32
      %get3A_556 = arith.index_cast %get3A_555 : i32 to index
      %get3A_557 = arith.index_cast %mul3A_14 : i32 to index
      %get3A_558 = tpu.vector_load %arg5[%get3A_556, %get3A_557] {strides = array<i32>} : memref<64x256xf32, #tpu.memory_space<vmem>>, vector<1x16xf32>,
      %get3A_559 = vector.shape_cast %get3A_558 : vector<1x16xf32> to vector<16xf32>
      %gt3A_560 = arith.cmpf ogt, %get3A_559, %select_n3A_538 : vector<16xf32>
      %gt3A_561 = arith.cmpf ogt, %get3A_559, %select_n3A_535 : vector<16xf32>
      %select_n3A_562 = arith.select %gt3A_561, %get3A_559, %select_n3A_535 : vector<16xi1>, vector<16xf32>
      %select_n3A_563 = arith.select %gt3A_560, %select_n3A_538, %select_n3A_562 : vector<16xi1>, vector<16xf32>
      %select_n3A_564 = arith.select %gt3A_561, %broadcast_in_dim3A_554, %select_n3A_537 : vector<16xi1>, vector<16xi32>
      %select_n3A_565 = arith.select %gt3A_560, %select_n3A_539, %select_n3A_564 : vector<16xi1>, vector<16xi32>
      %select_n3A_566 = arith.select %gt3A_560, %get3A_559, %select_n3A_538 : vector<16xi1>, vector<16xf32>
      %select_n3A_567 = arith.select %gt3A_560, %broadcast_in_dim3A_554, %select_n3A_539 : vector<16xi1>, vector<16xi32>
      %get3A_568 = arith.constant 19 : i32
      %get3A_569 = arith.index_cast %get3A_568 : i32 to index
      %get3A_570 = arith.index_cast %mul3A_20 : i32 to index
      %get3A_571 = tpu.vector_load %arg5[%get3A_569, %get3A_570] {strides = array<i32>} : memref<64x256xf32, #tpu.memory_space<vmem>>, vector<1x16xf32>,
      %get3A_572 = vector.shape_cast %get3A_571 : vector<1x16xf32> to vector<16xf32>
      %gt3A_573 = arith.cmpf ogt, %get3A_572, %select_n3A_551 : vector<16xf32>
      %gt3A_574 = arith.cmpf ogt, %get3A_572, %select_n3A_548 : vector<16xf32>
      %select_n3A_575 = arith.select %gt3A_574, %get3A_572, %select_n3A_548 : vector<16xi1>, vector<16xf32>
      %select_n3A_576 = arith.select %gt3A_573, %select_n3A_551, %select_n3A_575 : vector<16xi1>, vector<16xf32>
      %select_n3A_577 = arith.select %gt3A_574, %broadcast_in_dim3A_554, %select_n3A_550 : vector<16xi1>, vector<16xi32>
      %select_n3A_578 = arith.select %gt3A_573, %select_n3A_552, %select_n3A_577 : vector<16xi1>, vector<16xi32>
      %select_n3A_579 = arith.select %gt3A_573, %get3A_572, %select_n3A_551 : vector<16xi1>, vector<16xf32>
      %select_n3A_580 = arith.select %gt3A_573, %broadcast_in_dim3A_554, %select_n3A_552 : vector<16xi1>, vector<16xi32>
      %broadcast_in_dim3A_581 = arith.constant 20 : i32
      %broadcast_in_dim3A_582 = vector.broadcast %broadcast_in_dim3A_581 : i32 to vector<16xi32>
      %get3A_583 = arith.constant 20 : i32
      %get3A_584 = arith.index_cast %get3A_583 : i32 to index
      %get3A_585 = arith.index_cast %mul3A_14 : i32 to index
      %get3A_586 = tpu.vector_load %arg5[%get3A_584, %get3A_585] {strides = array<i32>} : memref<64x256xf32, #tpu.memory_space<vmem>>, vector<1x16xf32>,
      %get3A_587 = vector.shape_cast %get3A_586 : vector<1x16xf32> to vector<16xf32>
      %gt3A_588 = arith.cmpf ogt, %get3A_587, %select_n3A_566 : vector<16xf32>
      %gt3A_589 = arith.cmpf ogt, %get3A_587, %select_n3A_563 : vector<16xf32>
      %select_n3A_590 = arith.select %gt3A_589, %get3A_587, %select_n3A_563 : vector<16xi1>, vector<16xf32>
      %select_n3A_591 = arith.select %gt3A_588, %select_n3A_566, %select_n3A_590 : vector<16xi1>, vector<16xf32>
      %select_n3A_592 = arith.select %gt3A_589, %broadcast_in_dim3A_582, %select_n3A_565 : vector<16xi1>, vector<16xi32>
      %select_n3A_593 = arith.select %gt3A_588, %select_n3A_567, %select_n3A_592 : vector<16xi1>, vector<16xi32>
      %select_n3A_594 = arith.select %gt3A_588, %get3A_587, %select_n3A_566 : vector<16xi1>, vector<16xf32>
      %select_n3A_595 = arith.select %gt3A_588, %broadcast_in_dim3A_582, %select_n3A_567 : vector<16xi1>, vector<16xi32>
      %get3A_596 = arith.constant 20 : i32
      %get3A_597 = arith.index_cast %get3A_596 : i32 to index
      %get3A_598 = arith.index_cast %mul3A_20 : i32 to index
      %get3A_599 = tpu.vector_load %arg5[%get3A_597, %get3A_598] {strides = array<i32>} : memref<64x256xf32, #tpu.memory_space<vmem>>, vector<1x16xf32>,
      %get3A_600 = vector.shape_cast %get3A_599 : vector<1x16xf32> to vector<16xf32>
      %gt3A_601 = arith.cmpf ogt, %get3A_600, %select_n3A_579 : vector<16xf32>
      %gt3A_602 = arith.cmpf ogt, %get3A_600, %select_n3A_576 : vector<16xf32>
      %select_n3A_603 = arith.select %gt3A_602, %get3A_600, %select_n3A_576 : vector<16xi1>, vector<16xf32>
      %select_n3A_604 = arith.select %gt3A_601, %select_n3A_579, %select_n3A_603 : vector<16xi1>, vector<16xf32>
      %select_n3A_605 = arith.select %gt3A_602, %broadcast_in_dim3A_582, %select_n3A_578 : vector<16xi1>, vector<16xi32>
      %select_n3A_606 = arith.select %gt3A_601, %select_n3A_580, %select_n3A_605 : vector<16xi1>, vector<16xi32>
      %select_n3A_607 = arith.select %gt3A_601, %get3A_600, %select_n3A_579 : vector<16xi1>, vector<16xf32>
      %select_n3A_608 = arith.select %gt3A_601, %broadcast_in_dim3A_582, %select_n3A_580 : vector<16xi1>, vector<16xi32>
      %broadcast_in_dim3A_609 = arith.constant 21 : i32
      %broadcast_in_dim3A_610 = vector.broadcast %broadcast_in_dim3A_609 : i32 to vector<16xi32>
      %get3A_611 = arith.constant 21 : i32
      %get3A_612 = arith.index_cast %get3A_611 : i32 to index
      %get3A_613 = arith.index_cast %mul3A_14 : i32 to index
      %get3A_614 = tpu.vector_load %arg5[%get3A_612, %get3A_613] {strides = array<i32>} : memref<64x256xf32, #tpu.memory_space<vmem>>, vector<1x16xf32>,
      %get3A_615 = vector.shape_cast %get3A_614 : vector<1x16xf32> to vector<16xf32>
      %gt3A_616 = arith.cmpf ogt, %get3A_615, %select_n3A_594 : vector<16xf32>
      %gt3A_617 = arith.cmpf ogt, %get3A_615, %select_n3A_591 : vector<16xf32>
      %select_n3A_618 = arith.select %gt3A_617, %get3A_615, %select_n3A_591 : vector<16xi1>, vector<16xf32>
      %select_n3A_619 = arith.select %gt3A_616, %select_n3A_594, %select_n3A_618 : vector<16xi1>, vector<16xf32>
      %select_n3A_620 = arith.select %gt3A_617, %broadcast_in_dim3A_610, %select_n3A_593 : vector<16xi1>, vector<16xi32>
      %select_n3A_621 = arith.select %gt3A_616, %select_n3A_595, %select_n3A_620 : vector<16xi1>, vector<16xi32>
      %select_n3A_622 = arith.select %gt3A_616, %get3A_615, %select_n3A_594 : vector<16xi1>, vector<16xf32>
      %select_n3A_623 = arith.select %gt3A_616, %broadcast_in_dim3A_610, %select_n3A_595 : vector<16xi1>, vector<16xi32>
      %get3A_624 = arith.constant 21 : i32
      %get3A_625 = arith.index_cast %get3A_624 : i32 to index
      %get3A_626 = arith.index_cast %mul3A_20 : i32 to index
      %get3A_627 = tpu.vector_load %arg5[%get3A_625, %get3A_626] {strides = array<i32>} : memref<64x256xf32, #tpu.memory_space<vmem>>, vector<1x16xf32>,
      %get3A_628 = vector.shape_cast %get3A_627 : vector<1x16xf32> to vector<16xf32>
      %gt3A_629 = arith.cmpf ogt, %get3A_628, %select_n3A_607 : vector<16xf32>
      %gt3A_630 = arith.cmpf ogt, %get3A_628, %select_n3A_604 : vector<16xf32>
      %select_n3A_631 = arith.select %gt3A_630, %get3A_628, %select_n3A_604 : vector<16xi1>, vector<16xf32>
      %select_n3A_632 = arith.select %gt3A_629, %select_n3A_607, %select_n3A_631 : vector<16xi1>, vector<16xf32>
      %select_n3A_633 = arith.select %gt3A_630, %broadcast_in_dim3A_610, %select_n3A_606 : vector<16xi1>, vector<16xi32>
      %select_n3A_634 = arith.select %gt3A_629, %select_n3A_608, %select_n3A_633 : vector<16xi1>, vector<16xi32>
      %select_n3A_635 = arith.select %gt3A_629, %get3A_628, %select_n3A_607 : vector<16xi1>, vector<16xf32>
      %select_n3A_636 = arith.select %gt3A_629, %broadcast_in_dim3A_610, %select_n3A_608 : vector<16xi1>, vector<16xi32>
      %broadcast_in_dim3A_637 = arith.constant 22 : i32
      %broadcast_in_dim3A_638 = vector.broadcast %broadcast_in_dim3A_637 : i32 to vector<16xi32>
      %get3A_639 = arith.constant 22 : i32
      %get3A_640 = arith.index_cast %get3A_639 : i32 to index
      %get3A_641 = arith.index_cast %mul3A_14 : i32 to index
      %get3A_642 = tpu.vector_load %arg5[%get3A_640, %get3A_641] {strides = array<i32>} : memref<64x256xf32, #tpu.memory_space<vmem>>, vector<1x16xf32>,
      %get3A_643 = vector.shape_cast %get3A_642 : vector<1x16xf32> to vector<16xf32>
      %gt3A_644 = arith.cmpf ogt, %get3A_643, %select_n3A_622 : vector<16xf32>
      %gt3A_645 = arith.cmpf ogt, %get3A_643, %select_n3A_619 : vector<16xf32>
      %select_n3A_646 = arith.select %gt3A_645, %get3A_643, %select_n3A_619 : vector<16xi1>, vector<16xf32>
      %select_n3A_647 = arith.select %gt3A_644, %select_n3A_622, %select_n3A_646 : vector<16xi1>, vector<16xf32>
      %select_n3A_648 = arith.select %gt3A_645, %broadcast_in_dim3A_638, %select_n3A_621 : vector<16xi1>, vector<16xi32>
      %select_n3A_649 = arith.select %gt3A_644, %select_n3A_623, %select_n3A_648 : vector<16xi1>, vector<16xi32>
      %select_n3A_650 = arith.select %gt3A_644, %get3A_643, %select_n3A_622 : vector<16xi1>, vector<16xf32>
      %select_n3A_651 = arith.select %gt3A_644, %broadcast_in_dim3A_638, %select_n3A_623 : vector<16xi1>, vector<16xi32>
      %get3A_652 = arith.constant 22 : i32
      %get3A_653 = arith.index_cast %get3A_652 : i32 to index
      %get3A_654 = arith.index_cast %mul3A_20 : i32 to index
      %get3A_655 = tpu.vector_load %arg5[%get3A_653, %get3A_654] {strides = array<i32>} : memref<64x256xf32, #tpu.memory_space<vmem>>, vector<1x16xf32>,
      %get3A_656 = vector.shape_cast %get3A_655 : vector<1x16xf32> to vector<16xf32>
      %gt3A_657 = arith.cmpf ogt, %get3A_656, %select_n3A_635 : vector<16xf32>
      %gt3A_658 = arith.cmpf ogt, %get3A_656, %select_n3A_632 : vector<16xf32>
      %select_n3A_659 = arith.select %gt3A_658, %get3A_656, %select_n3A_632 : vector<16xi1>, vector<16xf32>
      %select_n3A_660 = arith.select %gt3A_657, %select_n3A_635, %select_n3A_659 : vector<16xi1>, vector<16xf32>
      %select_n3A_661 = arith.select %gt3A_658, %broadcast_in_dim3A_638, %select_n3A_634 : vector<16xi1>, vector<16xi32>
      %select_n3A_662 = arith.select %gt3A_657, %select_n3A_636, %select_n3A_661 : vector<16xi1>, vector<16xi32>
      %select_n3A_663 = arith.select %gt3A_657, %get3A_656, %select_n3A_635 : vector<16xi1>, vector<16xf32>
      %select_n3A_664 = arith.select %gt3A_657, %broadcast_in_dim3A_638, %select_n3A_636 : vector<16xi1>, vector<16xi32>
      %broadcast_in_dim3A_665 = arith.constant 23 : i32
      %broadcast_in_dim3A_666 = vector.broadcast %broadcast_in_dim3A_665 : i32 to vector<16xi32>
      %get3A_667 = arith.constant 23 : i32
      %get3A_668 = arith.index_cast %get3A_667 : i32 to index
      %get3A_669 = arith.index_cast %mul3A_14 : i32 to index
      %get3A_670 = tpu.vector_load %arg5[%get3A_668, %get3A_669] {strides = array<i32>} : memref<64x256xf32, #tpu.memory_space<vmem>>, vector<1x16xf32>,
      %get3A_671 = vector.shape_cast %get3A_670 : vector<1x16xf32> to vector<16xf32>
      %gt3A_672 = arith.cmpf ogt, %get3A_671, %select_n3A_650 : vector<16xf32>
      %gt3A_673 = arith.cmpf ogt, %get3A_671, %select_n3A_647 : vector<16xf32>
      %select_n3A_674 = arith.select %gt3A_673, %get3A_671, %select_n3A_647 : vector<16xi1>, vector<16xf32>
      %select_n3A_675 = arith.select %gt3A_672, %select_n3A_650, %select_n3A_674 : vector<16xi1>, vector<16xf32>
      %select_n3A_676 = arith.select %gt3A_673, %broadcast_in_dim3A_666, %select_n3A_649 : vector<16xi1>, vector<16xi32>
      %select_n3A_677 = arith.select %gt3A_672, %select_n3A_651, %select_n3A_676 : vector<16xi1>, vector<16xi32>
      %select_n3A_678 = arith.select %gt3A_672, %get3A_671, %select_n3A_650 : vector<16xi1>, vector<16xf32>
      %select_n3A_679 = arith.select %gt3A_672, %broadcast_in_dim3A_666, %select_n3A_651 : vector<16xi1>, vector<16xi32>
      %get3A_680 = arith.constant 23 : i32
      %get3A_681 = arith.index_cast %get3A_680 : i32 to index
      %get3A_682 = arith.index_cast %mul3A_20 : i32 to index
      %get3A_683 = tpu.vector_load %arg5[%get3A_681, %get3A_682] {strides = array<i32>} : memref<64x256xf32, #tpu.memory_space<vmem>>, vector<1x16xf32>,
      %get3A_684 = vector.shape_cast %get3A_683 : vector<1x16xf32> to vector<16xf32>
      %gt3A_685 = arith.cmpf ogt, %get3A_684, %select_n3A_663 : vector<16xf32>
      %gt3A_686 = arith.cmpf ogt, %get3A_684, %select_n3A_660 : vector<16xf32>
      %select_n3A_687 = arith.select %gt3A_686, %get3A_684, %select_n3A_660 : vector<16xi1>, vector<16xf32>
      %select_n3A_688 = arith.select %gt3A_685, %select_n3A_663, %select_n3A_687 : vector<16xi1>, vector<16xf32>
      %select_n3A_689 = arith.select %gt3A_686, %broadcast_in_dim3A_666, %select_n3A_662 : vector<16xi1>, vector<16xi32>
      %select_n3A_690 = arith.select %gt3A_685, %select_n3A_664, %select_n3A_689 : vector<16xi1>, vector<16xi32>
      %select_n3A_691 = arith.select %gt3A_685, %get3A_684, %select_n3A_663 : vector<16xi1>, vector<16xf32>
      %select_n3A_692 = arith.select %gt3A_685, %broadcast_in_dim3A_666, %select_n3A_664 : vector<16xi1>, vector<16xi32>
      %broadcast_in_dim3A_693 = arith.constant 24 : i32
      %broadcast_in_dim3A_694 = vector.broadcast %broadcast_in_dim3A_693 : i32 to vector<16xi32>
      %get3A_695 = arith.constant 24 : i32
      %get3A_696 = arith.index_cast %get3A_695 : i32 to index
      %get3A_697 = arith.index_cast %mul3A_14 : i32 to index
      %get3A_698 = tpu.vector_load %arg5[%get3A_696, %get3A_697] {strides = array<i32>} : memref<64x256xf32, #tpu.memory_space<vmem>>, vector<1x16xf32>,
      %get3A_699 = vector.shape_cast %get3A_698 : vector<1x16xf32> to vector<16xf32>
      %gt3A_700 = arith.cmpf ogt, %get3A_699, %select_n3A_678 : vector<16xf32>
      %gt3A_701 = arith.cmpf ogt, %get3A_699, %select_n3A_675 : vector<16xf32>
      %select_n3A_702 = arith.select %gt3A_701, %get3A_699, %select_n3A_675 : vector<16xi1>, vector<16xf32>
      %select_n3A_703 = arith.select %gt3A_700, %select_n3A_678, %select_n3A_702 : vector<16xi1>, vector<16xf32>
      %select_n3A_704 = arith.select %gt3A_701, %broadcast_in_dim3A_694, %select_n3A_677 : vector<16xi1>, vector<16xi32>
      %select_n3A_705 = arith.select %gt3A_700, %select_n3A_679, %select_n3A_704 : vector<16xi1>, vector<16xi32>
      %select_n3A_706 = arith.select %gt3A_700, %get3A_699, %select_n3A_678 : vector<16xi1>, vector<16xf32>
      %select_n3A_707 = arith.select %gt3A_700, %broadcast_in_dim3A_694, %select_n3A_679 : vector<16xi1>, vector<16xi32>
      %get3A_708 = arith.constant 24 : i32
      %get3A_709 = arith.index_cast %get3A_708 : i32 to index
      %get3A_710 = arith.index_cast %mul3A_20 : i32 to index
      %get3A_711 = tpu.vector_load %arg5[%get3A_709, %get3A_710] {strides = array<i32>} : memref<64x256xf32, #tpu.memory_space<vmem>>, vector<1x16xf32>,
      %get3A_712 = vector.shape_cast %get3A_711 : vector<1x16xf32> to vector<16xf32>
      %gt3A_713 = arith.cmpf ogt, %get3A_712, %select_n3A_691 : vector<16xf32>
      %gt3A_714 = arith.cmpf ogt, %get3A_712, %select_n3A_688 : vector<16xf32>
      %select_n3A_715 = arith.select %gt3A_714, %get3A_712, %select_n3A_688 : vector<16xi1>, vector<16xf32>
      %select_n3A_716 = arith.select %gt3A_713, %select_n3A_691, %select_n3A_715 : vector<16xi1>, vector<16xf32>
      %select_n3A_717 = arith.select %gt3A_714, %broadcast_in_dim3A_694, %select_n3A_690 : vector<16xi1>, vector<16xi32>
      %select_n3A_718 = arith.select %gt3A_713, %select_n3A_692, %select_n3A_717 : vector<16xi1>, vector<16xi32>
      %select_n3A_719 = arith.select %gt3A_713, %get3A_712, %select_n3A_691 : vector<16xi1>, vector<16xf32>
      %select_n3A_720 = arith.select %gt3A_713, %broadcast_in_dim3A_694, %select_n3A_692 : vector<16xi1>, vector<16xi32>
      %broadcast_in_dim3A_721 = arith.constant 25 : i32
      %broadcast_in_dim3A_722 = vector.broadcast %broadcast_in_dim3A_721 : i32 to vector<16xi32>
      %get3A_723 = arith.constant 25 : i32
      %get3A_724 = arith.index_cast %get3A_723 : i32 to index
      %get3A_725 = arith.index_cast %mul3A_14 : i32 to index
      %get3A_726 = tpu.vector_load %arg5[%get3A_724, %get3A_725] {strides = array<i32>} : memref<64x256xf32, #tpu.memory_space<vmem>>, vector<1x16xf32>,
      %get3A_727 = vector.shape_cast %get3A_726 : vector<1x16xf32> to vector<16xf32>
      %gt3A_728 = arith.cmpf ogt, %get3A_727, %select_n3A_706 : vector<16xf32>
      %gt3A_729 = arith.cmpf ogt, %get3A_727, %select_n3A_703 : vector<16xf32>
      %select_n3A_730 = arith.select %gt3A_729, %get3A_727, %select_n3A_703 : vector<16xi1>, vector<16xf32>
      %select_n3A_731 = arith.select %gt3A_728, %select_n3A_706, %select_n3A_730 : vector<16xi1>, vector<16xf32>
      %select_n3A_732 = arith.select %gt3A_729, %broadcast_in_dim3A_722, %select_n3A_705 : vector<16xi1>, vector<16xi32>
      %select_n3A_733 = arith.select %gt3A_728, %select_n3A_707, %select_n3A_732 : vector<16xi1>, vector<16xi32>
      %select_n3A_734 = arith.select %gt3A_728, %get3A_727, %select_n3A_706 : vector<16xi1>, vector<16xf32>
      %select_n3A_735 = arith.select %gt3A_728, %broadcast_in_dim3A_722, %select_n3A_707 : vector<16xi1>, vector<16xi32>
      %get3A_736 = arith.constant 25 : i32
      %get3A_737 = arith.index_cast %get3A_736 : i32 to index
      %get3A_738 = arith.index_cast %mul3A_20 : i32 to index
      %get3A_739 = tpu.vector_load %arg5[%get3A_737, %get3A_738] {strides = array<i32>} : memref<64x256xf32, #tpu.memory_space<vmem>>, vector<1x16xf32>,
      %get3A_740 = vector.shape_cast %get3A_739 : vector<1x16xf32> to vector<16xf32>
      %gt3A_741 = arith.cmpf ogt, %get3A_740, %select_n3A_719 : vector<16xf32>
      %gt3A_742 = arith.cmpf ogt, %get3A_740, %select_n3A_716 : vector<16xf32>
      %select_n3A_743 = arith.select %gt3A_742, %get3A_740, %select_n3A_716 : vector<16xi1>, vector<16xf32>
      %select_n3A_744 = arith.select %gt3A_741, %select_n3A_719, %select_n3A_743 : vector<16xi1>, vector<16xf32>
      %select_n3A_745 = arith.select %gt3A_742, %broadcast_in_dim3A_722, %select_n3A_718 : vector<16xi1>, vector<16xi32>
      %select_n3A_746 = arith.select %gt3A_741, %select_n3A_720, %select_n3A_745 : vector<16xi1>, vector<16xi32>
      %select_n3A_747 = arith.select %gt3A_741, %get3A_740, %select_n3A_719 : vector<16xi1>, vector<16xf32>
      %select_n3A_748 = arith.select %gt3A_741, %broadcast_in_dim3A_722, %select_n3A_720 : vector<16xi1>, vector<16xi32>
      %broadcast_in_dim3A_749 = arith.constant 26 : i32
      %broadcast_in_dim3A_750 = vector.broadcast %broadcast_in_dim3A_749 : i32 to vector<16xi32>
      %get3A_751 = arith.constant 26 : i32
      %get3A_752 = arith.index_cast %get3A_751 : i32 to index
      %get3A_753 = arith.index_cast %mul3A_14 : i32 to index
      %get3A_754 = tpu.vector_load %arg5[%get3A_752, %get3A_753] {strides = array<i32>} : memref<64x256xf32, #tpu.memory_space<vmem>>, vector<1x16xf32>,
      %get3A_755 = vector.shape_cast %get3A_754 : vector<1x16xf32> to vector<16xf32>
      %gt3A_756 = arith.cmpf ogt, %get3A_755, %select_n3A_734 : vector<16xf32>
      %gt3A_757 = arith.cmpf ogt, %get3A_755, %select_n3A_731 : vector<16xf32>
      %select_n3A_758 = arith.select %gt3A_757, %get3A_755, %select_n3A_731 : vector<16xi1>, vector<16xf32>
      %select_n3A_759 = arith.select %gt3A_756, %select_n3A_734, %select_n3A_758 : vector<16xi1>, vector<16xf32>
      %select_n3A_760 = arith.select %gt3A_757, %broadcast_in_dim3A_750, %select_n3A_733 : vector<16xi1>, vector<16xi32>
      %select_n3A_761 = arith.select %gt3A_756, %select_n3A_735, %select_n3A_760 : vector<16xi1>, vector<16xi32>
      %select_n3A_762 = arith.select %gt3A_756, %get3A_755, %select_n3A_734 : vector<16xi1>, vector<16xf32>
      %select_n3A_763 = arith.select %gt3A_756, %broadcast_in_dim3A_750, %select_n3A_735 : vector<16xi1>, vector<16xi32>
      %get3A_764 = arith.constant 26 : i32
      %get3A_765 = arith.index_cast %get3A_764 : i32 to index
      %get3A_766 = arith.index_cast %mul3A_20 : i32 to index
      %get3A_767 = tpu.vector_load %arg5[%get3A_765, %get3A_766] {strides = array<i32>} : memref<64x256xf32, #tpu.memory_space<vmem>>, vector<1x16xf32>,
      %get3A_768 = vector.shape_cast %get3A_767 : vector<1x16xf32> to vector<16xf32>
      %gt3A_769 = arith.cmpf ogt, %get3A_768, %select_n3A_747 : vector<16xf32>
      %gt3A_770 = arith.cmpf ogt, %get3A_768, %select_n3A_744 : vector<16xf32>
      %select_n3A_771 = arith.select %gt3A_770, %get3A_768, %select_n3A_744 : vector<16xi1>, vector<16xf32>
      %select_n3A_772 = arith.select %gt3A_769, %select_n3A_747, %select_n3A_771 : vector<16xi1>, vector<16xf32>
      %select_n3A_773 = arith.select %gt3A_770, %broadcast_in_dim3A_750, %select_n3A_746 : vector<16xi1>, vector<16xi32>
      %select_n3A_774 = arith.select %gt3A_769, %select_n3A_748, %select_n3A_773 : vector<16xi1>, vector<16xi32>
      %select_n3A_775 = arith.select %gt3A_769, %get3A_768, %select_n3A_747 : vector<16xi1>, vector<16xf32>
      %select_n3A_776 = arith.select %gt3A_769, %broadcast_in_dim3A_750, %select_n3A_748 : vector<16xi1>, vector<16xi32>
      %broadcast_in_dim3A_777 = arith.constant 27 : i32
      %broadcast_in_dim3A_778 = vector.broadcast %broadcast_in_dim3A_777 : i32 to vector<16xi32>
      %get3A_779 = arith.constant 27 : i32
      %get3A_780 = arith.index_cast %get3A_779 : i32 to index
      %get3A_781 = arith.index_cast %mul3A_14 : i32 to index
      %get3A_782 = tpu.vector_load %arg5[%get3A_780, %get3A_781] {strides = array<i32>} : memref<64x256xf32, #tpu.memory_space<vmem>>, vector<1x16xf32>,
      %get3A_783 = vector.shape_cast %get3A_782 : vector<1x16xf32> to vector<16xf32>
      %gt3A_784 = arith.cmpf ogt, %get3A_783, %select_n3A_762 : vector<16xf32>
      %gt3A_785 = arith.cmpf ogt, %get3A_783, %select_n3A_759 : vector<16xf32>
      %select_n3A_786 = arith.select %gt3A_785, %get3A_783, %select_n3A_759 : vector<16xi1>, vector<16xf32>
      %select_n3A_787 = arith.select %gt3A_784, %select_n3A_762, %select_n3A_786 : vector<16xi1>, vector<16xf32>
      %select_n3A_788 = arith.select %gt3A_785, %broadcast_in_dim3A_778, %select_n3A_761 : vector<16xi1>, vector<16xi32>
      %select_n3A_789 = arith.select %gt3A_784, %select_n3A_763, %select_n3A_788 : vector<16xi1>, vector<16xi32>
      %select_n3A_790 = arith.select %gt3A_784, %get3A_783, %select_n3A_762 : vector<16xi1>, vector<16xf32>
      %select_n3A_791 = arith.select %gt3A_784, %broadcast_in_dim3A_778, %select_n3A_763 : vector<16xi1>, vector<16xi32>
      %get3A_792 = arith.constant 27 : i32
      %get3A_793 = arith.index_cast %get3A_792 : i32 to index
      %get3A_794 = arith.index_cast %mul3A_20 : i32 to index
      %get3A_795 = tpu.vector_load %arg5[%get3A_793, %get3A_794] {strides = array<i32>} : memref<64x256xf32, #tpu.memory_space<vmem>>, vector<1x16xf32>,
      %get3A_796 = vector.shape_cast %get3A_795 : vector<1x16xf32> to vector<16xf32>
      %gt3A_797 = arith.cmpf ogt, %get3A_796, %select_n3A_775 : vector<16xf32>
      %gt3A_798 = arith.cmpf ogt, %get3A_796, %select_n3A_772 : vector<16xf32>
      %select_n3A_799 = arith.select %gt3A_798, %get3A_796, %select_n3A_772 : vector<16xi1>, vector<16xf32>
      %select_n3A_800 = arith.select %gt3A_797, %select_n3A_775, %select_n3A_799 : vector<16xi1>, vector<16xf32>
      %select_n3A_801 = arith.select %gt3A_798, %broadcast_in_dim3A_778, %select_n3A_774 : vector<16xi1>, vector<16xi32>
      %select_n3A_802 = arith.select %gt3A_797, %select_n3A_776, %select_n3A_801 : vector<16xi1>, vector<16xi32>
      %select_n3A_803 = arith.select %gt3A_797, %get3A_796, %select_n3A_775 : vector<16xi1>, vector<16xf32>
      %select_n3A_804 = arith.select %gt3A_797, %broadcast_in_dim3A_778, %select_n3A_776 : vector<16xi1>, vector<16xi32>
      %broadcast_in_dim3A_805 = arith.constant 28 : i32
      %broadcast_in_dim3A_806 = vector.broadcast %broadcast_in_dim3A_805 : i32 to vector<16xi32>
      %get3A_807 = arith.constant 28 : i32
      %get3A_808 = arith.index_cast %get3A_807 : i32 to index
      %get3A_809 = arith.index_cast %mul3A_14 : i32 to index
      %get3A_810 = tpu.vector_load %arg5[%get3A_808, %get3A_809] {strides = array<i32>} : memref<64x256xf32, #tpu.memory_space<vmem>>, vector<1x16xf32>,
      %get3A_811 = vector.shape_cast %get3A_810 : vector<1x16xf32> to vector<16xf32>
      %gt3A_812 = arith.cmpf ogt, %get3A_811, %select_n3A_790 : vector<16xf32>
      %gt3A_813 = arith.cmpf ogt, %get3A_811, %select_n3A_787 : vector<16xf32>
      %select_n3A_814 = arith.select %gt3A_813, %get3A_811, %select_n3A_787 : vector<16xi1>, vector<16xf32>
      %select_n3A_815 = arith.select %gt3A_812, %select_n3A_790, %select_n3A_814 : vector<16xi1>, vector<16xf32>
      %select_n3A_816 = arith.select %gt3A_813, %broadcast_in_dim3A_806, %select_n3A_789 : vector<16xi1>, vector<16xi32>
      %select_n3A_817 = arith.select %gt3A_812, %select_n3A_791, %select_n3A_816 : vector<16xi1>, vector<16xi32>
      %select_n3A_818 = arith.select %gt3A_812, %get3A_811, %select_n3A_790 : vector<16xi1>, vector<16xf32>
      %select_n3A_819 = arith.select %gt3A_812, %broadcast_in_dim3A_806, %select_n3A_791 : vector<16xi1>, vector<16xi32>
      %get3A_820 = arith.constant 28 : i32
      %get3A_821 = arith.index_cast %get3A_820 : i32 to index
      %get3A_822 = arith.index_cast %mul3A_20 : i32 to index
      %get3A_823 = tpu.vector_load %arg5[%get3A_821, %get3A_822] {strides = array<i32>} : memref<64x256xf32, #tpu.memory_space<vmem>>, vector<1x16xf32>,
      %get3A_824 = vector.shape_cast %get3A_823 : vector<1x16xf32> to vector<16xf32>
      %gt3A_825 = arith.cmpf ogt, %get3A_824, %select_n3A_803 : vector<16xf32>
      %gt3A_826 = arith.cmpf ogt, %get3A_824, %select_n3A_800 : vector<16xf32>
      %select_n3A_827 = arith.select %gt3A_826, %get3A_824, %select_n3A_800 : vector<16xi1>, vector<16xf32>
      %select_n3A_828 = arith.select %gt3A_825, %select_n3A_803, %select_n3A_827 : vector<16xi1>, vector<16xf32>
      %select_n3A_829 = arith.select %gt3A_826, %broadcast_in_dim3A_806, %select_n3A_802 : vector<16xi1>, vector<16xi32>
      %select_n3A_830 = arith.select %gt3A_825, %select_n3A_804, %select_n3A_829 : vector<16xi1>, vector<16xi32>
      %select_n3A_831 = arith.select %gt3A_825, %get3A_824, %select_n3A_803 : vector<16xi1>, vector<16xf32>
      %select_n3A_832 = arith.select %gt3A_825, %broadcast_in_dim3A_806, %select_n3A_804 : vector<16xi1>, vector<16xi32>
      %broadcast_in_dim3A_833 = arith.constant 29 : i32
      %broadcast_in_dim3A_834 = vector.broadcast %broadcast_in_dim3A_833 : i32 to vector<16xi32>
      %get3A_835 = arith.constant 29 : i32
      %get3A_836 = arith.index_cast %get3A_835 : i32 to index
      %get3A_837 = arith.index_cast %mul3A_14 : i32 to index
      %get3A_838 = tpu.vector_load %arg5[%get3A_836, %get3A_837] {strides = array<i32>} : memref<64x256xf32, #tpu.memory_space<vmem>>, vector<1x16xf32>,
      %get3A_839 = vector.shape_cast %get3A_838 : vector<1x16xf32> to vector<16xf32>
      %gt3A_840 = arith.cmpf ogt, %get3A_839, %select_n3A_818 : vector<16xf32>
      %gt3A_841 = arith.cmpf ogt, %get3A_839, %select_n3A_815 : vector<16xf32>
      %select_n3A_842 = arith.select %gt3A_841, %get3A_839, %select_n3A_815 : vector<16xi1>, vector<16xf32>
      %select_n3A_843 = arith.select %gt3A_840, %select_n3A_818, %select_n3A_842 : vector<16xi1>, vector<16xf32>
      %select_n3A_844 = arith.select %gt3A_841, %broadcast_in_dim3A_834, %select_n3A_817 : vector<16xi1>, vector<16xi32>
      %select_n3A_845 = arith.select %gt3A_840, %select_n3A_819, %select_n3A_844 : vector<16xi1>, vector<16xi32>
      %select_n3A_846 = arith.select %gt3A_840, %get3A_839, %select_n3A_818 : vector<16xi1>, vector<16xf32>
      %select_n3A_847 = arith.select %gt3A_840, %broadcast_in_dim3A_834, %select_n3A_819 : vector<16xi1>, vector<16xi32>
      %get3A_848 = arith.constant 29 : i32
      %get3A_849 = arith.index_cast %get3A_848 : i32 to index
      %get3A_850 = arith.index_cast %mul3A_20 : i32 to index
      %get3A_851 = tpu.vector_load %arg5[%get3A_849, %get3A_850] {strides = array<i32>} : memref<64x256xf32, #tpu.memory_space<vmem>>, vector<1x16xf32>,
      %get3A_852 = vector.shape_cast %get3A_851 : vector<1x16xf32> to vector<16xf32>
      %gt3A_853 = arith.cmpf ogt, %get3A_852, %select_n3A_831 : vector<16xf32>
      %gt3A_854 = arith.cmpf ogt, %get3A_852, %select_n3A_828 : vector<16xf32>
      %select_n3A_855 = arith.select %gt3A_854, %get3A_852, %select_n3A_828 : vector<16xi1>, vector<16xf32>
      %select_n3A_856 = arith.select %gt3A_853, %select_n3A_831, %select_n3A_855 : vector<16xi1>, vector<16xf32>
      %select_n3A_857 = arith.select %gt3A_854, %broadcast_in_dim3A_834, %select_n3A_830 : vector<16xi1>, vector<16xi32>
      %select_n3A_858 = arith.select %gt3A_853, %select_n3A_832, %select_n3A_857 : vector<16xi1>, vector<16xi32>
      %select_n3A_859 = arith.select %gt3A_853, %get3A_852, %select_n3A_831 : vector<16xi1>, vector<16xf32>
      %select_n3A_860 = arith.select %gt3A_853, %broadcast_in_dim3A_834, %select_n3A_832 : vector<16xi1>, vector<16xi32>
      %broadcast_in_dim3A_861 = arith.constant 30 : i32
      %broadcast_in_dim3A_862 = vector.broadcast %broadcast_in_dim3A_861 : i32 to vector<16xi32>
      %get3A_863 = arith.constant 30 : i32
      %get3A_864 = arith.index_cast %get3A_863 : i32 to index
      %get3A_865 = arith.index_cast %mul3A_14 : i32 to index
      %get3A_866 = tpu.vector_load %arg5[%get3A_864, %get3A_865] {strides = array<i32>} : memref<64x256xf32, #tpu.memory_space<vmem>>, vector<1x16xf32>,
      %get3A_867 = vector.shape_cast %get3A_866 : vector<1x16xf32> to vector<16xf32>
      %gt3A_868 = arith.cmpf ogt, %get3A_867, %select_n3A_846 : vector<16xf32>
      %gt3A_869 = arith.cmpf ogt, %get3A_867, %select_n3A_843 : vector<16xf32>
      %select_n3A_870 = arith.select %gt3A_869, %get3A_867, %select_n3A_843 : vector<16xi1>, vector<16xf32>
      %select_n3A_871 = arith.select %gt3A_868, %select_n3A_846, %select_n3A_870 : vector<16xi1>, vector<16xf32>
      %select_n3A_872 = arith.select %gt3A_869, %broadcast_in_dim3A_862, %select_n3A_845 : vector<16xi1>, vector<16xi32>
      %select_n3A_873 = arith.select %gt3A_868, %select_n3A_847, %select_n3A_872 : vector<16xi1>, vector<16xi32>
      %select_n3A_874 = arith.select %gt3A_868, %get3A_867, %select_n3A_846 : vector<16xi1>, vector<16xf32>
      %select_n3A_875 = arith.select %gt3A_868, %broadcast_in_dim3A_862, %select_n3A_847 : vector<16xi1>, vector<16xi32>
      %get3A_876 = arith.constant 30 : i32
      %get3A_877 = arith.index_cast %get3A_876 : i32 to index
      %get3A_878 = arith.index_cast %mul3A_20 : i32 to index
      %get3A_879 = tpu.vector_load %arg5[%get3A_877, %get3A_878] {strides = array<i32>} : memref<64x256xf32, #tpu.memory_space<vmem>>, vector<1x16xf32>,
      %get3A_880 = vector.shape_cast %get3A_879 : vector<1x16xf32> to vector<16xf32>
      %gt3A_881 = arith.cmpf ogt, %get3A_880, %select_n3A_859 : vector<16xf32>
      %gt3A_882 = arith.cmpf ogt, %get3A_880, %select_n3A_856 : vector<16xf32>
      %select_n3A_883 = arith.select %gt3A_882, %get3A_880, %select_n3A_856 : vector<16xi1>, vector<16xf32>
      %select_n3A_884 = arith.select %gt3A_881, %select_n3A_859, %select_n3A_883 : vector<16xi1>, vector<16xf32>
      %select_n3A_885 = arith.select %gt3A_882, %broadcast_in_dim3A_862, %select_n3A_858 : vector<16xi1>, vector<16xi32>
      %select_n3A_886 = arith.select %gt3A_881, %select_n3A_860, %select_n3A_885 : vector<16xi1>, vector<16xi32>
      %select_n3A_887 = arith.select %gt3A_881, %get3A_880, %select_n3A_859 : vector<16xi1>, vector<16xf32>
      %select_n3A_888 = arith.select %gt3A_881, %broadcast_in_dim3A_862, %select_n3A_860 : vector<16xi1>, vector<16xi32>
      %broadcast_in_dim3A_889 = arith.constant 31 : i32
      %broadcast_in_dim3A_890 = vector.broadcast %broadcast_in_dim3A_889 : i32 to vector<16xi32>
      %get3A_891 = arith.constant 31 : i32
      %get3A_892 = arith.index_cast %get3A_891 : i32 to index
      %get3A_893 = arith.index_cast %mul3A_14 : i32 to index
      %get3A_894 = tpu.vector_load %arg5[%get3A_892, %get3A_893] {strides = array<i32>} : memref<64x256xf32, #tpu.memory_space<vmem>>, vector<1x16xf32>,
      %get3A_895 = vector.shape_cast %get3A_894 : vector<1x16xf32> to vector<16xf32>
      %gt3A_896 = arith.cmpf ogt, %get3A_895, %select_n3A_874 : vector<16xf32>
      %gt3A_897 = arith.cmpf ogt, %get3A_895, %select_n3A_871 : vector<16xf32>
      %select_n3A_898 = arith.select %gt3A_897, %get3A_895, %select_n3A_871 : vector<16xi1>, vector<16xf32>
      %select_n3A_899 = arith.select %gt3A_896, %select_n3A_874, %select_n3A_898 : vector<16xi1>, vector<16xf32>
      %select_n3A_900 = arith.select %gt3A_897, %broadcast_in_dim3A_890, %select_n3A_873 : vector<16xi1>, vector<16xi32>
      %select_n3A_901 = arith.select %gt3A_896, %select_n3A_875, %select_n3A_900 : vector<16xi1>, vector<16xi32>
      %select_n3A_902 = arith.select %gt3A_896, %get3A_895, %select_n3A_874 : vector<16xi1>, vector<16xf32>
      %select_n3A_903 = arith.select %gt3A_896, %broadcast_in_dim3A_890, %select_n3A_875 : vector<16xi1>, vector<16xi32>
      %get3A_904 = arith.constant 31 : i32
      %get3A_905 = arith.index_cast %get3A_904 : i32 to index
      %get3A_906 = arith.index_cast %mul3A_20 : i32 to index
      %get3A_907 = tpu.vector_load %arg5[%get3A_905, %get3A_906] {strides = array<i32>} : memref<64x256xf32, #tpu.memory_space<vmem>>, vector<1x16xf32>,
      %get3A_908 = vector.shape_cast %get3A_907 : vector<1x16xf32> to vector<16xf32>
      %gt3A_909 = arith.cmpf ogt, %get3A_908, %select_n3A_887 : vector<16xf32>
      %gt3A_910 = arith.cmpf ogt, %get3A_908, %select_n3A_884 : vector<16xf32>
      %select_n3A_911 = arith.select %gt3A_910, %get3A_908, %select_n3A_884 : vector<16xi1>, vector<16xf32>
      %select_n3A_912 = arith.select %gt3A_909, %select_n3A_887, %select_n3A_911 : vector<16xi1>, vector<16xf32>
      %select_n3A_913 = arith.select %gt3A_910, %broadcast_in_dim3A_890, %select_n3A_886 : vector<16xi1>, vector<16xi32>
      %select_n3A_914 = arith.select %gt3A_909, %select_n3A_888, %select_n3A_913 : vector<16xi1>, vector<16xi32>
      %select_n3A_915 = arith.select %gt3A_909, %get3A_908, %select_n3A_887 : vector<16xi1>, vector<16xf32>
      %select_n3A_916 = arith.select %gt3A_909, %broadcast_in_dim3A_890, %select_n3A_888 : vector<16xi1>, vector<16xi32>
      %broadcast_in_dim3A_917 = arith.constant 32 : i32
      %broadcast_in_dim3A_918 = vector.broadcast %broadcast_in_dim3A_917 : i32 to vector<16xi32>
      %get3A_919 = arith.constant 32 : i32
      %get3A_920 = arith.index_cast %get3A_919 : i32 to index
      %get3A_921 = arith.index_cast %mul3A_14 : i32 to index
      %get3A_922 = tpu.vector_load %arg5[%get3A_920, %get3A_921] {strides = array<i32>} : memref<64x256xf32, #tpu.memory_space<vmem>>, vector<1x16xf32>,
      %get3A_923 = vector.shape_cast %get3A_922 : vector<1x16xf32> to vector<16xf32>
      %gt3A_924 = arith.cmpf ogt, %get3A_923, %select_n3A_902 : vector<16xf32>
      %gt3A_925 = arith.cmpf ogt, %get3A_923, %select_n3A_899 : vector<16xf32>
      %select_n3A_926 = arith.select %gt3A_925, %get3A_923, %select_n3A_899 : vector<16xi1>, vector<16xf32>
      %select_n3A_927 = arith.select %gt3A_924, %select_n3A_902, %select_n3A_926 : vector<16xi1>, vector<16xf32>
      %select_n3A_928 = arith.select %gt3A_925, %broadcast_in_dim3A_918, %select_n3A_901 : vector<16xi1>, vector<16xi32>
      %select_n3A_929 = arith.select %gt3A_924, %select_n3A_903, %select_n3A_928 : vector<16xi1>, vector<16xi32>
      %select_n3A_930 = arith.select %gt3A_924, %get3A_923, %select_n3A_902 : vector<16xi1>, vector<16xf32>
      %select_n3A_931 = arith.select %gt3A_924, %broadcast_in_dim3A_918, %select_n3A_903 : vector<16xi1>, vector<16xi32>
      %get3A_932 = arith.constant 32 : i32
      %get3A_933 = arith.index_cast %get3A_932 : i32 to index
      %get3A_934 = arith.index_cast %mul3A_20 : i32 to index
      %get3A_935 = tpu.vector_load %arg5[%get3A_933, %get3A_934] {strides = array<i32>} : memref<64x256xf32, #tpu.memory_space<vmem>>, vector<1x16xf32>,
      %get3A_936 = vector.shape_cast %get3A_935 : vector<1x16xf32> to vector<16xf32>
      %gt3A_937 = arith.cmpf ogt, %get3A_936, %select_n3A_915 : vector<16xf32>
      %gt3A_938 = arith.cmpf ogt, %get3A_936, %select_n3A_912 : vector<16xf32>
      %select_n3A_939 = arith.select %gt3A_938, %get3A_936, %select_n3A_912 : vector<16xi1>, vector<16xf32>
      %select_n3A_940 = arith.select %gt3A_937, %select_n3A_915, %select_n3A_939 : vector<16xi1>, vector<16xf32>
      %select_n3A_941 = arith.select %gt3A_938, %broadcast_in_dim3A_918, %select_n3A_914 : vector<16xi1>, vector<16xi32>
      %select_n3A_942 = arith.select %gt3A_937, %select_n3A_916, %select_n3A_941 : vector<16xi1>, vector<16xi32>
      %select_n3A_943 = arith.select %gt3A_937, %get3A_936, %select_n3A_915 : vector<16xi1>, vector<16xf32>
      %select_n3A_944 = arith.select %gt3A_937, %broadcast_in_dim3A_918, %select_n3A_916 : vector<16xi1>, vector<16xi32>
      %broadcast_in_dim3A_945 = arith.constant 33 : i32
      %broadcast_in_dim3A_946 = vector.broadcast %broadcast_in_dim3A_945 : i32 to vector<16xi32>
      %get3A_947 = arith.constant 33 : i32
      %get3A_948 = arith.index_cast %get3A_947 : i32 to index
      %get3A_949 = arith.index_cast %mul3A_14 : i32 to index
      %get3A_950 = tpu.vector_load %arg5[%get3A_948, %get3A_949] {strides = array<i32>} : memref<64x256xf32, #tpu.memory_space<vmem>>, vector<1x16xf32>,
      %get3A_951 = vector.shape_cast %get3A_950 : vector<1x16xf32> to vector<16xf32>
      %gt3A_952 = arith.cmpf ogt, %get3A_951, %select_n3A_930 : vector<16xf32>
      %gt3A_953 = arith.cmpf ogt, %get3A_951, %select_n3A_927 : vector<16xf32>
      %select_n3A_954 = arith.select %gt3A_953, %get3A_951, %select_n3A_927 : vector<16xi1>, vector<16xf32>
      %select_n3A_955 = arith.select %gt3A_952, %select_n3A_930, %select_n3A_954 : vector<16xi1>, vector<16xf32>
      %select_n3A_956 = arith.select %gt3A_953, %broadcast_in_dim3A_946, %select_n3A_929 : vector<16xi1>, vector<16xi32>
      %select_n3A_957 = arith.select %gt3A_952, %select_n3A_931, %select_n3A_956 : vector<16xi1>, vector<16xi32>
      %select_n3A_958 = arith.select %gt3A_952, %get3A_951, %select_n3A_930 : vector<16xi1>, vector<16xf32>
      %select_n3A_959 = arith.select %gt3A_952, %broadcast_in_dim3A_946, %select_n3A_931 : vector<16xi1>, vector<16xi32>
      %get3A_960 = arith.constant 33 : i32
      %get3A_961 = arith.index_cast %get3A_960 : i32 to index
      %get3A_962 = arith.index_cast %mul3A_20 : i32 to index
      %get3A_963 = tpu.vector_load %arg5[%get3A_961, %get3A_962] {strides = array<i32>} : memref<64x256xf32, #tpu.memory_space<vmem>>, vector<1x16xf32>,
      %get3A_964 = vector.shape_cast %get3A_963 : vector<1x16xf32> to vector<16xf32>
      %gt3A_965 = arith.cmpf ogt, %get3A_964, %select_n3A_943 : vector<16xf32>
      %gt3A_966 = arith.cmpf ogt, %get3A_964, %select_n3A_940 : vector<16xf32>
      %select_n3A_967 = arith.select %gt3A_966, %get3A_964, %select_n3A_940 : vector<16xi1>, vector<16xf32>
      %select_n3A_968 = arith.select %gt3A_965, %select_n3A_943, %select_n3A_967 : vector<16xi1>, vector<16xf32>
      %select_n3A_969 = arith.select %gt3A_966, %broadcast_in_dim3A_946, %select_n3A_942 : vector<16xi1>, vector<16xi32>
      %select_n3A_970 = arith.select %gt3A_965, %select_n3A_944, %select_n3A_969 : vector<16xi1>, vector<16xi32>
      %select_n3A_971 = arith.select %gt3A_965, %get3A_964, %select_n3A_943 : vector<16xi1>, vector<16xf32>
      %select_n3A_972 = arith.select %gt3A_965, %broadcast_in_dim3A_946, %select_n3A_944 : vector<16xi1>, vector<16xi32>
      %broadcast_in_dim3A_973 = arith.constant 34 : i32
      %broadcast_in_dim3A_974 = vector.broadcast %broadcast_in_dim3A_973 : i32 to vector<16xi32>
      %get3A_975 = arith.constant 34 : i32
      %get3A_976 = arith.index_cast %get3A_975 : i32 to index
      %get3A_977 = arith.index_cast %mul3A_14 : i32 to index
      %get3A_978 = tpu.vector_load %arg5[%get3A_976, %get3A_977] {strides = array<i32>} : memref<64x256xf32, #tpu.memory_space<vmem>>, vector<1x16xf32>,
      %get3A_979 = vector.shape_cast %get3A_978 : vector<1x16xf32> to vector<16xf32>
      %gt3A_980 = arith.cmpf ogt, %get3A_979, %select_n3A_958 : vector<16xf32>
      %gt3A_981 = arith.cmpf ogt, %get3A_979, %select_n3A_955 : vector<16xf32>
      %select_n3A_982 = arith.select %gt3A_981, %get3A_979, %select_n3A_955 : vector<16xi1>, vector<16xf32>
      %select_n3A_983 = arith.select %gt3A_980, %select_n3A_958, %select_n3A_982 : vector<16xi1>, vector<16xf32>
      %select_n3A_984 = arith.select %gt3A_981, %broadcast_in_dim3A_974, %select_n3A_957 : vector<16xi1>, vector<16xi32>
      %select_n3A_985 = arith.select %gt3A_980, %select_n3A_959, %select_n3A_984 : vector<16xi1>, vector<16xi32>
      %select_n3A_986 = arith.select %gt3A_980, %get3A_979, %select_n3A_958 : vector<16xi1>, vector<16xf32>
      %select_n3A_987 = arith.select %gt3A_980, %broadcast_in_dim3A_974, %select_n3A_959 : vector<16xi1>, vector<16xi32>
      %get3A_988 = arith.constant 34 : i32
      %get3A_989 = arith.index_cast %get3A_988 : i32 to index
      %get3A_990 = arith.index_cast %mul3A_20 : i32 to index
      %get3A_991 = tpu.vector_load %arg5[%get3A_989, %get3A_990] {strides = array<i32>} : memref<64x256xf32, #tpu.memory_space<vmem>>, vector<1x16xf32>,
      %get3A_992 = vector.shape_cast %get3A_991 : vector<1x16xf32> to vector<16xf32>
      %gt3A_993 = arith.cmpf ogt, %get3A_992, %select_n3A_971 : vector<16xf32>
      %gt3A_994 = arith.cmpf ogt, %get3A_992, %select_n3A_968 : vector<16xf32>
      %select_n3A_995 = arith.select %gt3A_994, %get3A_992, %select_n3A_968 : vector<16xi1>, vector<16xf32>
      %select_n3A_996 = arith.select %gt3A_993, %select_n3A_971, %select_n3A_995 : vector<16xi1>, vector<16xf32>
      %select_n3A_997 = arith.select %gt3A_994, %broadcast_in_dim3A_974, %select_n3A_970 : vector<16xi1>, vector<16xi32>
      %select_n3A_998 = arith.select %gt3A_993, %select_n3A_972, %select_n3A_997 : vector<16xi1>, vector<16xi32>
      %select_n3A_999 = arith.select %gt3A_993, %get3A_992, %select_n3A_971 : vector<16xi1>, vector<16xf32>
      %select_n3A_1000 = arith.select %gt3A_993, %broadcast_in_dim3A_974, %select_n3A_972 : vector<16xi1>, vector<16xi32>
      %broadcast_in_dim3A_1001 = arith.constant 35 : i32
      %broadcast_in_dim3A_1002 = vector.broadcast %broadcast_in_dim3A_1001 : i32 to vector<16xi32>
      %get3A_1003 = arith.constant 35 : i32
      %get3A_1004 = arith.index_cast %get3A_1003 : i32 to index
      %get3A_1005 = arith.index_cast %mul3A_14 : i32 to index
      %get3A_1006 = tpu.vector_load %arg5[%get3A_1004, %get3A_1005] {strides = array<i32>} : memref<64x256xf32, #tpu.memory_space<vmem>>, vector<1x16xf32>,
      %get3A_1007 = vector.shape_cast %get3A_1006 : vector<1x16xf32> to vector<16xf32>
      %gt3A_1008 = arith.cmpf ogt, %get3A_1007, %select_n3A_986 : vector<16xf32>
      %gt3A_1009 = arith.cmpf ogt, %get3A_1007, %select_n3A_983 : vector<16xf32>
      %select_n3A_1010 = arith.select %gt3A_1009, %get3A_1007, %select_n3A_983 : vector<16xi1>, vector<16xf32>
      %select_n3A_1011 = arith.select %gt3A_1008, %select_n3A_986, %select_n3A_1010 : vector<16xi1>, vector<16xf32>
      %select_n3A_1012 = arith.select %gt3A_1009, %broadcast_in_dim3A_1002, %select_n3A_985 : vector<16xi1>, vector<16xi32>
      %select_n3A_1013 = arith.select %gt3A_1008, %select_n3A_987, %select_n3A_1012 : vector<16xi1>, vector<16xi32>
      %select_n3A_1014 = arith.select %gt3A_1008, %get3A_1007, %select_n3A_986 : vector<16xi1>, vector<16xf32>
      %select_n3A_1015 = arith.select %gt3A_1008, %broadcast_in_dim3A_1002, %select_n3A_987 : vector<16xi1>, vector<16xi32>
      %get3A_1016 = arith.constant 35 : i32
      %get3A_1017 = arith.index_cast %get3A_1016 : i32 to index
      %get3A_1018 = arith.index_cast %mul3A_20 : i32 to index
      %get3A_1019 = tpu.vector_load %arg5[%get3A_1017, %get3A_1018] {strides = array<i32>} : memref<64x256xf32, #tpu.memory_space<vmem>>, vector<1x16xf32>,
      %get3A_1020 = vector.shape_cast %get3A_1019 : vector<1x16xf32> to vector<16xf32>
      %gt3A_1021 = arith.cmpf ogt, %get3A_1020, %select_n3A_999 : vector<16xf32>
      %gt3A_1022 = arith.cmpf ogt, %get3A_1020, %select_n3A_996 : vector<16xf32>
      %select_n3A_1023 = arith.select %gt3A_1022, %get3A_1020, %select_n3A_996 : vector<16xi1>, vector<16xf32>
      %select_n3A_1024 = arith.select %gt3A_1021, %select_n3A_999, %select_n3A_1023 : vector<16xi1>, vector<16xf32>
      %select_n3A_1025 = arith.select %gt3A_1022, %broadcast_in_dim3A_1002, %select_n3A_998 : vector<16xi1>, vector<16xi32>
      %select_n3A_1026 = arith.select %gt3A_1021, %select_n3A_1000, %select_n3A_1025 : vector<16xi1>, vector<16xi32>
      %select_n3A_1027 = arith.select %gt3A_1021, %get3A_1020, %select_n3A_999 : vector<16xi1>, vector<16xf32>
      %select_n3A_1028 = arith.select %gt3A_1021, %broadcast_in_dim3A_1002, %select_n3A_1000 : vector<16xi1>, vector<16xi32>
      %broadcast_in_dim3A_1029 = arith.constant 36 : i32
      %broadcast_in_dim3A_1030 = vector.broadcast %broadcast_in_dim3A_1029 : i32 to vector<16xi32>
      %get3A_1031 = arith.constant 36 : i32
      %get3A_1032 = arith.index_cast %get3A_1031 : i32 to index
      %get3A_1033 = arith.index_cast %mul3A_14 : i32 to index
      %get3A_1034 = tpu.vector_load %arg5[%get3A_1032, %get3A_1033] {strides = array<i32>} : memref<64x256xf32, #tpu.memory_space<vmem>>, vector<1x16xf32>,
      %get3A_1035 = vector.shape_cast %get3A_1034 : vector<1x16xf32> to vector<16xf32>
      %gt3A_1036 = arith.cmpf ogt, %get3A_1035, %select_n3A_1014 : vector<16xf32>
      %gt3A_1037 = arith.cmpf ogt, %get3A_1035, %select_n3A_1011 : vector<16xf32>
      %select_n3A_1038 = arith.select %gt3A_1037, %get3A_1035, %select_n3A_1011 : vector<16xi1>, vector<16xf32>
      %select_n3A_1039 = arith.select %gt3A_1036, %select_n3A_1014, %select_n3A_1038 : vector<16xi1>, vector<16xf32>
      %select_n3A_1040 = arith.select %gt3A_1037, %broadcast_in_dim3A_1030, %select_n3A_1013 : vector<16xi1>, vector<16xi32>
      %select_n3A_1041 = arith.select %gt3A_1036, %select_n3A_1015, %select_n3A_1040 : vector<16xi1>, vector<16xi32>
      %select_n3A_1042 = arith.select %gt3A_1036, %get3A_1035, %select_n3A_1014 : vector<16xi1>, vector<16xf32>
      %select_n3A_1043 = arith.select %gt3A_1036, %broadcast_in_dim3A_1030, %select_n3A_1015 : vector<16xi1>, vector<16xi32>
      %get3A_1044 = arith.constant 36 : i32
      %get3A_1045 = arith.index_cast %get3A_1044 : i32 to index
      %get3A_1046 = arith.index_cast %mul3A_20 : i32 to index
      %get3A_1047 = tpu.vector_load %arg5[%get3A_1045, %get3A_1046] {strides = array<i32>} : memref<64x256xf32, #tpu.memory_space<vmem>>, vector<1x16xf32>,
      %get3A_1048 = vector.shape_cast %get3A_1047 : vector<1x16xf32> to vector<16xf32>
      %gt3A_1049 = arith.cmpf ogt, %get3A_1048, %select_n3A_1027 : vector<16xf32>
      %gt3A_1050 = arith.cmpf ogt, %get3A_1048, %select_n3A_1024 : vector<16xf32>
      %select_n3A_1051 = arith.select %gt3A_1050, %get3A_1048, %select_n3A_1024 : vector<16xi1>, vector<16xf32>
      %select_n3A_1052 = arith.select %gt3A_1049, %select_n3A_1027, %select_n3A_1051 : vector<16xi1>, vector<16xf32>
      %select_n3A_1053 = arith.select %gt3A_1050, %broadcast_in_dim3A_1030, %select_n3A_1026 : vector<16xi1>, vector<16xi32>
      %select_n3A_1054 = arith.select %gt3A_1049, %select_n3A_1028, %select_n3A_1053 : vector<16xi1>, vector<16xi32>
      %select_n3A_1055 = arith.select %gt3A_1049, %get3A_1048, %select_n3A_1027 : vector<16xi1>, vector<16xf32>
      %select_n3A_1056 = arith.select %gt3A_1049, %broadcast_in_dim3A_1030, %select_n3A_1028 : vector<16xi1>, vector<16xi32>
      %broadcast_in_dim3A_1057 = arith.constant 37 : i32
      %broadcast_in_dim3A_1058 = vector.broadcast %broadcast_in_dim3A_1057 : i32 to vector<16xi32>
      %get3A_1059 = arith.constant 37 : i32
      %get3A_1060 = arith.index_cast %get3A_1059 : i32 to index
      %get3A_1061 = arith.index_cast %mul3A_14 : i32 to index
      %get3A_1062 = tpu.vector_load %arg5[%get3A_1060, %get3A_1061] {strides = array<i32>} : memref<64x256xf32, #tpu.memory_space<vmem>>, vector<1x16xf32>,
      %get3A_1063 = vector.shape_cast %get3A_1062 : vector<1x16xf32> to vector<16xf32>
      %gt3A_1064 = arith.cmpf ogt, %get3A_1063, %select_n3A_1042 : vector<16xf32>
      %gt3A_1065 = arith.cmpf ogt, %get3A_1063, %select_n3A_1039 : vector<16xf32>
      %select_n3A_1066 = arith.select %gt3A_1065, %get3A_1063, %select_n3A_1039 : vector<16xi1>, vector<16xf32>
      %select_n3A_1067 = arith.select %gt3A_1064, %select_n3A_1042, %select_n3A_1066 : vector<16xi1>, vector<16xf32>
      %select_n3A_1068 = arith.select %gt3A_1065, %broadcast_in_dim3A_1058, %select_n3A_1041 : vector<16xi1>, vector<16xi32>
      %select_n3A_1069 = arith.select %gt3A_1064, %select_n3A_1043, %select_n3A_1068 : vector<16xi1>, vector<16xi32>
      %select_n3A_1070 = arith.select %gt3A_1064, %get3A_1063, %select_n3A_1042 : vector<16xi1>, vector<16xf32>
      %select_n3A_1071 = arith.select %gt3A_1064, %broadcast_in_dim3A_1058, %select_n3A_1043 : vector<16xi1>, vector<16xi32>
      %get3A_1072 = arith.constant 37 : i32
      %get3A_1073 = arith.index_cast %get3A_1072 : i32 to index
      %get3A_1074 = arith.index_cast %mul3A_20 : i32 to index
      %get3A_1075 = tpu.vector_load %arg5[%get3A_1073, %get3A_1074] {strides = array<i32>} : memref<64x256xf32, #tpu.memory_space<vmem>>, vector<1x16xf32>,
      %get3A_1076 = vector.shape_cast %get3A_1075 : vector<1x16xf32> to vector<16xf32>
      %gt3A_1077 = arith.cmpf ogt, %get3A_1076, %select_n3A_1055 : vector<16xf32>
      %gt3A_1078 = arith.cmpf ogt, %get3A_1076, %select_n3A_1052 : vector<16xf32>
      %select_n3A_1079 = arith.select %gt3A_1078, %get3A_1076, %select_n3A_1052 : vector<16xi1>, vector<16xf32>
      %select_n3A_1080 = arith.select %gt3A_1077, %select_n3A_1055, %select_n3A_1079 : vector<16xi1>, vector<16xf32>
      %select_n3A_1081 = arith.select %gt3A_1078, %broadcast_in_dim3A_1058, %select_n3A_1054 : vector<16xi1>, vector<16xi32>
      %select_n3A_1082 = arith.select %gt3A_1077, %select_n3A_1056, %select_n3A_1081 : vector<16xi1>, vector<16xi32>
      %select_n3A_1083 = arith.select %gt3A_1077, %get3A_1076, %select_n3A_1055 : vector<16xi1>, vector<16xf32>
      %select_n3A_1084 = arith.select %gt3A_1077, %broadcast_in_dim3A_1058, %select_n3A_1056 : vector<16xi1>, vector<16xi32>
      %broadcast_in_dim3A_1085 = arith.constant 38 : i32
      %broadcast_in_dim3A_1086 = vector.broadcast %broadcast_in_dim3A_1085 : i32 to vector<16xi32>
      %get3A_1087 = arith.constant 38 : i32
      %get3A_1088 = arith.index_cast %get3A_1087 : i32 to index
      %get3A_1089 = arith.index_cast %mul3A_14 : i32 to index
      %get3A_1090 = tpu.vector_load %arg5[%get3A_1088, %get3A_1089] {strides = array<i32>} : memref<64x256xf32, #tpu.memory_space<vmem>>, vector<1x16xf32>,
      %get3A_1091 = vector.shape_cast %get3A_1090 : vector<1x16xf32> to vector<16xf32>
      %gt3A_1092 = arith.cmpf ogt, %get3A_1091, %select_n3A_1070 : vector<16xf32>
      %gt3A_1093 = arith.cmpf ogt, %get3A_1091, %select_n3A_1067 : vector<16xf32>
      %select_n3A_1094 = arith.select %gt3A_1093, %get3A_1091, %select_n3A_1067 : vector<16xi1>, vector<16xf32>
      %select_n3A_1095 = arith.select %gt3A_1092, %select_n3A_1070, %select_n3A_1094 : vector<16xi1>, vector<16xf32>
      %select_n3A_1096 = arith.select %gt3A_1093, %broadcast_in_dim3A_1086, %select_n3A_1069 : vector<16xi1>, vector<16xi32>
      %select_n3A_1097 = arith.select %gt3A_1092, %select_n3A_1071, %select_n3A_1096 : vector<16xi1>, vector<16xi32>
      %select_n3A_1098 = arith.select %gt3A_1092, %get3A_1091, %select_n3A_1070 : vector<16xi1>, vector<16xf32>
      %select_n3A_1099 = arith.select %gt3A_1092, %broadcast_in_dim3A_1086, %select_n3A_1071 : vector<16xi1>, vector<16xi32>
      %get3A_1100 = arith.constant 38 : i32
      %get3A_1101 = arith.index_cast %get3A_1100 : i32 to index
      %get3A_1102 = arith.index_cast %mul3A_20 : i32 to index
      %get3A_1103 = tpu.vector_load %arg5[%get3A_1101, %get3A_1102] {strides = array<i32>} : memref<64x256xf32, #tpu.memory_space<vmem>>, vector<1x16xf32>,
      %get3A_1104 = vector.shape_cast %get3A_1103 : vector<1x16xf32> to vector<16xf32>
      %gt3A_1105 = arith.cmpf ogt, %get3A_1104, %select_n3A_1083 : vector<16xf32>
      %gt3A_1106 = arith.cmpf ogt, %get3A_1104, %select_n3A_1080 : vector<16xf32>
      %select_n3A_1107 = arith.select %gt3A_1106, %get3A_1104, %select_n3A_1080 : vector<16xi1>, vector<16xf32>
      %select_n3A_1108 = arith.select %gt3A_1105, %select_n3A_1083, %select_n3A_1107 : vector<16xi1>, vector<16xf32>
      %select_n3A_1109 = arith.select %gt3A_1106, %broadcast_in_dim3A_1086, %select_n3A_1082 : vector<16xi1>, vector<16xi32>
      %select_n3A_1110 = arith.select %gt3A_1105, %select_n3A_1084, %select_n3A_1109 : vector<16xi1>, vector<16xi32>
      %select_n3A_1111 = arith.select %gt3A_1105, %get3A_1104, %select_n3A_1083 : vector<16xi1>, vector<16xf32>
      %select_n3A_1112 = arith.select %gt3A_1105, %broadcast_in_dim3A_1086, %select_n3A_1084 : vector<16xi1>, vector<16xi32>
      %broadcast_in_dim3A_1113 = arith.constant 39 : i32
      %broadcast_in_dim3A_1114 = vector.broadcast %broadcast_in_dim3A_1113 : i32 to vector<16xi32>
      %get3A_1115 = arith.constant 39 : i32
      %get3A_1116 = arith.index_cast %get3A_1115 : i32 to index
      %get3A_1117 = arith.index_cast %mul3A_14 : i32 to index
      %get3A_1118 = tpu.vector_load %arg5[%get3A_1116, %get3A_1117] {strides = array<i32>} : memref<64x256xf32, #tpu.memory_space<vmem>>, vector<1x16xf32>,
      %get3A_1119 = vector.shape_cast %get3A_1118 : vector<1x16xf32> to vector<16xf32>
      %gt3A_1120 = arith.cmpf ogt, %get3A_1119, %select_n3A_1098 : vector<16xf32>
      %gt3A_1121 = arith.cmpf ogt, %get3A_1119, %select_n3A_1095 : vector<16xf32>
      %select_n3A_1122 = arith.select %gt3A_1121, %get3A_1119, %select_n3A_1095 : vector<16xi1>, vector<16xf32>
      %select_n3A_1123 = arith.select %gt3A_1120, %select_n3A_1098, %select_n3A_1122 : vector<16xi1>, vector<16xf32>
      %select_n3A_1124 = arith.select %gt3A_1121, %broadcast_in_dim3A_1114, %select_n3A_1097 : vector<16xi1>, vector<16xi32>
      %select_n3A_1125 = arith.select %gt3A_1120, %select_n3A_1099, %select_n3A_1124 : vector<16xi1>, vector<16xi32>
      %select_n3A_1126 = arith.select %gt3A_1120, %get3A_1119, %select_n3A_1098 : vector<16xi1>, vector<16xf32>
      %select_n3A_1127 = arith.select %gt3A_1120, %broadcast_in_dim3A_1114, %select_n3A_1099 : vector<16xi1>, vector<16xi32>
      %get3A_1128 = arith.constant 39 : i32
      %get3A_1129 = arith.index_cast %get3A_1128 : i32 to index
      %get3A_1130 = arith.index_cast %mul3A_20 : i32 to index
      %get3A_1131 = tpu.vector_load %arg5[%get3A_1129, %get3A_1130] {strides = array<i32>} : memref<64x256xf32, #tpu.memory_space<vmem>>, vector<1x16xf32>,
      %get3A_1132 = vector.shape_cast %get3A_1131 : vector<1x16xf32> to vector<16xf32>
      %gt3A_1133 = arith.cmpf ogt, %get3A_1132, %select_n3A_1111 : vector<16xf32>
      %gt3A_1134 = arith.cmpf ogt, %get3A_1132, %select_n3A_1108 : vector<16xf32>
      %select_n3A_1135 = arith.select %gt3A_1134, %get3A_1132, %select_n3A_1108 : vector<16xi1>, vector<16xf32>
      %select_n3A_1136 = arith.select %gt3A_1133, %select_n3A_1111, %select_n3A_1135 : vector<16xi1>, vector<16xf32>
      %select_n3A_1137 = arith.select %gt3A_1134, %broadcast_in_dim3A_1114, %select_n3A_1110 : vector<16xi1>, vector<16xi32>
      %select_n3A_1138 = arith.select %gt3A_1133, %select_n3A_1112, %select_n3A_1137 : vector<16xi1>, vector<16xi32>
      %select_n3A_1139 = arith.select %gt3A_1133, %get3A_1132, %select_n3A_1111 : vector<16xi1>, vector<16xf32>
      %select_n3A_1140 = arith.select %gt3A_1133, %broadcast_in_dim3A_1114, %select_n3A_1112 : vector<16xi1>, vector<16xi32>
      %broadcast_in_dim3A_1141 = arith.constant 40 : i32
      %broadcast_in_dim3A_1142 = vector.broadcast %broadcast_in_dim3A_1141 : i32 to vector<16xi32>
      %get3A_1143 = arith.constant 40 : i32
      %get3A_1144 = arith.index_cast %get3A_1143 : i32 to index
      %get3A_1145 = arith.index_cast %mul3A_14 : i32 to index
      %get3A_1146 = tpu.vector_load %arg5[%get3A_1144, %get3A_1145] {strides = array<i32>} : memref<64x256xf32, #tpu.memory_space<vmem>>, vector<1x16xf32>,
      %get3A_1147 = vector.shape_cast %get3A_1146 : vector<1x16xf32> to vector<16xf32>
      %gt3A_1148 = arith.cmpf ogt, %get3A_1147, %select_n3A_1126 : vector<16xf32>
      %gt3A_1149 = arith.cmpf ogt, %get3A_1147, %select_n3A_1123 : vector<16xf32>
      %select_n3A_1150 = arith.select %gt3A_1149, %get3A_1147, %select_n3A_1123 : vector<16xi1>, vector<16xf32>
      %select_n3A_1151 = arith.select %gt3A_1148, %select_n3A_1126, %select_n3A_1150 : vector<16xi1>, vector<16xf32>
      %select_n3A_1152 = arith.select %gt3A_1149, %broadcast_in_dim3A_1142, %select_n3A_1125 : vector<16xi1>, vector<16xi32>
      %select_n3A_1153 = arith.select %gt3A_1148, %select_n3A_1127, %select_n3A_1152 : vector<16xi1>, vector<16xi32>
      %select_n3A_1154 = arith.select %gt3A_1148, %get3A_1147, %select_n3A_1126 : vector<16xi1>, vector<16xf32>
      %select_n3A_1155 = arith.select %gt3A_1148, %broadcast_in_dim3A_1142, %select_n3A_1127 : vector<16xi1>, vector<16xi32>
      %get3A_1156 = arith.constant 40 : i32
      %get3A_1157 = arith.index_cast %get3A_1156 : i32 to index
      %get3A_1158 = arith.index_cast %mul3A_20 : i32 to index
      %get3A_1159 = tpu.vector_load %arg5[%get3A_1157, %get3A_1158] {strides = array<i32>} : memref<64x256xf32, #tpu.memory_space<vmem>>, vector<1x16xf32>,
      %get3A_1160 = vector.shape_cast %get3A_1159 : vector<1x16xf32> to vector<16xf32>
      %gt3A_1161 = arith.cmpf ogt, %get3A_1160, %select_n3A_1139 : vector<16xf32>
      %gt3A_1162 = arith.cmpf ogt, %get3A_1160, %select_n3A_1136 : vector<16xf32>
      %select_n3A_1163 = arith.select %gt3A_1162, %get3A_1160, %select_n3A_1136 : vector<16xi1>, vector<16xf32>
      %select_n3A_1164 = arith.select %gt3A_1161, %select_n3A_1139, %select_n3A_1163 : vector<16xi1>, vector<16xf32>
      %select_n3A_1165 = arith.select %gt3A_1162, %broadcast_in_dim3A_1142, %select_n3A_1138 : vector<16xi1>, vector<16xi32>
      %select_n3A_1166 = arith.select %gt3A_1161, %select_n3A_1140, %select_n3A_1165 : vector<16xi1>, vector<16xi32>
      %select_n3A_1167 = arith.select %gt3A_1161, %get3A_1160, %select_n3A_1139 : vector<16xi1>, vector<16xf32>
      %select_n3A_1168 = arith.select %gt3A_1161, %broadcast_in_dim3A_1142, %select_n3A_1140 : vector<16xi1>, vector<16xi32>
      %broadcast_in_dim3A_1169 = arith.constant 41 : i32
      %broadcast_in_dim3A_1170 = vector.broadcast %broadcast_in_dim3A_1169 : i32 to vector<16xi32>
      %get3A_1171 = arith.constant 41 : i32
      %get3A_1172 = arith.index_cast %get3A_1171 : i32 to index
      %get3A_1173 = arith.index_cast %mul3A_14 : i32 to index
      %get3A_1174 = tpu.vector_load %arg5[%get3A_1172, %get3A_1173] {strides = array<i32>} : memref<64x256xf32, #tpu.memory_space<vmem>>, vector<1x16xf32>,
      %get3A_1175 = vector.shape_cast %get3A_1174 : vector<1x16xf32> to vector<16xf32>
      %gt3A_1176 = arith.cmpf ogt, %get3A_1175, %select_n3A_1154 : vector<16xf32>
      %gt3A_1177 = arith.cmpf ogt, %get3A_1175, %select_n3A_1151 : vector<16xf32>
      %select_n3A_1178 = arith.select %gt3A_1177, %get3A_1175, %select_n3A_1151 : vector<16xi1>, vector<16xf32>
      %select_n3A_1179 = arith.select %gt3A_1176, %select_n3A_1154, %select_n3A_1178 : vector<16xi1>, vector<16xf32>
      %select_n3A_1180 = arith.select %gt3A_1177, %broadcast_in_dim3A_1170, %select_n3A_1153 : vector<16xi1>, vector<16xi32>
      %select_n3A_1181 = arith.select %gt3A_1176, %select_n3A_1155, %select_n3A_1180 : vector<16xi1>, vector<16xi32>
      %select_n3A_1182 = arith.select %gt3A_1176, %get3A_1175, %select_n3A_1154 : vector<16xi1>, vector<16xf32>
      %select_n3A_1183 = arith.select %gt3A_1176, %broadcast_in_dim3A_1170, %select_n3A_1155 : vector<16xi1>, vector<16xi32>
      %get3A_1184 = arith.constant 41 : i32
      %get3A_1185 = arith.index_cast %get3A_1184 : i32 to index
      %get3A_1186 = arith.index_cast %mul3A_20 : i32 to index
      %get3A_1187 = tpu.vector_load %arg5[%get3A_1185, %get3A_1186] {strides = array<i32>} : memref<64x256xf32, #tpu.memory_space<vmem>>, vector<1x16xf32>,
      %get3A_1188 = vector.shape_cast %get3A_1187 : vector<1x16xf32> to vector<16xf32>
      %gt3A_1189 = arith.cmpf ogt, %get3A_1188, %select_n3A_1167 : vector<16xf32>
      %gt3A_1190 = arith.cmpf ogt, %get3A_1188, %select_n3A_1164 : vector<16xf32>
      %select_n3A_1191 = arith.select %gt3A_1190, %get3A_1188, %select_n3A_1164 : vector<16xi1>, vector<16xf32>
      %select_n3A_1192 = arith.select %gt3A_1189, %select_n3A_1167, %select_n3A_1191 : vector<16xi1>, vector<16xf32>
      %select_n3A_1193 = arith.select %gt3A_1190, %broadcast_in_dim3A_1170, %select_n3A_1166 : vector<16xi1>, vector<16xi32>
      %select_n3A_1194 = arith.select %gt3A_1189, %select_n3A_1168, %select_n3A_1193 : vector<16xi1>, vector<16xi32>
      %select_n3A_1195 = arith.select %gt3A_1189, %get3A_1188, %select_n3A_1167 : vector<16xi1>, vector<16xf32>
      %select_n3A_1196 = arith.select %gt3A_1189, %broadcast_in_dim3A_1170, %select_n3A_1168 : vector<16xi1>, vector<16xi32>
      %broadcast_in_dim3A_1197 = arith.constant 42 : i32
      %broadcast_in_dim3A_1198 = vector.broadcast %broadcast_in_dim3A_1197 : i32 to vector<16xi32>
      %get3A_1199 = arith.constant 42 : i32
      %get3A_1200 = arith.index_cast %get3A_1199 : i32 to index
      %get3A_1201 = arith.index_cast %mul3A_14 : i32 to index
      %get3A_1202 = tpu.vector_load %arg5[%get3A_1200, %get3A_1201] {strides = array<i32>} : memref<64x256xf32, #tpu.memory_space<vmem>>, vector<1x16xf32>,
      %get3A_1203 = vector.shape_cast %get3A_1202 : vector<1x16xf32> to vector<16xf32>
      %gt3A_1204 = arith.cmpf ogt, %get3A_1203, %select_n3A_1182 : vector<16xf32>
      %gt3A_1205 = arith.cmpf ogt, %get3A_1203, %select_n3A_1179 : vector<16xf32>
      %select_n3A_1206 = arith.select %gt3A_1205, %get3A_1203, %select_n3A_1179 : vector<16xi1>, vector<16xf32>
      %select_n3A_1207 = arith.select %gt3A_1204, %select_n3A_1182, %select_n3A_1206 : vector<16xi1>, vector<16xf32>
      %select_n3A_1208 = arith.select %gt3A_1205, %broadcast_in_dim3A_1198, %select_n3A_1181 : vector<16xi1>, vector<16xi32>
      %select_n3A_1209 = arith.select %gt3A_1204, %select_n3A_1183, %select_n3A_1208 : vector<16xi1>, vector<16xi32>
      %select_n3A_1210 = arith.select %gt3A_1204, %get3A_1203, %select_n3A_1182 : vector<16xi1>, vector<16xf32>
      %select_n3A_1211 = arith.select %gt3A_1204, %broadcast_in_dim3A_1198, %select_n3A_1183 : vector<16xi1>, vector<16xi32>
      %get3A_1212 = arith.constant 42 : i32
      %get3A_1213 = arith.index_cast %get3A_1212 : i32 to index
      %get3A_1214 = arith.index_cast %mul3A_20 : i32 to index
      %get3A_1215 = tpu.vector_load %arg5[%get3A_1213, %get3A_1214] {strides = array<i32>} : memref<64x256xf32, #tpu.memory_space<vmem>>, vector<1x16xf32>,
      %get3A_1216 = vector.shape_cast %get3A_1215 : vector<1x16xf32> to vector<16xf32>
      %gt3A_1217 = arith.cmpf ogt, %get3A_1216, %select_n3A_1195 : vector<16xf32>
      %gt3A_1218 = arith.cmpf ogt, %get3A_1216, %select_n3A_1192 : vector<16xf32>
      %select_n3A_1219 = arith.select %gt3A_1218, %get3A_1216, %select_n3A_1192 : vector<16xi1>, vector<16xf32>
      %select_n3A_1220 = arith.select %gt3A_1217, %select_n3A_1195, %select_n3A_1219 : vector<16xi1>, vector<16xf32>
      %select_n3A_1221 = arith.select %gt3A_1218, %broadcast_in_dim3A_1198, %select_n3A_1194 : vector<16xi1>, vector<16xi32>
      %select_n3A_1222 = arith.select %gt3A_1217, %select_n3A_1196, %select_n3A_1221 : vector<16xi1>, vector<16xi32>
      %select_n3A_1223 = arith.select %gt3A_1217, %get3A_1216, %select_n3A_1195 : vector<16xi1>, vector<16xf32>
      %select_n3A_1224 = arith.select %gt3A_1217, %broadcast_in_dim3A_1198, %select_n3A_1196 : vector<16xi1>, vector<16xi32>
      %broadcast_in_dim3A_1225 = arith.constant 43 : i32
      %broadcast_in_dim3A_1226 = vector.broadcast %broadcast_in_dim3A_1225 : i32 to vector<16xi32>
      %get3A_1227 = arith.constant 43 : i32
      %get3A_1228 = arith.index_cast %get3A_1227 : i32 to index
      %get3A_1229 = arith.index_cast %mul3A_14 : i32 to index
      %get3A_1230 = tpu.vector_load %arg5[%get3A_1228, %get3A_1229] {strides = array<i32>} : memref<64x256xf32, #tpu.memory_space<vmem>>, vector<1x16xf32>,
      %get3A_1231 = vector.shape_cast %get3A_1230 : vector<1x16xf32> to vector<16xf32>
      %gt3A_1232 = arith.cmpf ogt, %get3A_1231, %select_n3A_1210 : vector<16xf32>
      %gt3A_1233 = arith.cmpf ogt, %get3A_1231, %select_n3A_1207 : vector<16xf32>
      %select_n3A_1234 = arith.select %gt3A_1233, %get3A_1231, %select_n3A_1207 : vector<16xi1>, vector<16xf32>
      %select_n3A_1235 = arith.select %gt3A_1232, %select_n3A_1210, %select_n3A_1234 : vector<16xi1>, vector<16xf32>
      %select_n3A_1236 = arith.select %gt3A_1233, %broadcast_in_dim3A_1226, %select_n3A_1209 : vector<16xi1>, vector<16xi32>
      %select_n3A_1237 = arith.select %gt3A_1232, %select_n3A_1211, %select_n3A_1236 : vector<16xi1>, vector<16xi32>
      %select_n3A_1238 = arith.select %gt3A_1232, %get3A_1231, %select_n3A_1210 : vector<16xi1>, vector<16xf32>
      %select_n3A_1239 = arith.select %gt3A_1232, %broadcast_in_dim3A_1226, %select_n3A_1211 : vector<16xi1>, vector<16xi32>
      %get3A_1240 = arith.constant 43 : i32
      %get3A_1241 = arith.index_cast %get3A_1240 : i32 to index
      %get3A_1242 = arith.index_cast %mul3A_20 : i32 to index
      %get3A_1243 = tpu.vector_load %arg5[%get3A_1241, %get3A_1242] {strides = array<i32>} : memref<64x256xf32, #tpu.memory_space<vmem>>, vector<1x16xf32>,
      %get3A_1244 = vector.shape_cast %get3A_1243 : vector<1x16xf32> to vector<16xf32>
      %gt3A_1245 = arith.cmpf ogt, %get3A_1244, %select_n3A_1223 : vector<16xf32>
      %gt3A_1246 = arith.cmpf ogt, %get3A_1244, %select_n3A_1220 : vector<16xf32>
      %select_n3A_1247 = arith.select %gt3A_1246, %get3A_1244, %select_n3A_1220 : vector<16xi1>, vector<16xf32>
      %select_n3A_1248 = arith.select %gt3A_1245, %select_n3A_1223, %select_n3A_1247 : vector<16xi1>, vector<16xf32>
      %select_n3A_1249 = arith.select %gt3A_1246, %broadcast_in_dim3A_1226, %select_n3A_1222 : vector<16xi1>, vector<16xi32>
      %select_n3A_1250 = arith.select %gt3A_1245, %select_n3A_1224, %select_n3A_1249 : vector<16xi1>, vector<16xi32>
      %select_n3A_1251 = arith.select %gt3A_1245, %get3A_1244, %select_n3A_1223 : vector<16xi1>, vector<16xf32>
      %select_n3A_1252 = arith.select %gt3A_1245, %broadcast_in_dim3A_1226, %select_n3A_1224 : vector<16xi1>, vector<16xi32>
      %broadcast_in_dim3A_1253 = arith.constant 44 : i32
      %broadcast_in_dim3A_1254 = vector.broadcast %broadcast_in_dim3A_1253 : i32 to vector<16xi32>
      %get3A_1255 = arith.constant 44 : i32
      %get3A_1256 = arith.index_cast %get3A_1255 : i32 to index
      %get3A_1257 = arith.index_cast %mul3A_14 : i32 to index
      %get3A_1258 = tpu.vector_load %arg5[%get3A_1256, %get3A_1257] {strides = array<i32>} : memref<64x256xf32, #tpu.memory_space<vmem>>, vector<1x16xf32>,
      %get3A_1259 = vector.shape_cast %get3A_1258 : vector<1x16xf32> to vector<16xf32>
      %gt3A_1260 = arith.cmpf ogt, %get3A_1259, %select_n3A_1238 : vector<16xf32>
      %gt3A_1261 = arith.cmpf ogt, %get3A_1259, %select_n3A_1235 : vector<16xf32>
      %select_n3A_1262 = arith.select %gt3A_1261, %get3A_1259, %select_n3A_1235 : vector<16xi1>, vector<16xf32>
      %select_n3A_1263 = arith.select %gt3A_1260, %select_n3A_1238, %select_n3A_1262 : vector<16xi1>, vector<16xf32>
      %select_n3A_1264 = arith.select %gt3A_1261, %broadcast_in_dim3A_1254, %select_n3A_1237 : vector<16xi1>, vector<16xi32>
      %select_n3A_1265 = arith.select %gt3A_1260, %select_n3A_1239, %select_n3A_1264 : vector<16xi1>, vector<16xi32>
      %select_n3A_1266 = arith.select %gt3A_1260, %get3A_1259, %select_n3A_1238 : vector<16xi1>, vector<16xf32>
      %select_n3A_1267 = arith.select %gt3A_1260, %broadcast_in_dim3A_1254, %select_n3A_1239 : vector<16xi1>, vector<16xi32>
      %get3A_1268 = arith.constant 44 : i32
      %get3A_1269 = arith.index_cast %get3A_1268 : i32 to index
      %get3A_1270 = arith.index_cast %mul3A_20 : i32 to index
      %get3A_1271 = tpu.vector_load %arg5[%get3A_1269, %get3A_1270] {strides = array<i32>} : memref<64x256xf32, #tpu.memory_space<vmem>>, vector<1x16xf32>,
      %get3A_1272 = vector.shape_cast %get3A_1271 : vector<1x16xf32> to vector<16xf32>
      %gt3A_1273 = arith.cmpf ogt, %get3A_1272, %select_n3A_1251 : vector<16xf32>
      %gt3A_1274 = arith.cmpf ogt, %get3A_1272, %select_n3A_1248 : vector<16xf32>
      %select_n3A_1275 = arith.select %gt3A_1274, %get3A_1272, %select_n3A_1248 : vector<16xi1>, vector<16xf32>
      %select_n3A_1276 = arith.select %gt3A_1273, %select_n3A_1251, %select_n3A_1275 : vector<16xi1>, vector<16xf32>
      %select_n3A_1277 = arith.select %gt3A_1274, %broadcast_in_dim3A_1254, %select_n3A_1250 : vector<16xi1>, vector<16xi32>
      %select_n3A_1278 = arith.select %gt3A_1273, %select_n3A_1252, %select_n3A_1277 : vector<16xi1>, vector<16xi32>
      %select_n3A_1279 = arith.select %gt3A_1273, %get3A_1272, %select_n3A_1251 : vector<16xi1>, vector<16xf32>
      %select_n3A_1280 = arith.select %gt3A_1273, %broadcast_in_dim3A_1254, %select_n3A_1252 : vector<16xi1>, vector<16xi32>
      %broadcast_in_dim3A_1281 = arith.constant 45 : i32
      %broadcast_in_dim3A_1282 = vector.broadcast %broadcast_in_dim3A_1281 : i32 to vector<16xi32>
      %get3A_1283 = arith.constant 45 : i32
      %get3A_1284 = arith.index_cast %get3A_1283 : i32 to index
      %get3A_1285 = arith.index_cast %mul3A_14 : i32 to index
      %get3A_1286 = tpu.vector_load %arg5[%get3A_1284, %get3A_1285] {strides = array<i32>} : memref<64x256xf32, #tpu.memory_space<vmem>>, vector<1x16xf32>,
      %get3A_1287 = vector.shape_cast %get3A_1286 : vector<1x16xf32> to vector<16xf32>
      %gt3A_1288 = arith.cmpf ogt, %get3A_1287, %select_n3A_1266 : vector<16xf32>
      %gt3A_1289 = arith.cmpf ogt, %get3A_1287, %select_n3A_1263 : vector<16xf32>
      %select_n3A_1290 = arith.select %gt3A_1289, %get3A_1287, %select_n3A_1263 : vector<16xi1>, vector<16xf32>
      %select_n3A_1291 = arith.select %gt3A_1288, %select_n3A_1266, %select_n3A_1290 : vector<16xi1>, vector<16xf32>
      %select_n3A_1292 = arith.select %gt3A_1289, %broadcast_in_dim3A_1282, %select_n3A_1265 : vector<16xi1>, vector<16xi32>
      %select_n3A_1293 = arith.select %gt3A_1288, %select_n3A_1267, %select_n3A_1292 : vector<16xi1>, vector<16xi32>
      %select_n3A_1294 = arith.select %gt3A_1288, %get3A_1287, %select_n3A_1266 : vector<16xi1>, vector<16xf32>
      %select_n3A_1295 = arith.select %gt3A_1288, %broadcast_in_dim3A_1282, %select_n3A_1267 : vector<16xi1>, vector<16xi32>
      %get3A_1296 = arith.constant 45 : i32
      %get3A_1297 = arith.index_cast %get3A_1296 : i32 to index
      %get3A_1298 = arith.index_cast %mul3A_20 : i32 to index
      %get3A_1299 = tpu.vector_load %arg5[%get3A_1297, %get3A_1298] {strides = array<i32>} : memref<64x256xf32, #tpu.memory_space<vmem>>, vector<1x16xf32>,
      %get3A_1300 = vector.shape_cast %get3A_1299 : vector<1x16xf32> to vector<16xf32>
      %gt3A_1301 = arith.cmpf ogt, %get3A_1300, %select_n3A_1279 : vector<16xf32>
      %gt3A_1302 = arith.cmpf ogt, %get3A_1300, %select_n3A_1276 : vector<16xf32>
      %select_n3A_1303 = arith.select %gt3A_1302, %get3A_1300, %select_n3A_1276 : vector<16xi1>, vector<16xf32>
      %select_n3A_1304 = arith.select %gt3A_1301, %select_n3A_1279, %select_n3A_1303 : vector<16xi1>, vector<16xf32>
      %select_n3A_1305 = arith.select %gt3A_1302, %broadcast_in_dim3A_1282, %select_n3A_1278 : vector<16xi1>, vector<16xi32>
      %select_n3A_1306 = arith.select %gt3A_1301, %select_n3A_1280, %select_n3A_1305 : vector<16xi1>, vector<16xi32>
      %select_n3A_1307 = arith.select %gt3A_1301, %get3A_1300, %select_n3A_1279 : vector<16xi1>, vector<16xf32>
      %select_n3A_1308 = arith.select %gt3A_1301, %broadcast_in_dim3A_1282, %select_n3A_1280 : vector<16xi1>, vector<16xi32>
      %broadcast_in_dim3A_1309 = arith.constant 46 : i32
      %broadcast_in_dim3A_1310 = vector.broadcast %broadcast_in_dim3A_1309 : i32 to vector<16xi32>
      %get3A_1311 = arith.constant 46 : i32
      %get3A_1312 = arith.index_cast %get3A_1311 : i32 to index
      %get3A_1313 = arith.index_cast %mul3A_14 : i32 to index
      %get3A_1314 = tpu.vector_load %arg5[%get3A_1312, %get3A_1313] {strides = array<i32>} : memref<64x256xf32, #tpu.memory_space<vmem>>, vector<1x16xf32>,
      %get3A_1315 = vector.shape_cast %get3A_1314 : vector<1x16xf32> to vector<16xf32>
      %gt3A_1316 = arith.cmpf ogt, %get3A_1315, %select_n3A_1294 : vector<16xf32>
      %gt3A_1317 = arith.cmpf ogt, %get3A_1315, %select_n3A_1291 : vector<16xf32>
      %select_n3A_1318 = arith.select %gt3A_1317, %get3A_1315, %select_n3A_1291 : vector<16xi1>, vector<16xf32>
      %select_n3A_1319 = arith.select %gt3A_1316, %select_n3A_1294, %select_n3A_1318 : vector<16xi1>, vector<16xf32>
      %select_n3A_1320 = arith.select %gt3A_1317, %broadcast_in_dim3A_1310, %select_n3A_1293 : vector<16xi1>, vector<16xi32>
      %select_n3A_1321 = arith.select %gt3A_1316, %select_n3A_1295, %select_n3A_1320 : vector<16xi1>, vector<16xi32>
      %select_n3A_1322 = arith.select %gt3A_1316, %get3A_1315, %select_n3A_1294 : vector<16xi1>, vector<16xf32>
      %select_n3A_1323 = arith.select %gt3A_1316, %broadcast_in_dim3A_1310, %select_n3A_1295 : vector<16xi1>, vector<16xi32>
      %get3A_1324 = arith.constant 46 : i32
      %get3A_1325 = arith.index_cast %get3A_1324 : i32 to index
      %get3A_1326 = arith.index_cast %mul3A_20 : i32 to index
      %get3A_1327 = tpu.vector_load %arg5[%get3A_1325, %get3A_1326] {strides = array<i32>} : memref<64x256xf32, #tpu.memory_space<vmem>>, vector<1x16xf32>,
      %get3A_1328 = vector.shape_cast %get3A_1327 : vector<1x16xf32> to vector<16xf32>
      %gt3A_1329 = arith.cmpf ogt, %get3A_1328, %select_n3A_1307 : vector<16xf32>
      %gt3A_1330 = arith.cmpf ogt, %get3A_1328, %select_n3A_1304 : vector<16xf32>
      %select_n3A_1331 = arith.select %gt3A_1330, %get3A_1328, %select_n3A_1304 : vector<16xi1>, vector<16xf32>
      %select_n3A_1332 = arith.select %gt3A_1329, %select_n3A_1307, %select_n3A_1331 : vector<16xi1>, vector<16xf32>
      %select_n3A_1333 = arith.select %gt3A_1330, %broadcast_in_dim3A_1310, %select_n3A_1306 : vector<16xi1>, vector<16xi32>
      %select_n3A_1334 = arith.select %gt3A_1329, %select_n3A_1308, %select_n3A_1333 : vector<16xi1>, vector<16xi32>
      %select_n3A_1335 = arith.select %gt3A_1329, %get3A_1328, %select_n3A_1307 : vector<16xi1>, vector<16xf32>
      %select_n3A_1336 = arith.select %gt3A_1329, %broadcast_in_dim3A_1310, %select_n3A_1308 : vector<16xi1>, vector<16xi32>
      %broadcast_in_dim3A_1337 = arith.constant 47 : i32
      %broadcast_in_dim3A_1338 = vector.broadcast %broadcast_in_dim3A_1337 : i32 to vector<16xi32>
      %get3A_1339 = arith.constant 47 : i32
      %get3A_1340 = arith.index_cast %get3A_1339 : i32 to index
      %get3A_1341 = arith.index_cast %mul3A_14 : i32 to index
      %get3A_1342 = tpu.vector_load %arg5[%get3A_1340, %get3A_1341] {strides = array<i32>} : memref<64x256xf32, #tpu.memory_space<vmem>>, vector<1x16xf32>,
      %get3A_1343 = vector.shape_cast %get3A_1342 : vector<1x16xf32> to vector<16xf32>
      %gt3A_1344 = arith.cmpf ogt, %get3A_1343, %select_n3A_1322 : vector<16xf32>
      %gt3A_1345 = arith.cmpf ogt, %get3A_1343, %select_n3A_1319 : vector<16xf32>
      %select_n3A_1346 = arith.select %gt3A_1345, %get3A_1343, %select_n3A_1319 : vector<16xi1>, vector<16xf32>
      %select_n3A_1347 = arith.select %gt3A_1344, %select_n3A_1322, %select_n3A_1346 : vector<16xi1>, vector<16xf32>
      %select_n3A_1348 = arith.select %gt3A_1345, %broadcast_in_dim3A_1338, %select_n3A_1321 : vector<16xi1>, vector<16xi32>
      %select_n3A_1349 = arith.select %gt3A_1344, %select_n3A_1323, %select_n3A_1348 : vector<16xi1>, vector<16xi32>
      %select_n3A_1350 = arith.select %gt3A_1344, %get3A_1343, %select_n3A_1322 : vector<16xi1>, vector<16xf32>
      %select_n3A_1351 = arith.select %gt3A_1344, %broadcast_in_dim3A_1338, %select_n3A_1323 : vector<16xi1>, vector<16xi32>
      %get3A_1352 = arith.constant 47 : i32
      %get3A_1353 = arith.index_cast %get3A_1352 : i32 to index
      %get3A_1354 = arith.index_cast %mul3A_20 : i32 to index
      %get3A_1355 = tpu.vector_load %arg5[%get3A_1353, %get3A_1354] {strides = array<i32>} : memref<64x256xf32, #tpu.memory_space<vmem>>, vector<1x16xf32>,
      %get3A_1356 = vector.shape_cast %get3A_1355 : vector<1x16xf32> to vector<16xf32>
      %gt3A_1357 = arith.cmpf ogt, %get3A_1356, %select_n3A_1335 : vector<16xf32>
      %gt3A_1358 = arith.cmpf ogt, %get3A_1356, %select_n3A_1332 : vector<16xf32>
      %select_n3A_1359 = arith.select %gt3A_1358, %get3A_1356, %select_n3A_1332 : vector<16xi1>, vector<16xf32>
      %select_n3A_1360 = arith.select %gt3A_1357, %select_n3A_1335, %select_n3A_1359 : vector<16xi1>, vector<16xf32>
      %select_n3A_1361 = arith.select %gt3A_1358, %broadcast_in_dim3A_1338, %select_n3A_1334 : vector<16xi1>, vector<16xi32>
      %select_n3A_1362 = arith.select %gt3A_1357, %select_n3A_1336, %select_n3A_1361 : vector<16xi1>, vector<16xi32>
      %select_n3A_1363 = arith.select %gt3A_1357, %get3A_1356, %select_n3A_1335 : vector<16xi1>, vector<16xf32>
      %select_n3A_1364 = arith.select %gt3A_1357, %broadcast_in_dim3A_1338, %select_n3A_1336 : vector<16xi1>, vector<16xi32>
      %broadcast_in_dim3A_1365 = arith.constant 48 : i32
      %broadcast_in_dim3A_1366 = vector.broadcast %broadcast_in_dim3A_1365 : i32 to vector<16xi32>
      %get3A_1367 = arith.constant 48 : i32
      %get3A_1368 = arith.index_cast %get3A_1367 : i32 to index
      %get3A_1369 = arith.index_cast %mul3A_14 : i32 to index
      %get3A_1370 = tpu.vector_load %arg5[%get3A_1368, %get3A_1369] {strides = array<i32>} : memref<64x256xf32, #tpu.memory_space<vmem>>, vector<1x16xf32>,
      %get3A_1371 = vector.shape_cast %get3A_1370 : vector<1x16xf32> to vector<16xf32>
      %gt3A_1372 = arith.cmpf ogt, %get3A_1371, %select_n3A_1350 : vector<16xf32>
      %gt3A_1373 = arith.cmpf ogt, %get3A_1371, %select_n3A_1347 : vector<16xf32>
      %select_n3A_1374 = arith.select %gt3A_1373, %get3A_1371, %select_n3A_1347 : vector<16xi1>, vector<16xf32>
      %select_n3A_1375 = arith.select %gt3A_1372, %select_n3A_1350, %select_n3A_1374 : vector<16xi1>, vector<16xf32>
      %select_n3A_1376 = arith.select %gt3A_1373, %broadcast_in_dim3A_1366, %select_n3A_1349 : vector<16xi1>, vector<16xi32>
      %select_n3A_1377 = arith.select %gt3A_1372, %select_n3A_1351, %select_n3A_1376 : vector<16xi1>, vector<16xi32>
      %select_n3A_1378 = arith.select %gt3A_1372, %get3A_1371, %select_n3A_1350 : vector<16xi1>, vector<16xf32>
      %select_n3A_1379 = arith.select %gt3A_1372, %broadcast_in_dim3A_1366, %select_n3A_1351 : vector<16xi1>, vector<16xi32>
      %get3A_1380 = arith.constant 48 : i32
      %get3A_1381 = arith.index_cast %get3A_1380 : i32 to index
      %get3A_1382 = arith.index_cast %mul3A_20 : i32 to index
      %get3A_1383 = tpu.vector_load %arg5[%get3A_1381, %get3A_1382] {strides = array<i32>} : memref<64x256xf32, #tpu.memory_space<vmem>>, vector<1x16xf32>,
      %get3A_1384 = vector.shape_cast %get3A_1383 : vector<1x16xf32> to vector<16xf32>
      %gt3A_1385 = arith.cmpf ogt, %get3A_1384, %select_n3A_1363 : vector<16xf32>
      %gt3A_1386 = arith.cmpf ogt, %get3A_1384, %select_n3A_1360 : vector<16xf32>
      %select_n3A_1387 = arith.select %gt3A_1386, %get3A_1384, %select_n3A_1360 : vector<16xi1>, vector<16xf32>
      %select_n3A_1388 = arith.select %gt3A_1385, %select_n3A_1363, %select_n3A_1387 : vector<16xi1>, vector<16xf32>
      %select_n3A_1389 = arith.select %gt3A_1386, %broadcast_in_dim3A_1366, %select_n3A_1362 : vector<16xi1>, vector<16xi32>
      %select_n3A_1390 = arith.select %gt3A_1385, %select_n3A_1364, %select_n3A_1389 : vector<16xi1>, vector<16xi32>
      %select_n3A_1391 = arith.select %gt3A_1385, %get3A_1384, %select_n3A_1363 : vector<16xi1>, vector<16xf32>
      %select_n3A_1392 = arith.select %gt3A_1385, %broadcast_in_dim3A_1366, %select_n3A_1364 : vector<16xi1>, vector<16xi32>
      %broadcast_in_dim3A_1393 = arith.constant 49 : i32
      %broadcast_in_dim3A_1394 = vector.broadcast %broadcast_in_dim3A_1393 : i32 to vector<16xi32>
      %get3A_1395 = arith.constant 49 : i32
      %get3A_1396 = arith.index_cast %get3A_1395 : i32 to index
      %get3A_1397 = arith.index_cast %mul3A_14 : i32 to index
      %get3A_1398 = tpu.vector_load %arg5[%get3A_1396, %get3A_1397] {strides = array<i32>} : memref<64x256xf32, #tpu.memory_space<vmem>>, vector<1x16xf32>,
      %get3A_1399 = vector.shape_cast %get3A_1398 : vector<1x16xf32> to vector<16xf32>
      %gt3A_1400 = arith.cmpf ogt, %get3A_1399, %select_n3A_1378 : vector<16xf32>
      %gt3A_1401 = arith.cmpf ogt, %get3A_1399, %select_n3A_1375 : vector<16xf32>
      %select_n3A_1402 = arith.select %gt3A_1401, %get3A_1399, %select_n3A_1375 : vector<16xi1>, vector<16xf32>
      %select_n3A_1403 = arith.select %gt3A_1400, %select_n3A_1378, %select_n3A_1402 : vector<16xi1>, vector<16xf32>
      %select_n3A_1404 = arith.select %gt3A_1401, %broadcast_in_dim3A_1394, %select_n3A_1377 : vector<16xi1>, vector<16xi32>
      %select_n3A_1405 = arith.select %gt3A_1400, %select_n3A_1379, %select_n3A_1404 : vector<16xi1>, vector<16xi32>
      %select_n3A_1406 = arith.select %gt3A_1400, %get3A_1399, %select_n3A_1378 : vector<16xi1>, vector<16xf32>
      %select_n3A_1407 = arith.select %gt3A_1400, %broadcast_in_dim3A_1394, %select_n3A_1379 : vector<16xi1>, vector<16xi32>
      %get3A_1408 = arith.constant 49 : i32
      %get3A_1409 = arith.index_cast %get3A_1408 : i32 to index
      %get3A_1410 = arith.index_cast %mul3A_20 : i32 to index
      %get3A_1411 = tpu.vector_load %arg5[%get3A_1409, %get3A_1410] {strides = array<i32>} : memref<64x256xf32, #tpu.memory_space<vmem>>, vector<1x16xf32>,
      %get3A_1412 = vector.shape_cast %get3A_1411 : vector<1x16xf32> to vector<16xf32>
      %gt3A_1413 = arith.cmpf ogt, %get3A_1412, %select_n3A_1391 : vector<16xf32>
      %gt3A_1414 = arith.cmpf ogt, %get3A_1412, %select_n3A_1388 : vector<16xf32>
      %select_n3A_1415 = arith.select %gt3A_1414, %get3A_1412, %select_n3A_1388 : vector<16xi1>, vector<16xf32>
      %select_n3A_1416 = arith.select %gt3A_1413, %select_n3A_1391, %select_n3A_1415 : vector<16xi1>, vector<16xf32>
      %select_n3A_1417 = arith.select %gt3A_1414, %broadcast_in_dim3A_1394, %select_n3A_1390 : vector<16xi1>, vector<16xi32>
      %select_n3A_1418 = arith.select %gt3A_1413, %select_n3A_1392, %select_n3A_1417 : vector<16xi1>, vector<16xi32>
      %select_n3A_1419 = arith.select %gt3A_1413, %get3A_1412, %select_n3A_1391 : vector<16xi1>, vector<16xf32>
      %select_n3A_1420 = arith.select %gt3A_1413, %broadcast_in_dim3A_1394, %select_n3A_1392 : vector<16xi1>, vector<16xi32>
      %broadcast_in_dim3A_1421 = arith.constant 50 : i32
      %broadcast_in_dim3A_1422 = vector.broadcast %broadcast_in_dim3A_1421 : i32 to vector<16xi32>
      %get3A_1423 = arith.constant 50 : i32
      %get3A_1424 = arith.index_cast %get3A_1423 : i32 to index
      %get3A_1425 = arith.index_cast %mul3A_14 : i32 to index
      %get3A_1426 = tpu.vector_load %arg5[%get3A_1424, %get3A_1425] {strides = array<i32>} : memref<64x256xf32, #tpu.memory_space<vmem>>, vector<1x16xf32>,
      %get3A_1427 = vector.shape_cast %get3A_1426 : vector<1x16xf32> to vector<16xf32>
      %gt3A_1428 = arith.cmpf ogt, %get3A_1427, %select_n3A_1406 : vector<16xf32>
      %gt3A_1429 = arith.cmpf ogt, %get3A_1427, %select_n3A_1403 : vector<16xf32>
      %select_n3A_1430 = arith.select %gt3A_1429, %get3A_1427, %select_n3A_1403 : vector<16xi1>, vector<16xf32>
      %select_n3A_1431 = arith.select %gt3A_1428, %select_n3A_1406, %select_n3A_1430 : vector<16xi1>, vector<16xf32>
      %select_n3A_1432 = arith.select %gt3A_1429, %broadcast_in_dim3A_1422, %select_n3A_1405 : vector<16xi1>, vector<16xi32>
      %select_n3A_1433 = arith.select %gt3A_1428, %select_n3A_1407, %select_n3A_1432 : vector<16xi1>, vector<16xi32>
      %select_n3A_1434 = arith.select %gt3A_1428, %get3A_1427, %select_n3A_1406 : vector<16xi1>, vector<16xf32>
      %select_n3A_1435 = arith.select %gt3A_1428, %broadcast_in_dim3A_1422, %select_n3A_1407 : vector<16xi1>, vector<16xi32>
      %get3A_1436 = arith.constant 50 : i32
      %get3A_1437 = arith.index_cast %get3A_1436 : i32 to index
      %get3A_1438 = arith.index_cast %mul3A_20 : i32 to index
      %get3A_1439 = tpu.vector_load %arg5[%get3A_1437, %get3A_1438] {strides = array<i32>} : memref<64x256xf32, #tpu.memory_space<vmem>>, vector<1x16xf32>,
      %get3A_1440 = vector.shape_cast %get3A_1439 : vector<1x16xf32> to vector<16xf32>
      %gt3A_1441 = arith.cmpf ogt, %get3A_1440, %select_n3A_1419 : vector<16xf32>
      %gt3A_1442 = arith.cmpf ogt, %get3A_1440, %select_n3A_1416 : vector<16xf32>
      %select_n3A_1443 = arith.select %gt3A_1442, %get3A_1440, %select_n3A_1416 : vector<16xi1>, vector<16xf32>
      %select_n3A_1444 = arith.select %gt3A_1441, %select_n3A_1419, %select_n3A_1443 : vector<16xi1>, vector<16xf32>
      %select_n3A_1445 = arith.select %gt3A_1442, %broadcast_in_dim3A_1422, %select_n3A_1418 : vector<16xi1>, vector<16xi32>
      %select_n3A_1446 = arith.select %gt3A_1441, %select_n3A_1420, %select_n3A_1445 : vector<16xi1>, vector<16xi32>
      %select_n3A_1447 = arith.select %gt3A_1441, %get3A_1440, %select_n3A_1419 : vector<16xi1>, vector<16xf32>
      %select_n3A_1448 = arith.select %gt3A_1441, %broadcast_in_dim3A_1422, %select_n3A_1420 : vector<16xi1>, vector<16xi32>
      %broadcast_in_dim3A_1449 = arith.constant 51 : i32
      %broadcast_in_dim3A_1450 = vector.broadcast %broadcast_in_dim3A_1449 : i32 to vector<16xi32>
      %get3A_1451 = arith.constant 51 : i32
      %get3A_1452 = arith.index_cast %get3A_1451 : i32 to index
      %get3A_1453 = arith.index_cast %mul3A_14 : i32 to index
      %get3A_1454 = tpu.vector_load %arg5[%get3A_1452, %get3A_1453] {strides = array<i32>} : memref<64x256xf32, #tpu.memory_space<vmem>>, vector<1x16xf32>,
      %get3A_1455 = vector.shape_cast %get3A_1454 : vector<1x16xf32> to vector<16xf32>
      %gt3A_1456 = arith.cmpf ogt, %get3A_1455, %select_n3A_1434 : vector<16xf32>
      %gt3A_1457 = arith.cmpf ogt, %get3A_1455, %select_n3A_1431 : vector<16xf32>
      %select_n3A_1458 = arith.select %gt3A_1457, %get3A_1455, %select_n3A_1431 : vector<16xi1>, vector<16xf32>
      %select_n3A_1459 = arith.select %gt3A_1456, %select_n3A_1434, %select_n3A_1458 : vector<16xi1>, vector<16xf32>
      %select_n3A_1460 = arith.select %gt3A_1457, %broadcast_in_dim3A_1450, %select_n3A_1433 : vector<16xi1>, vector<16xi32>
      %select_n3A_1461 = arith.select %gt3A_1456, %select_n3A_1435, %select_n3A_1460 : vector<16xi1>, vector<16xi32>
      %select_n3A_1462 = arith.select %gt3A_1456, %get3A_1455, %select_n3A_1434 : vector<16xi1>, vector<16xf32>
      %select_n3A_1463 = arith.select %gt3A_1456, %broadcast_in_dim3A_1450, %select_n3A_1435 : vector<16xi1>, vector<16xi32>
      %get3A_1464 = arith.constant 51 : i32
      %get3A_1465 = arith.index_cast %get3A_1464 : i32 to index
      %get3A_1466 = arith.index_cast %mul3A_20 : i32 to index
      %get3A_1467 = tpu.vector_load %arg5[%get3A_1465, %get3A_1466] {strides = array<i32>} : memref<64x256xf32, #tpu.memory_space<vmem>>, vector<1x16xf32>,
      %get3A_1468 = vector.shape_cast %get3A_1467 : vector<1x16xf32> to vector<16xf32>
      %gt3A_1469 = arith.cmpf ogt, %get3A_1468, %select_n3A_1447 : vector<16xf32>
      %gt3A_1470 = arith.cmpf ogt, %get3A_1468, %select_n3A_1444 : vector<16xf32>
      %select_n3A_1471 = arith.select %gt3A_1470, %get3A_1468, %select_n3A_1444 : vector<16xi1>, vector<16xf32>
      %select_n3A_1472 = arith.select %gt3A_1469, %select_n3A_1447, %select_n3A_1471 : vector<16xi1>, vector<16xf32>
      %select_n3A_1473 = arith.select %gt3A_1470, %broadcast_in_dim3A_1450, %select_n3A_1446 : vector<16xi1>, vector<16xi32>
      %select_n3A_1474 = arith.select %gt3A_1469, %select_n3A_1448, %select_n3A_1473 : vector<16xi1>, vector<16xi32>
      %select_n3A_1475 = arith.select %gt3A_1469, %get3A_1468, %select_n3A_1447 : vector<16xi1>, vector<16xf32>
      %select_n3A_1476 = arith.select %gt3A_1469, %broadcast_in_dim3A_1450, %select_n3A_1448 : vector<16xi1>, vector<16xi32>
      %broadcast_in_dim3A_1477 = arith.constant 52 : i32
      %broadcast_in_dim3A_1478 = vector.broadcast %broadcast_in_dim3A_1477 : i32 to vector<16xi32>
      %get3A_1479 = arith.constant 52 : i32
      %get3A_1480 = arith.index_cast %get3A_1479 : i32 to index
      %get3A_1481 = arith.index_cast %mul3A_14 : i32 to index
      %get3A_1482 = tpu.vector_load %arg5[%get3A_1480, %get3A_1481] {strides = array<i32>} : memref<64x256xf32, #tpu.memory_space<vmem>>, vector<1x16xf32>,
      %get3A_1483 = vector.shape_cast %get3A_1482 : vector<1x16xf32> to vector<16xf32>
      %gt3A_1484 = arith.cmpf ogt, %get3A_1483, %select_n3A_1462 : vector<16xf32>
      %gt3A_1485 = arith.cmpf ogt, %get3A_1483, %select_n3A_1459 : vector<16xf32>
      %select_n3A_1486 = arith.select %gt3A_1485, %get3A_1483, %select_n3A_1459 : vector<16xi1>, vector<16xf32>
      %select_n3A_1487 = arith.select %gt3A_1484, %select_n3A_1462, %select_n3A_1486 : vector<16xi1>, vector<16xf32>
      %select_n3A_1488 = arith.select %gt3A_1485, %broadcast_in_dim3A_1478, %select_n3A_1461 : vector<16xi1>, vector<16xi32>
      %select_n3A_1489 = arith.select %gt3A_1484, %select_n3A_1463, %select_n3A_1488 : vector<16xi1>, vector<16xi32>
      %select_n3A_1490 = arith.select %gt3A_1484, %get3A_1483, %select_n3A_1462 : vector<16xi1>, vector<16xf32>
      %select_n3A_1491 = arith.select %gt3A_1484, %broadcast_in_dim3A_1478, %select_n3A_1463 : vector<16xi1>, vector<16xi32>
      %get3A_1492 = arith.constant 52 : i32
      %get3A_1493 = arith.index_cast %get3A_1492 : i32 to index
      %get3A_1494 = arith.index_cast %mul3A_20 : i32 to index
      %get3A_1495 = tpu.vector_load %arg5[%get3A_1493, %get3A_1494] {strides = array<i32>} : memref<64x256xf32, #tpu.memory_space<vmem>>, vector<1x16xf32>,
      %get3A_1496 = vector.shape_cast %get3A_1495 : vector<1x16xf32> to vector<16xf32>
      %gt3A_1497 = arith.cmpf ogt, %get3A_1496, %select_n3A_1475 : vector<16xf32>
      %gt3A_1498 = arith.cmpf ogt, %get3A_1496, %select_n3A_1472 : vector<16xf32>
      %select_n3A_1499 = arith.select %gt3A_1498, %get3A_1496, %select_n3A_1472 : vector<16xi1>, vector<16xf32>
      %select_n3A_1500 = arith.select %gt3A_1497, %select_n3A_1475, %select_n3A_1499 : vector<16xi1>, vector<16xf32>
      %select_n3A_1501 = arith.select %gt3A_1498, %broadcast_in_dim3A_1478, %select_n3A_1474 : vector<16xi1>, vector<16xi32>
      %select_n3A_1502 = arith.select %gt3A_1497, %select_n3A_1476, %select_n3A_1501 : vector<16xi1>, vector<16xi32>
      %select_n3A_1503 = arith.select %gt3A_1497, %get3A_1496, %select_n3A_1475 : vector<16xi1>, vector<16xf32>
      %select_n3A_1504 = arith.select %gt3A_1497, %broadcast_in_dim3A_1478, %select_n3A_1476 : vector<16xi1>, vector<16xi32>
      %broadcast_in_dim3A_1505 = arith.constant 53 : i32
      %broadcast_in_dim3A_1506 = vector.broadcast %broadcast_in_dim3A_1505 : i32 to vector<16xi32>
      %get3A_1507 = arith.constant 53 : i32
      %get3A_1508 = arith.index_cast %get3A_1507 : i32 to index
      %get3A_1509 = arith.index_cast %mul3A_14 : i32 to index
      %get3A_1510 = tpu.vector_load %arg5[%get3A_1508, %get3A_1509] {strides = array<i32>} : memref<64x256xf32, #tpu.memory_space<vmem>>, vector<1x16xf32>,
      %get3A_1511 = vector.shape_cast %get3A_1510 : vector<1x16xf32> to vector<16xf32>
      %gt3A_1512 = arith.cmpf ogt, %get3A_1511, %select_n3A_1490 : vector<16xf32>
      %gt3A_1513 = arith.cmpf ogt, %get3A_1511, %select_n3A_1487 : vector<16xf32>
      %select_n3A_1514 = arith.select %gt3A_1513, %get3A_1511, %select_n3A_1487 : vector<16xi1>, vector<16xf32>
      %select_n3A_1515 = arith.select %gt3A_1512, %select_n3A_1490, %select_n3A_1514 : vector<16xi1>, vector<16xf32>
      %select_n3A_1516 = arith.select %gt3A_1513, %broadcast_in_dim3A_1506, %select_n3A_1489 : vector<16xi1>, vector<16xi32>
      %select_n3A_1517 = arith.select %gt3A_1512, %select_n3A_1491, %select_n3A_1516 : vector<16xi1>, vector<16xi32>
      %select_n3A_1518 = arith.select %gt3A_1512, %get3A_1511, %select_n3A_1490 : vector<16xi1>, vector<16xf32>
      %select_n3A_1519 = arith.select %gt3A_1512, %broadcast_in_dim3A_1506, %select_n3A_1491 : vector<16xi1>, vector<16xi32>
      %get3A_1520 = arith.constant 53 : i32
      %get3A_1521 = arith.index_cast %get3A_1520 : i32 to index
      %get3A_1522 = arith.index_cast %mul3A_20 : i32 to index
      %get3A_1523 = tpu.vector_load %arg5[%get3A_1521, %get3A_1522] {strides = array<i32>} : memref<64x256xf32, #tpu.memory_space<vmem>>, vector<1x16xf32>,
      %get3A_1524 = vector.shape_cast %get3A_1523 : vector<1x16xf32> to vector<16xf32>
      %gt3A_1525 = arith.cmpf ogt, %get3A_1524, %select_n3A_1503 : vector<16xf32>
      %gt3A_1526 = arith.cmpf ogt, %get3A_1524, %select_n3A_1500 : vector<16xf32>
      %select_n3A_1527 = arith.select %gt3A_1526, %get3A_1524, %select_n3A_1500 : vector<16xi1>, vector<16xf32>
      %select_n3A_1528 = arith.select %gt3A_1525, %select_n3A_1503, %select_n3A_1527 : vector<16xi1>, vector<16xf32>
      %select_n3A_1529 = arith.select %gt3A_1526, %broadcast_in_dim3A_1506, %select_n3A_1502 : vector<16xi1>, vector<16xi32>
      %select_n3A_1530 = arith.select %gt3A_1525, %select_n3A_1504, %select_n3A_1529 : vector<16xi1>, vector<16xi32>
      %select_n3A_1531 = arith.select %gt3A_1525, %get3A_1524, %select_n3A_1503 : vector<16xi1>, vector<16xf32>
      %select_n3A_1532 = arith.select %gt3A_1525, %broadcast_in_dim3A_1506, %select_n3A_1504 : vector<16xi1>, vector<16xi32>
      %broadcast_in_dim3A_1533 = arith.constant 54 : i32
      %broadcast_in_dim3A_1534 = vector.broadcast %broadcast_in_dim3A_1533 : i32 to vector<16xi32>
      %get3A_1535 = arith.constant 54 : i32
      %get3A_1536 = arith.index_cast %get3A_1535 : i32 to index
      %get3A_1537 = arith.index_cast %mul3A_14 : i32 to index
      %get3A_1538 = tpu.vector_load %arg5[%get3A_1536, %get3A_1537] {strides = array<i32>} : memref<64x256xf32, #tpu.memory_space<vmem>>, vector<1x16xf32>,
      %get3A_1539 = vector.shape_cast %get3A_1538 : vector<1x16xf32> to vector<16xf32>
      %gt3A_1540 = arith.cmpf ogt, %get3A_1539, %select_n3A_1518 : vector<16xf32>
      %gt3A_1541 = arith.cmpf ogt, %get3A_1539, %select_n3A_1515 : vector<16xf32>
      %select_n3A_1542 = arith.select %gt3A_1541, %get3A_1539, %select_n3A_1515 : vector<16xi1>, vector<16xf32>
      %select_n3A_1543 = arith.select %gt3A_1540, %select_n3A_1518, %select_n3A_1542 : vector<16xi1>, vector<16xf32>
      %select_n3A_1544 = arith.select %gt3A_1541, %broadcast_in_dim3A_1534, %select_n3A_1517 : vector<16xi1>, vector<16xi32>
      %select_n3A_1545 = arith.select %gt3A_1540, %select_n3A_1519, %select_n3A_1544 : vector<16xi1>, vector<16xi32>
      %select_n3A_1546 = arith.select %gt3A_1540, %get3A_1539, %select_n3A_1518 : vector<16xi1>, vector<16xf32>
      %select_n3A_1547 = arith.select %gt3A_1540, %broadcast_in_dim3A_1534, %select_n3A_1519 : vector<16xi1>, vector<16xi32>
      %get3A_1548 = arith.constant 54 : i32
      %get3A_1549 = arith.index_cast %get3A_1548 : i32 to index
      %get3A_1550 = arith.index_cast %mul3A_20 : i32 to index
      %get3A_1551 = tpu.vector_load %arg5[%get3A_1549, %get3A_1550] {strides = array<i32>} : memref<64x256xf32, #tpu.memory_space<vmem>>, vector<1x16xf32>,
      %get3A_1552 = vector.shape_cast %get3A_1551 : vector<1x16xf32> to vector<16xf32>
      %gt3A_1553 = arith.cmpf ogt, %get3A_1552, %select_n3A_1531 : vector<16xf32>
      %gt3A_1554 = arith.cmpf ogt, %get3A_1552, %select_n3A_1528 : vector<16xf32>
      %select_n3A_1555 = arith.select %gt3A_1554, %get3A_1552, %select_n3A_1528 : vector<16xi1>, vector<16xf32>
      %select_n3A_1556 = arith.select %gt3A_1553, %select_n3A_1531, %select_n3A_1555 : vector<16xi1>, vector<16xf32>
      %select_n3A_1557 = arith.select %gt3A_1554, %broadcast_in_dim3A_1534, %select_n3A_1530 : vector<16xi1>, vector<16xi32>
      %select_n3A_1558 = arith.select %gt3A_1553, %select_n3A_1532, %select_n3A_1557 : vector<16xi1>, vector<16xi32>
      %select_n3A_1559 = arith.select %gt3A_1553, %get3A_1552, %select_n3A_1531 : vector<16xi1>, vector<16xf32>
      %select_n3A_1560 = arith.select %gt3A_1553, %broadcast_in_dim3A_1534, %select_n3A_1532 : vector<16xi1>, vector<16xi32>
      %broadcast_in_dim3A_1561 = arith.constant 55 : i32
      %broadcast_in_dim3A_1562 = vector.broadcast %broadcast_in_dim3A_1561 : i32 to vector<16xi32>
      %get3A_1563 = arith.constant 55 : i32
      %get3A_1564 = arith.index_cast %get3A_1563 : i32 to index
      %get3A_1565 = arith.index_cast %mul3A_14 : i32 to index
      %get3A_1566 = tpu.vector_load %arg5[%get3A_1564, %get3A_1565] {strides = array<i32>} : memref<64x256xf32, #tpu.memory_space<vmem>>, vector<1x16xf32>,
      %get3A_1567 = vector.shape_cast %get3A_1566 : vector<1x16xf32> to vector<16xf32>
      %gt3A_1568 = arith.cmpf ogt, %get3A_1567, %select_n3A_1546 : vector<16xf32>
      %gt3A_1569 = arith.cmpf ogt, %get3A_1567, %select_n3A_1543 : vector<16xf32>
      %select_n3A_1570 = arith.select %gt3A_1569, %get3A_1567, %select_n3A_1543 : vector<16xi1>, vector<16xf32>
      %select_n3A_1571 = arith.select %gt3A_1568, %select_n3A_1546, %select_n3A_1570 : vector<16xi1>, vector<16xf32>
      %select_n3A_1572 = arith.select %gt3A_1569, %broadcast_in_dim3A_1562, %select_n3A_1545 : vector<16xi1>, vector<16xi32>
      %select_n3A_1573 = arith.select %gt3A_1568, %select_n3A_1547, %select_n3A_1572 : vector<16xi1>, vector<16xi32>
      %select_n3A_1574 = arith.select %gt3A_1568, %get3A_1567, %select_n3A_1546 : vector<16xi1>, vector<16xf32>
      %select_n3A_1575 = arith.select %gt3A_1568, %broadcast_in_dim3A_1562, %select_n3A_1547 : vector<16xi1>, vector<16xi32>
      %get3A_1576 = arith.constant 55 : i32
      %get3A_1577 = arith.index_cast %get3A_1576 : i32 to index
      %get3A_1578 = arith.index_cast %mul3A_20 : i32 to index
      %get3A_1579 = tpu.vector_load %arg5[%get3A_1577, %get3A_1578] {strides = array<i32>} : memref<64x256xf32, #tpu.memory_space<vmem>>, vector<1x16xf32>,
      %get3A_1580 = vector.shape_cast %get3A_1579 : vector<1x16xf32> to vector<16xf32>
      %gt3A_1581 = arith.cmpf ogt, %get3A_1580, %select_n3A_1559 : vector<16xf32>
      %gt3A_1582 = arith.cmpf ogt, %get3A_1580, %select_n3A_1556 : vector<16xf32>
      %select_n3A_1583 = arith.select %gt3A_1582, %get3A_1580, %select_n3A_1556 : vector<16xi1>, vector<16xf32>
      %select_n3A_1584 = arith.select %gt3A_1581, %select_n3A_1559, %select_n3A_1583 : vector<16xi1>, vector<16xf32>
      %select_n3A_1585 = arith.select %gt3A_1582, %broadcast_in_dim3A_1562, %select_n3A_1558 : vector<16xi1>, vector<16xi32>
      %select_n3A_1586 = arith.select %gt3A_1581, %select_n3A_1560, %select_n3A_1585 : vector<16xi1>, vector<16xi32>
      %select_n3A_1587 = arith.select %gt3A_1581, %get3A_1580, %select_n3A_1559 : vector<16xi1>, vector<16xf32>
      %select_n3A_1588 = arith.select %gt3A_1581, %broadcast_in_dim3A_1562, %select_n3A_1560 : vector<16xi1>, vector<16xi32>
      %broadcast_in_dim3A_1589 = arith.constant 56 : i32
      %broadcast_in_dim3A_1590 = vector.broadcast %broadcast_in_dim3A_1589 : i32 to vector<16xi32>
      %get3A_1591 = arith.constant 56 : i32
      %get3A_1592 = arith.index_cast %get3A_1591 : i32 to index
      %get3A_1593 = arith.index_cast %mul3A_14 : i32 to index
      %get3A_1594 = tpu.vector_load %arg5[%get3A_1592, %get3A_1593] {strides = array<i32>} : memref<64x256xf32, #tpu.memory_space<vmem>>, vector<1x16xf32>,
      %get3A_1595 = vector.shape_cast %get3A_1594 : vector<1x16xf32> to vector<16xf32>
      %gt3A_1596 = arith.cmpf ogt, %get3A_1595, %select_n3A_1574 : vector<16xf32>
      %gt3A_1597 = arith.cmpf ogt, %get3A_1595, %select_n3A_1571 : vector<16xf32>
      %select_n3A_1598 = arith.select %gt3A_1597, %get3A_1595, %select_n3A_1571 : vector<16xi1>, vector<16xf32>
      %select_n3A_1599 = arith.select %gt3A_1596, %select_n3A_1574, %select_n3A_1598 : vector<16xi1>, vector<16xf32>
      %select_n3A_1600 = arith.select %gt3A_1597, %broadcast_in_dim3A_1590, %select_n3A_1573 : vector<16xi1>, vector<16xi32>
      %select_n3A_1601 = arith.select %gt3A_1596, %select_n3A_1575, %select_n3A_1600 : vector<16xi1>, vector<16xi32>
      %select_n3A_1602 = arith.select %gt3A_1596, %get3A_1595, %select_n3A_1574 : vector<16xi1>, vector<16xf32>
      %select_n3A_1603 = arith.select %gt3A_1596, %broadcast_in_dim3A_1590, %select_n3A_1575 : vector<16xi1>, vector<16xi32>
      %get3A_1604 = arith.constant 56 : i32
      %get3A_1605 = arith.index_cast %get3A_1604 : i32 to index
      %get3A_1606 = arith.index_cast %mul3A_20 : i32 to index
      %get3A_1607 = tpu.vector_load %arg5[%get3A_1605, %get3A_1606] {strides = array<i32>} : memref<64x256xf32, #tpu.memory_space<vmem>>, vector<1x16xf32>,
      %get3A_1608 = vector.shape_cast %get3A_1607 : vector<1x16xf32> to vector<16xf32>
      %gt3A_1609 = arith.cmpf ogt, %get3A_1608, %select_n3A_1587 : vector<16xf32>
      %gt3A_1610 = arith.cmpf ogt, %get3A_1608, %select_n3A_1584 : vector<16xf32>
      %select_n3A_1611 = arith.select %gt3A_1610, %get3A_1608, %select_n3A_1584 : vector<16xi1>, vector<16xf32>
      %select_n3A_1612 = arith.select %gt3A_1609, %select_n3A_1587, %select_n3A_1611 : vector<16xi1>, vector<16xf32>
      %select_n3A_1613 = arith.select %gt3A_1610, %broadcast_in_dim3A_1590, %select_n3A_1586 : vector<16xi1>, vector<16xi32>
      %select_n3A_1614 = arith.select %gt3A_1609, %select_n3A_1588, %select_n3A_1613 : vector<16xi1>, vector<16xi32>
      %select_n3A_1615 = arith.select %gt3A_1609, %get3A_1608, %select_n3A_1587 : vector<16xi1>, vector<16xf32>
      %select_n3A_1616 = arith.select %gt3A_1609, %broadcast_in_dim3A_1590, %select_n3A_1588 : vector<16xi1>, vector<16xi32>
      %broadcast_in_dim3A_1617 = arith.constant 57 : i32
      %broadcast_in_dim3A_1618 = vector.broadcast %broadcast_in_dim3A_1617 : i32 to vector<16xi32>
      %get3A_1619 = arith.constant 57 : i32
      %get3A_1620 = arith.index_cast %get3A_1619 : i32 to index
      %get3A_1621 = arith.index_cast %mul3A_14 : i32 to index
      %get3A_1622 = tpu.vector_load %arg5[%get3A_1620, %get3A_1621] {strides = array<i32>} : memref<64x256xf32, #tpu.memory_space<vmem>>, vector<1x16xf32>,
      %get3A_1623 = vector.shape_cast %get3A_1622 : vector<1x16xf32> to vector<16xf32>
      %gt3A_1624 = arith.cmpf ogt, %get3A_1623, %select_n3A_1602 : vector<16xf32>
      %gt3A_1625 = arith.cmpf ogt, %get3A_1623, %select_n3A_1599 : vector<16xf32>
      %select_n3A_1626 = arith.select %gt3A_1625, %get3A_1623, %select_n3A_1599 : vector<16xi1>, vector<16xf32>
      %select_n3A_1627 = arith.select %gt3A_1624, %select_n3A_1602, %select_n3A_1626 : vector<16xi1>, vector<16xf32>
      %select_n3A_1628 = arith.select %gt3A_1625, %broadcast_in_dim3A_1618, %select_n3A_1601 : vector<16xi1>, vector<16xi32>
      %select_n3A_1629 = arith.select %gt3A_1624, %select_n3A_1603, %select_n3A_1628 : vector<16xi1>, vector<16xi32>
      %select_n3A_1630 = arith.select %gt3A_1624, %get3A_1623, %select_n3A_1602 : vector<16xi1>, vector<16xf32>
      %select_n3A_1631 = arith.select %gt3A_1624, %broadcast_in_dim3A_1618, %select_n3A_1603 : vector<16xi1>, vector<16xi32>
      %get3A_1632 = arith.constant 57 : i32
      %get3A_1633 = arith.index_cast %get3A_1632 : i32 to index
      %get3A_1634 = arith.index_cast %mul3A_20 : i32 to index
      %get3A_1635 = tpu.vector_load %arg5[%get3A_1633, %get3A_1634] {strides = array<i32>} : memref<64x256xf32, #tpu.memory_space<vmem>>, vector<1x16xf32>,
      %get3A_1636 = vector.shape_cast %get3A_1635 : vector<1x16xf32> to vector<16xf32>
      %gt3A_1637 = arith.cmpf ogt, %get3A_1636, %select_n3A_1615 : vector<16xf32>
      %gt3A_1638 = arith.cmpf ogt, %get3A_1636, %select_n3A_1612 : vector<16xf32>
      %select_n3A_1639 = arith.select %gt3A_1638, %get3A_1636, %select_n3A_1612 : vector<16xi1>, vector<16xf32>
      %select_n3A_1640 = arith.select %gt3A_1637, %select_n3A_1615, %select_n3A_1639 : vector<16xi1>, vector<16xf32>
      %select_n3A_1641 = arith.select %gt3A_1638, %broadcast_in_dim3A_1618, %select_n3A_1614 : vector<16xi1>, vector<16xi32>
      %select_n3A_1642 = arith.select %gt3A_1637, %select_n3A_1616, %select_n3A_1641 : vector<16xi1>, vector<16xi32>
      %select_n3A_1643 = arith.select %gt3A_1637, %get3A_1636, %select_n3A_1615 : vector<16xi1>, vector<16xf32>
      %select_n3A_1644 = arith.select %gt3A_1637, %broadcast_in_dim3A_1618, %select_n3A_1616 : vector<16xi1>, vector<16xi32>
      %broadcast_in_dim3A_1645 = arith.constant 58 : i32
      %broadcast_in_dim3A_1646 = vector.broadcast %broadcast_in_dim3A_1645 : i32 to vector<16xi32>
      %get3A_1647 = arith.constant 58 : i32
      %get3A_1648 = arith.index_cast %get3A_1647 : i32 to index
      %get3A_1649 = arith.index_cast %mul3A_14 : i32 to index
      %get3A_1650 = tpu.vector_load %arg5[%get3A_1648, %get3A_1649] {strides = array<i32>} : memref<64x256xf32, #tpu.memory_space<vmem>>, vector<1x16xf32>,
      %get3A_1651 = vector.shape_cast %get3A_1650 : vector<1x16xf32> to vector<16xf32>
      %gt3A_1652 = arith.cmpf ogt, %get3A_1651, %select_n3A_1630 : vector<16xf32>
      %gt3A_1653 = arith.cmpf ogt, %get3A_1651, %select_n3A_1627 : vector<16xf32>
      %select_n3A_1654 = arith.select %gt3A_1653, %get3A_1651, %select_n3A_1627 : vector<16xi1>, vector<16xf32>
      %select_n3A_1655 = arith.select %gt3A_1652, %select_n3A_1630, %select_n3A_1654 : vector<16xi1>, vector<16xf32>
      %select_n3A_1656 = arith.select %gt3A_1653, %broadcast_in_dim3A_1646, %select_n3A_1629 : vector<16xi1>, vector<16xi32>
      %select_n3A_1657 = arith.select %gt3A_1652, %select_n3A_1631, %select_n3A_1656 : vector<16xi1>, vector<16xi32>
      %select_n3A_1658 = arith.select %gt3A_1652, %get3A_1651, %select_n3A_1630 : vector<16xi1>, vector<16xf32>
      %select_n3A_1659 = arith.select %gt3A_1652, %broadcast_in_dim3A_1646, %select_n3A_1631 : vector<16xi1>, vector<16xi32>
      %get3A_1660 = arith.constant 58 : i32
      %get3A_1661 = arith.index_cast %get3A_1660 : i32 to index
      %get3A_1662 = arith.index_cast %mul3A_20 : i32 to index
      %get3A_1663 = tpu.vector_load %arg5[%get3A_1661, %get3A_1662] {strides = array<i32>} : memref<64x256xf32, #tpu.memory_space<vmem>>, vector<1x16xf32>,
      %get3A_1664 = vector.shape_cast %get3A_1663 : vector<1x16xf32> to vector<16xf32>
      %gt3A_1665 = arith.cmpf ogt, %get3A_1664, %select_n3A_1643 : vector<16xf32>
      %gt3A_1666 = arith.cmpf ogt, %get3A_1664, %select_n3A_1640 : vector<16xf32>
      %select_n3A_1667 = arith.select %gt3A_1666, %get3A_1664, %select_n3A_1640 : vector<16xi1>, vector<16xf32>
      %select_n3A_1668 = arith.select %gt3A_1665, %select_n3A_1643, %select_n3A_1667 : vector<16xi1>, vector<16xf32>
      %select_n3A_1669 = arith.select %gt3A_1666, %broadcast_in_dim3A_1646, %select_n3A_1642 : vector<16xi1>, vector<16xi32>
      %select_n3A_1670 = arith.select %gt3A_1665, %select_n3A_1644, %select_n3A_1669 : vector<16xi1>, vector<16xi32>
      %select_n3A_1671 = arith.select %gt3A_1665, %get3A_1664, %select_n3A_1643 : vector<16xi1>, vector<16xf32>
      %select_n3A_1672 = arith.select %gt3A_1665, %broadcast_in_dim3A_1646, %select_n3A_1644 : vector<16xi1>, vector<16xi32>
      %broadcast_in_dim3A_1673 = arith.constant 59 : i32
      %broadcast_in_dim3A_1674 = vector.broadcast %broadcast_in_dim3A_1673 : i32 to vector<16xi32>
      %get3A_1675 = arith.constant 59 : i32
      %get3A_1676 = arith.index_cast %get3A_1675 : i32 to index
      %get3A_1677 = arith.index_cast %mul3A_14 : i32 to index
      %get3A_1678 = tpu.vector_load %arg5[%get3A_1676, %get3A_1677] {strides = array<i32>} : memref<64x256xf32, #tpu.memory_space<vmem>>, vector<1x16xf32>,
      %get3A_1679 = vector.shape_cast %get3A_1678 : vector<1x16xf32> to vector<16xf32>
      %gt3A_1680 = arith.cmpf ogt, %get3A_1679, %select_n3A_1658 : vector<16xf32>
      %gt3A_1681 = arith.cmpf ogt, %get3A_1679, %select_n3A_1655 : vector<16xf32>
      %select_n3A_1682 = arith.select %gt3A_1681, %get3A_1679, %select_n3A_1655 : vector<16xi1>, vector<16xf32>
      %select_n3A_1683 = arith.select %gt3A_1680, %select_n3A_1658, %select_n3A_1682 : vector<16xi1>, vector<16xf32>
      %select_n3A_1684 = arith.select %gt3A_1681, %broadcast_in_dim3A_1674, %select_n3A_1657 : vector<16xi1>, vector<16xi32>
      %select_n3A_1685 = arith.select %gt3A_1680, %select_n3A_1659, %select_n3A_1684 : vector<16xi1>, vector<16xi32>
      %select_n3A_1686 = arith.select %gt3A_1680, %get3A_1679, %select_n3A_1658 : vector<16xi1>, vector<16xf32>
      %select_n3A_1687 = arith.select %gt3A_1680, %broadcast_in_dim3A_1674, %select_n3A_1659 : vector<16xi1>, vector<16xi32>
      %get3A_1688 = arith.constant 59 : i32
      %get3A_1689 = arith.index_cast %get3A_1688 : i32 to index
      %get3A_1690 = arith.index_cast %mul3A_20 : i32 to index
      %get3A_1691 = tpu.vector_load %arg5[%get3A_1689, %get3A_1690] {strides = array<i32>} : memref<64x256xf32, #tpu.memory_space<vmem>>, vector<1x16xf32>,
      %get3A_1692 = vector.shape_cast %get3A_1691 : vector<1x16xf32> to vector<16xf32>
      %gt3A_1693 = arith.cmpf ogt, %get3A_1692, %select_n3A_1671 : vector<16xf32>
      %gt3A_1694 = arith.cmpf ogt, %get3A_1692, %select_n3A_1668 : vector<16xf32>
      %select_n3A_1695 = arith.select %gt3A_1694, %get3A_1692, %select_n3A_1668 : vector<16xi1>, vector<16xf32>
      %select_n3A_1696 = arith.select %gt3A_1693, %select_n3A_1671, %select_n3A_1695 : vector<16xi1>, vector<16xf32>
      %select_n3A_1697 = arith.select %gt3A_1694, %broadcast_in_dim3A_1674, %select_n3A_1670 : vector<16xi1>, vector<16xi32>
      %select_n3A_1698 = arith.select %gt3A_1693, %select_n3A_1672, %select_n3A_1697 : vector<16xi1>, vector<16xi32>
      %select_n3A_1699 = arith.select %gt3A_1693, %get3A_1692, %select_n3A_1671 : vector<16xi1>, vector<16xf32>
      %select_n3A_1700 = arith.select %gt3A_1693, %broadcast_in_dim3A_1674, %select_n3A_1672 : vector<16xi1>, vector<16xi32>
      %broadcast_in_dim3A_1701 = arith.constant 60 : i32
      %broadcast_in_dim3A_1702 = vector.broadcast %broadcast_in_dim3A_1701 : i32 to vector<16xi32>
      %get3A_1703 = arith.constant 60 : i32
      %get3A_1704 = arith.index_cast %get3A_1703 : i32 to index
      %get3A_1705 = arith.index_cast %mul3A_14 : i32 to index
      %get3A_1706 = tpu.vector_load %arg5[%get3A_1704, %get3A_1705] {strides = array<i32>} : memref<64x256xf32, #tpu.memory_space<vmem>>, vector<1x16xf32>,
      %get3A_1707 = vector.shape_cast %get3A_1706 : vector<1x16xf32> to vector<16xf32>
      %gt3A_1708 = arith.cmpf ogt, %get3A_1707, %select_n3A_1686 : vector<16xf32>
      %gt3A_1709 = arith.cmpf ogt, %get3A_1707, %select_n3A_1683 : vector<16xf32>
      %select_n3A_1710 = arith.select %gt3A_1709, %get3A_1707, %select_n3A_1683 : vector<16xi1>, vector<16xf32>
      %select_n3A_1711 = arith.select %gt3A_1708, %select_n3A_1686, %select_n3A_1710 : vector<16xi1>, vector<16xf32>
      %select_n3A_1712 = arith.select %gt3A_1709, %broadcast_in_dim3A_1702, %select_n3A_1685 : vector<16xi1>, vector<16xi32>
      %select_n3A_1713 = arith.select %gt3A_1708, %select_n3A_1687, %select_n3A_1712 : vector<16xi1>, vector<16xi32>
      %select_n3A_1714 = arith.select %gt3A_1708, %get3A_1707, %select_n3A_1686 : vector<16xi1>, vector<16xf32>
      %select_n3A_1715 = arith.select %gt3A_1708, %broadcast_in_dim3A_1702, %select_n3A_1687 : vector<16xi1>, vector<16xi32>
      %get3A_1716 = arith.constant 60 : i32
      %get3A_1717 = arith.index_cast %get3A_1716 : i32 to index
      %get3A_1718 = arith.index_cast %mul3A_20 : i32 to index
      %get3A_1719 = tpu.vector_load %arg5[%get3A_1717, %get3A_1718] {strides = array<i32>} : memref<64x256xf32, #tpu.memory_space<vmem>>, vector<1x16xf32>,
      %get3A_1720 = vector.shape_cast %get3A_1719 : vector<1x16xf32> to vector<16xf32>
      %gt3A_1721 = arith.cmpf ogt, %get3A_1720, %select_n3A_1699 : vector<16xf32>
      %gt3A_1722 = arith.cmpf ogt, %get3A_1720, %select_n3A_1696 : vector<16xf32>
      %select_n3A_1723 = arith.select %gt3A_1722, %get3A_1720, %select_n3A_1696 : vector<16xi1>, vector<16xf32>
      %select_n3A_1724 = arith.select %gt3A_1721, %select_n3A_1699, %select_n3A_1723 : vector<16xi1>, vector<16xf32>
      %select_n3A_1725 = arith.select %gt3A_1722, %broadcast_in_dim3A_1702, %select_n3A_1698 : vector<16xi1>, vector<16xi32>
      %select_n3A_1726 = arith.select %gt3A_1721, %select_n3A_1700, %select_n3A_1725 : vector<16xi1>, vector<16xi32>
      %select_n3A_1727 = arith.select %gt3A_1721, %get3A_1720, %select_n3A_1699 : vector<16xi1>, vector<16xf32>
      %select_n3A_1728 = arith.select %gt3A_1721, %broadcast_in_dim3A_1702, %select_n3A_1700 : vector<16xi1>, vector<16xi32>
      %broadcast_in_dim3A_1729 = arith.constant 61 : i32
      %broadcast_in_dim3A_1730 = vector.broadcast %broadcast_in_dim3A_1729 : i32 to vector<16xi32>
      %get3A_1731 = arith.constant 61 : i32
      %get3A_1732 = arith.index_cast %get3A_1731 : i32 to index
      %get3A_1733 = arith.index_cast %mul3A_14 : i32 to index
      %get3A_1734 = tpu.vector_load %arg5[%get3A_1732, %get3A_1733] {strides = array<i32>} : memref<64x256xf32, #tpu.memory_space<vmem>>, vector<1x16xf32>,
      %get3A_1735 = vector.shape_cast %get3A_1734 : vector<1x16xf32> to vector<16xf32>
      %gt3A_1736 = arith.cmpf ogt, %get3A_1735, %select_n3A_1714 : vector<16xf32>
      %gt3A_1737 = arith.cmpf ogt, %get3A_1735, %select_n3A_1711 : vector<16xf32>
      %select_n3A_1738 = arith.select %gt3A_1737, %get3A_1735, %select_n3A_1711 : vector<16xi1>, vector<16xf32>
      %select_n3A_1739 = arith.select %gt3A_1736, %select_n3A_1714, %select_n3A_1738 : vector<16xi1>, vector<16xf32>
      %select_n3A_1740 = arith.select %gt3A_1737, %broadcast_in_dim3A_1730, %select_n3A_1713 : vector<16xi1>, vector<16xi32>
      %select_n3A_1741 = arith.select %gt3A_1736, %select_n3A_1715, %select_n3A_1740 : vector<16xi1>, vector<16xi32>
      %select_n3A_1742 = arith.select %gt3A_1736, %get3A_1735, %select_n3A_1714 : vector<16xi1>, vector<16xf32>
      %select_n3A_1743 = arith.select %gt3A_1736, %broadcast_in_dim3A_1730, %select_n3A_1715 : vector<16xi1>, vector<16xi32>
      %get3A_1744 = arith.constant 61 : i32
      %get3A_1745 = arith.index_cast %get3A_1744 : i32 to index
      %get3A_1746 = arith.index_cast %mul3A_20 : i32 to index
      %get3A_1747 = tpu.vector_load %arg5[%get3A_1745, %get3A_1746] {strides = array<i32>} : memref<64x256xf32, #tpu.memory_space<vmem>>, vector<1x16xf32>,
      %get3A_1748 = vector.shape_cast %get3A_1747 : vector<1x16xf32> to vector<16xf32>
      %gt3A_1749 = arith.cmpf ogt, %get3A_1748, %select_n3A_1727 : vector<16xf32>
      %gt3A_1750 = arith.cmpf ogt, %get3A_1748, %select_n3A_1724 : vector<16xf32>
      %select_n3A_1751 = arith.select %gt3A_1750, %get3A_1748, %select_n3A_1724 : vector<16xi1>, vector<16xf32>
      %select_n3A_1752 = arith.select %gt3A_1749, %select_n3A_1727, %select_n3A_1751 : vector<16xi1>, vector<16xf32>
      %select_n3A_1753 = arith.select %gt3A_1750, %broadcast_in_dim3A_1730, %select_n3A_1726 : vector<16xi1>, vector<16xi32>
      %select_n3A_1754 = arith.select %gt3A_1749, %select_n3A_1728, %select_n3A_1753 : vector<16xi1>, vector<16xi32>
      %select_n3A_1755 = arith.select %gt3A_1749, %get3A_1748, %select_n3A_1727 : vector<16xi1>, vector<16xf32>
      %select_n3A_1756 = arith.select %gt3A_1749, %broadcast_in_dim3A_1730, %select_n3A_1728 : vector<16xi1>, vector<16xi32>
      %broadcast_in_dim3A_1757 = arith.constant 62 : i32
      %broadcast_in_dim3A_1758 = vector.broadcast %broadcast_in_dim3A_1757 : i32 to vector<16xi32>
      %get3A_1759 = arith.constant 62 : i32
      %get3A_1760 = arith.index_cast %get3A_1759 : i32 to index
      %get3A_1761 = arith.index_cast %mul3A_14 : i32 to index
      %get3A_1762 = tpu.vector_load %arg5[%get3A_1760, %get3A_1761] {strides = array<i32>} : memref<64x256xf32, #tpu.memory_space<vmem>>, vector<1x16xf32>,
      %get3A_1763 = vector.shape_cast %get3A_1762 : vector<1x16xf32> to vector<16xf32>
      %gt3A_1764 = arith.cmpf ogt, %get3A_1763, %select_n3A_1742 : vector<16xf32>
      %gt3A_1765 = arith.cmpf ogt, %get3A_1763, %select_n3A_1739 : vector<16xf32>
      %select_n3A_1766 = arith.select %gt3A_1765, %get3A_1763, %select_n3A_1739 : vector<16xi1>, vector<16xf32>
      %select_n3A_1767 = arith.select %gt3A_1764, %select_n3A_1742, %select_n3A_1766 : vector<16xi1>, vector<16xf32>
      %select_n3A_1768 = arith.select %gt3A_1765, %broadcast_in_dim3A_1758, %select_n3A_1741 : vector<16xi1>, vector<16xi32>
      %select_n3A_1769 = arith.select %gt3A_1764, %select_n3A_1743, %select_n3A_1768 : vector<16xi1>, vector<16xi32>
      %select_n3A_1770 = arith.select %gt3A_1764, %get3A_1763, %select_n3A_1742 : vector<16xi1>, vector<16xf32>
      %select_n3A_1771 = arith.select %gt3A_1764, %broadcast_in_dim3A_1758, %select_n3A_1743 : vector<16xi1>, vector<16xi32>
      %get3A_1772 = arith.constant 62 : i32
      %get3A_1773 = arith.index_cast %get3A_1772 : i32 to index
      %get3A_1774 = arith.index_cast %mul3A_20 : i32 to index
      %get3A_1775 = tpu.vector_load %arg5[%get3A_1773, %get3A_1774] {strides = array<i32>} : memref<64x256xf32, #tpu.memory_space<vmem>>, vector<1x16xf32>,
      %get3A_1776 = vector.shape_cast %get3A_1775 : vector<1x16xf32> to vector<16xf32>
      %gt3A_1777 = arith.cmpf ogt, %get3A_1776, %select_n3A_1755 : vector<16xf32>
      %gt3A_1778 = arith.cmpf ogt, %get3A_1776, %select_n3A_1752 : vector<16xf32>
      %select_n3A_1779 = arith.select %gt3A_1778, %get3A_1776, %select_n3A_1752 : vector<16xi1>, vector<16xf32>
      %select_n3A_1780 = arith.select %gt3A_1777, %select_n3A_1755, %select_n3A_1779 : vector<16xi1>, vector<16xf32>
      %select_n3A_1781 = arith.select %gt3A_1778, %broadcast_in_dim3A_1758, %select_n3A_1754 : vector<16xi1>, vector<16xi32>
      %select_n3A_1782 = arith.select %gt3A_1777, %select_n3A_1756, %select_n3A_1781 : vector<16xi1>, vector<16xi32>
      %select_n3A_1783 = arith.select %gt3A_1777, %get3A_1776, %select_n3A_1755 : vector<16xi1>, vector<16xf32>
      %select_n3A_1784 = arith.select %gt3A_1777, %broadcast_in_dim3A_1758, %select_n3A_1756 : vector<16xi1>, vector<16xi32>
      %broadcast_in_dim3A_1785 = arith.constant 63 : i32
      %broadcast_in_dim3A_1786 = vector.broadcast %broadcast_in_dim3A_1785 : i32 to vector<16xi32>
      %get3A_1787 = arith.constant 63 : i32
      %get3A_1788 = arith.index_cast %get3A_1787 : i32 to index
      %get3A_1789 = arith.index_cast %mul3A_14 : i32 to index
      %get3A_1790 = tpu.vector_load %arg5[%get3A_1788, %get3A_1789] {strides = array<i32>} : memref<64x256xf32, #tpu.memory_space<vmem>>, vector<1x16xf32>,
      %get3A_1791 = vector.shape_cast %get3A_1790 : vector<1x16xf32> to vector<16xf32>
      %gt3A_1792 = arith.cmpf ogt, %get3A_1791, %select_n3A_1770 : vector<16xf32>
      %gt3A_1793 = arith.cmpf ogt, %get3A_1791, %select_n3A_1767 : vector<16xf32>
      %select_n3A_1794 = arith.select %gt3A_1793, %get3A_1791, %select_n3A_1767 : vector<16xi1>, vector<16xf32>
      %select_n3A_1795 = arith.select %gt3A_1792, %select_n3A_1770, %select_n3A_1794 : vector<16xi1>, vector<16xf32>
      %select_n3A_1796 = arith.select %gt3A_1793, %broadcast_in_dim3A_1786, %select_n3A_1769 : vector<16xi1>, vector<16xi32>
      %select_n3A_1797 = arith.select %gt3A_1792, %select_n3A_1771, %select_n3A_1796 : vector<16xi1>, vector<16xi32>
      %select_n3A_1798 = arith.select %gt3A_1792, %get3A_1791, %select_n3A_1770 : vector<16xi1>, vector<16xf32>
      %select_n3A_1799 = arith.select %gt3A_1792, %broadcast_in_dim3A_1786, %select_n3A_1771 : vector<16xi1>, vector<16xi32>
      %get3A_1800 = arith.constant 63 : i32
      %get3A_1801 = arith.index_cast %get3A_1800 : i32 to index
      %get3A_1802 = arith.index_cast %mul3A_20 : i32 to index
      %get3A_1803 = tpu.vector_load %arg5[%get3A_1801, %get3A_1802] {strides = array<i32>} : memref<64x256xf32, #tpu.memory_space<vmem>>, vector<1x16xf32>,
      %get3A_1804 = vector.shape_cast %get3A_1803 : vector<1x16xf32> to vector<16xf32>
      %gt3A_1805 = arith.cmpf ogt, %get3A_1804, %select_n3A_1783 : vector<16xf32>
      %gt3A_1806 = arith.cmpf ogt, %get3A_1804, %select_n3A_1780 : vector<16xf32>
      %select_n3A_1807 = arith.select %gt3A_1806, %get3A_1804, %select_n3A_1780 : vector<16xi1>, vector<16xf32>
      %select_n3A_1808 = arith.select %gt3A_1805, %select_n3A_1783, %select_n3A_1807 : vector<16xi1>, vector<16xf32>
      %select_n3A_1809 = arith.select %gt3A_1806, %broadcast_in_dim3A_1786, %select_n3A_1782 : vector<16xi1>, vector<16xi32>
      %select_n3A_1810 = arith.select %gt3A_1805, %select_n3A_1784, %select_n3A_1809 : vector<16xi1>, vector<16xi32>
      %select_n3A_1811 = arith.select %gt3A_1805, %get3A_1804, %select_n3A_1783 : vector<16xi1>, vector<16xf32>
      %select_n3A_1812 = arith.select %gt3A_1805, %broadcast_in_dim3A_1786, %select_n3A_1784 : vector<16xi1>, vector<16xi32>
      %sub3A = arith.subf %select_n3A_1795, %select_n3A_1798 : vector<16xf32>
      %exp3A = math.exp %sub3A : vector<16xf32>
      %add3A_1813 = arith.constant 1.000000e+00 : f32
      %add3A_1814 = vector.broadcast %add3A_1813 : f32 to vector<16xf32>
      %add3A_1815 = arith.addf %add3A_1814, %exp3A : vector<16xf32>
      %div3A = arith.constant 1.000000e+00 : f32
      %div3A_1816 = vector.broadcast %div3A : f32 to vector<16xf32>
      %div3A_1817 = arith.divf %div3A_1816, %add3A_1815 : vector<16xf32>
      %swap3A = arith.constant 0 : i32
      %swap3A_1818 = arith.index_cast %swap3A : i32 to index
      %swap3A_1819 = arith.index_cast %mul3A_14 : i32 to index
      %swap3A_1820 = tpu.vector_load %arg6[%swap3A_1818, %swap3A_1819] {strides = array<i32>} : memref<2x256xi32, #tpu.memory_space<vmem>>, vector<1x16xi32>,
      %swap3A_1821 = vector.shape_cast %swap3A_1820 : vector<1x16xi32> to vector<16xi32>
      %swap3A_1822 = vector.shape_cast %select_n3A_1799 : vector<16xi32> to vector<1x16xi32>
      tpu.vector_store %arg6[%swap3A_1818, %swap3A_1819], %swap3A_1822 {strides = array<i32>} : memref<2x256xi32, #tpu.memory_space<vmem>>, vector<1x16xi32>,
      %swap3A_1823 = arith.constant 1 : i32
      %swap3A_1824 = arith.index_cast %swap3A_1823 : i32 to index
      %swap3A_1825 = arith.index_cast %mul3A_14 : i32 to index
      %swap3A_1826 = tpu.vector_load %arg6[%swap3A_1824, %swap3A_1825] {strides = array<i32>} : memref<2x256xi32, #tpu.memory_space<vmem>>, vector<1x16xi32>,
      %swap3A_1827 = vector.shape_cast %swap3A_1826 : vector<1x16xi32> to vector<16xi32>
      %swap3A_1828 = vector.shape_cast %select_n3A_1797 : vector<16xi32> to vector<1x16xi32>
      tpu.vector_store %arg6[%swap3A_1824, %swap3A_1825], %swap3A_1828 {strides = array<i32>} : memref<2x256xi32, #tpu.memory_space<vmem>>, vector<1x16xi32>,
      %swap3A_1829 = arith.constant 0 : i32
      %swap3A_1830 = arith.index_cast %swap3A_1829 : i32 to index
      %swap3A_1831 = arith.index_cast %mul3A_14 : i32 to index
      %swap3A_1832 = tpu.vector_load %arg7[%swap3A_1830, %swap3A_1831] {strides = array<i32>} : memref<2x256xf32, #tpu.memory_space<vmem>>, vector<1x16xf32>,
      %swap3A_1833 = vector.shape_cast %swap3A_1832 : vector<1x16xf32> to vector<16xf32>
      %swap3A_1834 = vector.shape_cast %div3A_1817 : vector<16xf32> to vector<1x16xf32>
      tpu.vector_store %arg7[%swap3A_1830, %swap3A_1831], %swap3A_1834 {strides = array<i32>} : memref<2x256xf32, #tpu.memory_space<vmem>>, vector<1x16xf32>,
      %sub3A_1835 = arith.constant 1.000000e+00 : f32
      %sub3A_1836 = vector.broadcast %sub3A_1835 : f32 to vector<16xf32>
      %sub3A_1837 = arith.subf %sub3A_1836, %div3A_1817 : vector<16xf32>
      %swap3A_1838 = arith.constant 1 : i32
      %swap3A_1839 = arith.index_cast %swap3A_1838 : i32 to index
      %swap3A_1840 = arith.index_cast %mul3A_14 : i32 to index
      %swap3A_1841 = tpu.vector_load %arg7[%swap3A_1839, %swap3A_1840] {strides = array<i32>} : memref<2x256xf32, #tpu.memory_space<vmem>>, vector<1x16xf32>,
      %swap3A_1842 = vector.shape_cast %swap3A_1841 : vector<1x16xf32> to vector<16xf32>
      %swap3A_1843 = vector.shape_cast %sub3A_1837 : vector<16xf32> to vector<1x16xf32>
      tpu.vector_store %arg7[%swap3A_1839, %swap3A_1840], %swap3A_1843 {strides = array<i32>} : memref<2x256xf32, #tpu.memory_space<vmem>>, vector<1x16xf32>,
      %sub3A_1844 = arith.subf %select_n3A_1808, %select_n3A_1811 : vector<16xf32>
      %exp3A_1845 = math.exp %sub3A_1844 : vector<16xf32>
      %add3A_1846 = arith.constant 1.000000e+00 : f32
      %add3A_1847 = vector.broadcast %add3A_1846 : f32 to vector<16xf32>
      %add3A_1848 = arith.addf %add3A_1847, %exp3A_1845 : vector<16xf32>
      %div3A_1849 = arith.constant 1.000000e+00 : f32
      %div3A_1850 = vector.broadcast %div3A_1849 : f32 to vector<16xf32>
      %div3A_1851 = arith.divf %div3A_1850, %add3A_1848 : vector<16xf32>
      %swap3A_1852 = arith.constant 0 : i32
      %swap3A_1853 = arith.index_cast %swap3A_1852 : i32 to index
      %swap3A_1854 = arith.index_cast %mul3A_20 : i32 to index
      %swap3A_1855 = tpu.vector_load %arg6[%swap3A_1853, %swap3A_1854] {strides = array<i32>} : memref<2x256xi32, #tpu.memory_space<vmem>>, vector<1x16xi32>,
      %swap3A_1856 = vector.shape_cast %swap3A_1855 : vector<1x16xi32> to vector<16xi32>
      %swap3A_1857 = vector.shape_cast %select_n3A_1812 : vector<16xi32> to vector<1x16xi32>
      tpu.vector_store %arg6[%swap3A_1853, %swap3A_1854], %swap3A_1857 {strides = array<i32>} : memref<2x256xi32, #tpu.memory_space<vmem>>, vector<1x16xi32>,
      %swap3A_1858 = arith.constant 1 : i32
      %swap3A_1859 = arith.index_cast %swap3A_1858 : i32 to index
      %swap3A_1860 = arith.index_cast %mul3A_20 : i32 to index
      %swap3A_1861 = tpu.vector_load %arg6[%swap3A_1859, %swap3A_1860] {strides = array<i32>} : memref<2x256xi32, #tpu.memory_space<vmem>>, vector<1x16xi32>,
      %swap3A_1862 = vector.shape_cast %swap3A_1861 : vector<1x16xi32> to vector<16xi32>
      %swap3A_1863 = vector.shape_cast %select_n3A_1810 : vector<16xi32> to vector<1x16xi32>
      tpu.vector_store %arg6[%swap3A_1859, %swap3A_1860], %swap3A_1863 {strides = array<i32>} : memref<2x256xi32, #tpu.memory_space<vmem>>, vector<1x16xi32>,
      %swap3A_1864 = arith.constant 0 : i32
      %swap3A_1865 = arith.index_cast %swap3A_1864 : i32 to index
      %swap3A_1866 = arith.index_cast %mul3A_20 : i32 to index
      %swap3A_1867 = tpu.vector_load %arg7[%swap3A_1865, %swap3A_1866] {strides = array<i32>} : memref<2x256xf32, #tpu.memory_space<vmem>>, vector<1x16xf32>,
      %swap3A_1868 = vector.shape_cast %swap3A_1867 : vector<1x16xf32> to vector<16xf32>
      %swap3A_1869 = vector.shape_cast %div3A_1851 : vector<16xf32> to vector<1x16xf32>
      tpu.vector_store %arg7[%swap3A_1865, %swap3A_1866], %swap3A_1869 {strides = array<i32>} : memref<2x256xf32, #tpu.memory_space<vmem>>, vector<1x16xf32>,
      %sub3A_1870 = arith.constant 1.000000e+00 : f32
      %sub3A_1871 = vector.broadcast %sub3A_1870 : f32 to vector<16xf32>
      %sub3A_1872 = arith.subf %sub3A_1871, %div3A_1851 : vector<16xf32>
      %swap3A_1873 = arith.constant 1 : i32
      %swap3A_1874 = arith.index_cast %swap3A_1873 : i32 to index
      %swap3A_1875 = arith.index_cast %mul3A_20 : i32 to index
      %swap3A_1876 = tpu.vector_load %arg7[%swap3A_1874, %swap3A_1875] {strides = array<i32>} : memref<2x256xf32, #tpu.memory_space<vmem>>, vector<1x16xf32>,
      %swap3A_1877 = vector.shape_cast %swap3A_1876 : vector<1x16xf32> to vector<16xf32>
      %swap3A_1878 = vector.shape_cast %sub3A_1872 : vector<16xf32> to vector<1x16xf32>
      tpu.vector_store %arg7[%swap3A_1874, %swap3A_1875], %swap3A_1878 {strides = array<i32>} : memref<2x256xf32, #tpu.memory_space<vmem>>, vector<1x16xf32>,
    }
    %scan3A_7 = arith.constant 8 : i32
    "tpu.region"() ({
      %run_scoped3A = tpu.sem_alloc : memref<!tpu.dma_semaphore, #tpu.memory_space<semaphore_mem>>
      %dma_start3A = arith.constant 0 : i32
      %dma_start3A_8 = tpu.memref_slice %arg3[%dma_start3A, %mul3A_2] : memref<2x8192xi32, #tpu.memory_space<hbm>> -> memref<2x256xi32, #tpu.memory_space<hbm>>
      %dma_start3A_9 = arith.constant 0 : i32
      %dma_start3A_10 = tpu.memref_slice %arg3[%dma_start3A_9, %mul3A_2] : memref<2x8192xi32, #tpu.memory_space<hbm>> -> memref<2x256xi32, #tpu.memory_space<hbm>>
      tpu.enqueue_dma source(%arg6 : memref<2x256xi32, #tpu.memory_space<vmem>>) target(%dma_start3A_10 : memref<2x256xi32, #tpu.memory_space<hbm>>) target_semaphore(%run_scoped3A : memref<!tpu.dma_semaphore, #tpu.memory_space<semaphore_mem>>)
      %dma_wait3A = arith.constant 0 : i32
      %dma_wait3A_11 = tpu.memref_slice %arg3[%dma_wait3A, %mul3A_2] : memref<2x8192xi32, #tpu.memory_space<hbm>> -> memref<2x256xi32, #tpu.memory_space<hbm>>
      %dma_wait3A_12 = arith.constant 0 : i32
      %dma_wait3A_13 = tpu.memref_slice %arg3[%dma_wait3A_12, %mul3A_2] : memref<2x8192xi32, #tpu.memory_space<hbm>> -> memref<2x256xi32, #tpu.memory_space<hbm>>
      tpu.wait_dma2 semaphore(%run_scoped3A : memref<!tpu.dma_semaphore, #tpu.memory_space<semaphore_mem>>) src(%arg6 : memref<2x256xi32, #tpu.memory_space<vmem>>) dst(%dma_wait3A_13 : memref<2x256xi32, #tpu.memory_space<hbm>>)
      tpu.yield
    }) : () -> ()
    "tpu.region"() ({
      %run_scoped3A = tpu.sem_alloc : memref<!tpu.dma_semaphore, #tpu.memory_space<semaphore_mem>>
      %dma_start3A = arith.constant 0 : i32
      %dma_start3A_8 = tpu.memref_slice %arg4[%dma_start3A, %mul3A_2] : memref<2x8192xf32, #tpu.memory_space<hbm>> -> memref<2x256xf32, #tpu.memory_space<hbm>>
      %dma_start3A_9 = arith.constant 0 : i32
      %dma_start3A_10 = tpu.memref_slice %arg4[%dma_start3A_9, %mul3A_2] : memref<2x8192xf32, #tpu.memory_space<hbm>> -> memref<2x256xf32, #tpu.memory_space<hbm>>
      tpu.enqueue_dma source(%arg7 : memref<2x256xf32, #tpu.memory_space<vmem>>) target(%dma_start3A_10 : memref<2x256xf32, #tpu.memory_space<hbm>>) target_semaphore(%run_scoped3A : memref<!tpu.dma_semaphore, #tpu.memory_space<semaphore_mem>>)
      %dma_wait3A = arith.constant 0 : i32
      %dma_wait3A_11 = tpu.memref_slice %arg4[%dma_wait3A, %mul3A_2] : memref<2x8192xf32, #tpu.memory_space<hbm>> -> memref<2x256xf32, #tpu.memory_space<hbm>>
      %dma_wait3A_12 = arith.constant 0 : i32
      %dma_wait3A_13 = tpu.memref_slice %arg4[%dma_wait3A_12, %mul3A_2] : memref<2x8192xf32, #tpu.memory_space<hbm>> -> memref<2x256xf32, #tpu.memory_space<hbm>>
      tpu.wait_dma2 semaphore(%run_scoped3A : memref<!tpu.dma_semaphore, #tpu.memory_space<semaphore_mem>>) src(%arg7 : memref<2x256xf32, #tpu.memory_space<vmem>>) dst(%dma_wait3A_13 : memref<2x256xf32, #tpu.memory_space<hbm>>)
      tpu.yield
    }) : () -> ()
    return
  }
}

module attributes {stable_mosaic.version = 14 : i64} {
  func.func @_logits_body(%arg0: i32, %arg1: memref<1024x2048xf32, #tpu.memory_space<vmem>>, %arg2: memref<64x2048xf32, #tpu.memory_space<vmem>>, %arg3: memref<64xf32, #tpu.memory_space<vmem>>, %arg4: memref<64x1024xf32, #tpu.memory_space<vmem>>) attributes {dimension_semantics = [#tpu.dimension_semantics<arbitrary>], iteration_bounds = array<i64: 8>, scalar_prefetch = 0 : i64, scratch_operands = 0 : i64, tpu.core_type = #tpu.core_type<tc>, window_params = [{transform_indices = @transform_0, window_bounds = array<i64: 1024, 2048>}, {pipeline_mode = #tpu.pipeline_mode<synchronous>, transform_indices = @transform_1, window_bounds = array<i64: 64, 2048>}, {pipeline_mode = #tpu.pipeline_mode<synchronous>, transform_indices = @transform_2, window_bounds = array<i64: 64>}, {transform_indices = @transform_3, window_bounds = array<i64: 64, 1024>}]} {
    %get3A = arith.constant 0 : index
    %get3A_0 = arith.constant 0 : index
    %get3A_1 = vector.load %arg2[%get3A, %get3A_0] : memref<64x2048xf32, #tpu.memory_space<vmem>>, vector<64x2048xf32>
    %get3A_2 = arith.constant 0 : index
    %get3A_3 = arith.constant 0 : index
    %get3A_4 = vector.load %arg1[%get3A_2, %get3A_3] : memref<1024x2048xf32, #tpu.memory_space<vmem>>, vector<1024x2048xf32>
    %dot_general3A = arith.constant dense<0.000000e+00> : vector<64x1024xf32>
    %dot_general3A_5 = tpu.matmul %get3A_1, %get3A_4, %dot_general3A {dimension_numbers = #tpu.dot_dimension_numbers<[1], [1], [0], [0], [0, 0, 1, 0], [], []>, transpose_lhs_hint = false} : vector<64x2048xf32>, vector<1024x2048xf32>, vector<64x1024xf32> -> vector<64x1024xf32>
    %get3A_6 = arith.constant 0 : index
    %get3A_7 = vector.load %arg3[%get3A_6] : memref<64xf32, #tpu.memory_space<vmem>>, vector<64xf32>
    %broadcast_in_dim3A = vector.shape_cast %get3A_7 : vector<64xf32> to vector<64x1xf32>
    %add3A = vector.broadcast %broadcast_in_dim3A : vector<64x1xf32> to vector<64x1024xf32>
    %add3A_8 = arith.addf %dot_general3A_5, %add3A : vector<64x1024xf32>
    %swap3A = arith.constant 0 : index
    %swap3A_9 = arith.constant 0 : index
    %swap3A_10 = vector.load %arg4[%swap3A, %swap3A_9] : memref<64x1024xf32, #tpu.memory_space<vmem>>, vector<64x1024xf32>
    tpu.vector_store %arg4[%swap3A, %swap3A_9], %add3A_8 {strides = array<i32>} : memref<64x1024xf32, #tpu.memory_space<vmem>>, vector<64x1024xf32>,
    return
  }
  func.func @transform_0(%arg0: i32) -> (i32, i32) {
    %c0_i32 = arith.constant 0 : i32
    %c0_i32_0 = arith.constant 0 : i32
    return %arg0, %c0_i32 : i32, i32
  }
  func.func @transform_1(%arg0: i32) -> (i32, i32) {
    %c0_i32 = arith.constant 0 : i32
    %c0_i32_0 = arith.constant 0 : i32
    %c0_i32_1 = arith.constant 0 : i32
    return %c0_i32, %c0_i32_0 : i32, i32
  }
  func.func @transform_2(%arg0: i32) -> i32 {
    %c0_i32 = arith.constant 0 : i32
    %c0_i32_0 = arith.constant 0 : i32
    return %c0_i32 : i32
  }
  func.func @transform_3(%arg0: i32) -> (i32, i32) {
    %c0_i32 = arith.constant 0 : i32
    %c0_i32_0 = arith.constant 0 : i32
    return %c0_i32, %arg0 : i32, i32
  }
}

</mosaic_0001>

<sc_bundles>
// kernel: kernel.4.cloned.1.call-start
scs
__scs_entry_jumppad:
0x0: {  	(pc) =	sbr.rel $0x88, $3  }
0x1: {  	(tag) =	ssettag $0x0;
	lr =	simm.s32 $0x1  }
0x2: {  	[smem:$0x3F9E] =	sst lr;
	_ =	strace $0xD0000000  }
0x3: {  	_ = 	snop  }
0x4: {  	_ = 	snop  }
0x5: {  	_ = 	snop  }
0x6: {  	_ = 	snop  }
0x7: {  	_ = 	snop  }
__scs_overlays_trampoline_lowered:
0x8: {  	[smem:$0x3FAD] =	sst s0  }
0x9: {  	[smem:$0x3FAE] =	sst s1  }
0xa: {  	[smem:$0x3FAF] =	sst s2  }
0xb: {  	[smem:$0x3FB0] =	sst s3  }
0xc: {  	[smem:$0x3FB1] =	sst s4  }
0xd: {  	[smem:$0x3FB2] =	sst s5  }
0xe: {  	[smem:$0x3FB3] =	sst s6  }
0xf: {  	[smem:$0x3FB4] =	sst s7  }
0x10: {  	[smem:$0x3FB5] =	sst s8  }
0x11: {  	[smem:$0x3FB6] =	sst s9;
	s0 =	simm.s32 @!p0 $0x0  }
0x12: {  	s1 =	sld [smem:$0x3F9C];
	s0 =	simm.s32 @p0 $0x1  }
0x13: {  	[smem:$0x3FB7] =	sst s0;
	s0 =	simm.s32 @!p1 $0x0  }
0x14: {  	s2 =	sld [smem:$0x3F9B];
	s0 =	simm.s32 @p1 $0x1  }
0x15: {  	[smem:$0x3FB8] =	sst s0;
	s0 =	simm.s32 @!p2 $0x0  }
0x16: {  	s3 =	sld [smem:$0x3FDB];
	s0 =	simm.s32 @p2 $0x1  }
0x17: {  	s4 =	simm.s32 $0x1BF5;
	[smem:$0x3FBA] =	sst s0  }
0x18: {  	s0 =	sld [smem:$0x3F9D];
	_ =	swait.ge [sflag:s4], $0x0  }
0x19: {  	s7 =	sld [smem:$0x3F9E]  }
0x1a: {  	s8 =	sadd.s32 $0xFFFFE003, lr  }
0x1b: {  	s9 =	sadd.s32 $0xFFFFFEF7, lr;
	s5 =	simm.s32 $0xFFFFFFFF;
	p2 =	slt.u32 s8, $0xFFFFF086  }
0x1c: {  	p1 =	slt.u32 s9, $0xF7A;
	s5 =	simm.s32 @!p2 $0x0  }
0x1d: {  	s5 =	simm.s32 @p1 $0x1;
	p0 =	seq.s32 s7, s2  }
0x1e: {  	s7 =	smul.u32 @!p0 $0xF7A, s2;
	p2 =	seq.s32 @!p0 s5, $0x0  }
0x1f: {  	s9 =	smul.u32 $0xF7A, s1;
	s8 =	simm.s32 @!p0 $0x1BF5;
	p2 =	por !p2, p0  }
0x20: {  	[sflag:s8] =	ssyncset.s32 @!p0 $0xFFFFF086;
	s6 =	sadd.s32 @!p0 s3, s7;
	s7 =	simm.s32 @!p0 $0x108  }
0x21: {  	s3 =	sadd.s32 s3, s9;
	s6 =	sadd.s32 @!p0 $0x88, s6;
	s7 =	simm.s32 @p2 $0x1082  }
0x22: {  	[simem:s7], [sflag:s8] =	dma.local @!p0 [hbm:s6], $0xF7A  }
0x23: {  	s9 =	sor.u32 $0xD0000000, s2;
	s6 =	simm.s32 $0x108;
	_ =	swait.ge @!p0 [sflag:s8], $0x0  }
0x24: {  	s3 =	sadd.s32 $0x88, s3;
	s6 =	simm.s32 @!p1 $0x1082;
	[sflag:s4] =	ssyncset.s32 $0xFFFFF086  }
0x25: {  	[simem:s6], [sflag:s4] =	dma.local [hbm:s3], $0xF7A  }
0x26: {  	[smem:$0x3F9E] =	sst s1;
	(tag) =	ssettag s2;
	_ =	strace s9  }
0x27: {  	s1 =	sld [smem:$0x3FAE]  }
0x28: {  	s2 =	sld [smem:$0x3FAF]  }
0x29: {  	s4 =	sld [smem:$0x3FB1]  }
0x2a: {  	p0 =	seq.s32 s5, $0x0;
	s5 =	sld [smem:$0x3FB2]  }
0x2b: {  	s6 =	sld [smem:$0x3FB3]  }
0x2c: {  	s7 =	sld [smem:$0x3FB4]  }
0x2d: {  	s3 =	simm.s32 $0x108;
	s8 =	sld [smem:$0x3FB5]  }
0x2e: {  	s3 =	simm.s32 @!p0 $0x1082;
	s9 =	sld [smem:$0x3FB6]  }
0x2f: {  	lr =	sadd.s32 s0, s3;
	s0 =	sld [smem:$0x3FAD]  }
0x30: {  	s3 =	sld [smem:$0x3FB0]  }
0x31: {  	[smem:$0x3FB9] =	sst s10  }
0x32: {  	s10 =	sld [smem:$0x3FB7];
	_ =	sdelay $0x3  }
0x33: {  	p0 =	seq.s32 s10, $0x1;
	s10 =	sld [smem:$0x3FB9];
	_ =	sdelay $0x3  }
0x34: {  	[smem:$0x3FB9] =	sst s10  }
0x35: {  	s10 =	sld [smem:$0x3FB8];
	_ =	sdelay $0x3  }
0x36: {  	p1 =	seq.s32 s10, $0x1;
	s10 =	sld [smem:$0x3FB9];
	_ =	sdelay $0x3  }
0x37: {  	[smem:$0x3FB9] =	sst s10  }
0x38: {  	s10 =	sld [smem:$0x3FBA]  }
0x39: {  	_ = 	snop;
	(pc) =	sbr.ind lr, $3  }
0x3a: {  	_ = 	snop  }
0x3b: {  	_ = 	snop  }
0x3c: {  	p2 =	seq.s32 s10, $0x1;
	s10 =	sld [smem:$0x3FB9]  }
0x3d: {  	_ =	shalt  }
0x3e: {  	_ =	shalt  }
0x3f: {  	_ =	shalt  }
0x40: {  	_ =	shalt  }
0x41: {  	_ =	shalt  }
0x42: {  	_ =	shalt  }
0x43: {  	_ =	shalt  }
0x44: {  	_ =	shalt  }
0x45: {  	_ =	shalt  }
0x46: {  	_ =	shalt  }
0x47: {  	_ =	shalt  }
0x48: {  	_ =	shalt  }
0x49: {  	_ =	shalt  }
0x4a: {  	_ =	shalt  }
0x4b: {  	_ =	shalt  }
0x4c: {  	_ =	shalt  }
0x4d: {  	_ =	shalt  }
0x4e: {  	_ =	shalt  }
0x4f: {  	_ =	shalt  }
0x50: {  	_ =	shalt  }
0x51: {  	_ =	shalt  }
0x52: {  	_ =	shalt  }
0x53: {  	_ =	shalt  }
0x54: {  	_ =	shalt  }
0x55: {  	_ =	shalt  }
0x56: {  	_ =	shalt  }
0x57: {  	_ =	shalt  }
0x58: {  	_ =	shalt  }
0x59: {  	_ =	shalt  }
0x5a: {  	_ =	shalt  }
0x5b: {  	_ =	shalt  }
0x5c: {  	_ =	shalt  }
0x5d: {  	_ =	shalt  }
0x5e: {  	_ =	shalt  }
0x5f: {  	_ =	shalt  }
0x60: {  	_ =	shalt  }
0x61: {  	_ =	shalt  }
0x62: {  	_ =	shalt  }
0x63: {  	_ =	shalt  }
0x64: {  	_ =	shalt  }
0x65: {  	_ =	shalt  }
0x66: {  	_ =	shalt  }
0x67: {  	_ =	shalt  }
0x68: {  	_ =	shalt  }
0x69: {  	_ =	shalt  }
0x6a: {  	_ =	shalt  }
0x6b: {  	_ =	shalt  }
0x6c: {  	_ =	shalt  }
0x6d: {  	_ =	shalt  }
0x6e: {  	_ =	shalt  }
0x6f: {  	_ =	shalt  }
0x70: {  	_ =	shalt  }
0x71: {  	_ =	shalt  }
0x72: {  	_ =	shalt  }
0x73: {  	_ =	shalt  }
0x74: {  	_ =	shalt  }
0x75: {  	_ =	shalt  }
0x76: {  	_ =	shalt  }
0x77: {  	_ =	shalt  }
0x78: {  	_ =	shalt  }
0x79: {  	_ =	shalt  }
0x7a: {  	_ =	shalt  }
0x7b: {  	_ =	shalt  }
0x7c: {  	_ =	shalt  }
0x7d: {  	_ =	shalt  }
0x7e: {  	_ =	shalt  }
0x7f: {  	_ =	shalt  }
0x80: {  	_ =	shalt  }
0x81: {  	_ =	shalt  }
0x82: {  	_ =	shalt  }
0x83: {  	_ =	shalt  }
0x84: {  	_ =	shalt  }
0x85: {  	_ =	shalt  }
0x86: {  	_ =	shalt  }
0x87: {  	_ =	shalt  }
.Lfunc_end0:
.L_simem_size_0:
called_computation_lowered:
.L_overlay_start_0:
0x88: {  	s2 =	sld [smem:$0x3FD9]  }
0x89: {  	s3 =	sld [smem:$0x3FFE];
	_ =	sdelay $0x1  }
0x8a: {  	s1 =	srdreg.scid  }
0x8b: {  	s0 =	sand.u32 $0x1, s1  }
0x8c: {  	s14 =	sshll.u32 s0, $0xA;
	s2 =	sadd.s32 s3, s2  }
0x8d: {  	s2 =	sadd.s32 s2, s14  }
0x8e: {  	[smem:$0x3FC5] =	sst s2  }
0x8f: {  	_ = 	snop  }
0x90: {  	s2 =	sld [smem:$0x3FD0];
	_ =	sdelay $0x2  }
0x91: {  	s15 =	simm.s32 $0xA;
	s4 =	simm.s32 $0x10  }
0x92: {  	[smem:s4], [sflag:s15] =	dma.local [hbm:s2], $0x1  }
0x93: {  	_ =	swait.eq [sflag:s15], $0x1  }
0x94: {  	[sflag:s15] =	ssyncset.done $0x0  }
0x95: {  	s16 =	sld [smem:$0x10];
	[sflag:s15] =	ssyncadd.s32 $0xFFFFFFFF  }
0x96: {  	s17 =	sld [smem:$0x11];
	(tm) =	ssettm $0x1  }
0x97: {  	s18 =	sld [smem:$0x3FFB];
	_ =	sdelay $0x3  }
0x98: {  	_ =	strace s18  }
0x99: {  	s4 =	sld [smem:$0x3FFC];
	_ =	sdelay $0x3  }
0x9a: {  	_ =	strace s4  }
0x9b: {  	s4 =	sld [smem:$0x3FFD];
	_ =	sdelay $0x3  }
0x9c: {  	_ =	strace s4  }
0x9d: {  	_ =	strace $0x8FFFFFFF  }
0x9e: {  	s19 =	sld [smem:$0x3FDB];
	_ =	sdelay $0x1  }
0x9f: {  	s5 =	simm.s32 $_scs_section_size  }
0xa0: {  	s6 =	simm.s32 $_size__tile_overlayer_lowered;
	s7 =	simm.s32 $_tile_overlayer_lowered  }
0xa1: {  	s22 =	simm.s32 $0x1BFF;
	s21 =	sshll.u32 s7, $0x1;
	s4 =	sadd.s32 s5, s19  }
0xa2: {  	s8 =	simm.s32 $0x0;
	s20 =	sshll.u32 s6, $0x1;
	s6 =	sadd.s32 s21, s4  }
0xa3: {  	[timem:s8], [sflag:s22] =	dma.local [hbm:s6], s20  }
0xa4: {  	_ =	swait.ge [sflag:s22], s20  }
0xa5: {  	s5 =	ssub.s32 $0x0, s20;
	[sflag:s22] =	ssyncset.done $0x0  }
0xa6: {  	[sflag:s22] =	ssyncadd.s32 s5;
	_ =	sdelay $0x1  }
0xa7: {  	s23 =	simm.s32 $0x1B8B  }
0xa8: {  	_ =	swait.ge [sflag:s23], $0x1  }
0xa9: {  	[sflag:s23] =	ssyncset.done $0x0  }
0xaa: {  	s25 =	simm.s32 $0x1B8E;
	s24 =	sld [smem:$0x3FFE];
	[sflag:s23] =	ssyncadd.s32 $0xFFFFFFFF  }
0xab: {  	s26 =	simm.s32 $execute0_lowered;
	[smem:$0x3FD2] =	sst s25  }
0xac: {  	s6 =	sshll.u32 s26, $0x1;
	_ =	strace $0x80000046;
	[dreg:$0x1] =	wrdreg $0xFFFFFFFF  }
0xad: {  	s28 =	simm.s32 $_size_execute0_lowered;
	s4 =	sadd.s32 s4, s6;
	[dreg:$0x0] =	wrdreg $0x0  }
0xae: {  	s6 =	sshll.u32 s28, $0x1;
	[dreg:$0x2] =	wrdreg s4  }
0xaf: {  	[dreg:$0x3] =	wrdreg s6  }
0xb0: {  	[dreg:$0x4] =	wrdreg $0xC0  }
0xb1: {  	_ =	task [dreg:s8], $0x5FFFF  }
0xb2: {  	[dreg:$0x1] =	wrdreg $0xFFFFFFFF  }
0xb3: {  	[dreg:$0x0] =	wrdreg $0x60  }
0xb4: {  	[dreg:$0x2] =	wrdreg s24  }
0xb5: {  	[dreg:$0x3] =	wrdreg s16  }
0xb6: {  	[dreg:$0x4] =	wrdreg s17  }
0xb7: {  	[dreg:$0x5] =	wrdreg $0x9  }
0xb8: {  	_ =	task.clear_ibuf [dreg:s8], $0x6FFFF;
	_ =	strace $0x90000046  }
0xb9: {  	s29 =	simm.s32 $0x9;
	_ =	strace $0x80000048  }
0xba: {  	_ =	swait.ge [sflag:s29], $0x1  }
0xbb: {  	[sflag:s29] =	ssyncadd.s32 $0xFFFFFFFF  }
0xbc: {  	_ =	strace $0x90000048  }
0xbd: {  	_ =	sfence  }
0xbe: {  	s30 =	sld [smem:$0x0];
	_ =	sdelay $0x2  }
0xbf: {  	s31 =	sshll.u32 s1, $0xD;
	s1 =	sshrl.u32 s1, $0x2  }
0xc0: {  	s3 =	sand.u32 $0x4000, s31;
	s1 =	sadd.s32 s1, s30  }
0xc1: {  	s0 =	sor.u32 s3, s0;
	s1 =	sshll.u32 s1, $0x11  }
0xc2: {  	s0 =	sor.u32 s1, s0  }
0xc3: {  	s0 =	sadd.s32 $0x8F2B, s0  }
0xc4: {  	[sflag:s0] =	ssyncadd.remote.s32 $0x1  }
0xc5: {  	_ =	sfence.sel $0xFFFF  }
0xc6: {  	[dreg:$0x0] =	wrdreg $0xFFFFFFFF;
	(pc) =	sbr.abs _section_cstart, $3  }
0xc7: {  	[dreg:$0x1] =	wrdreg $0xFFFFFFFF  }
0xc8: {  	_ =	task.clear_ibuf [dreg:s8], $0x2FFFF;
	_ =	strace $0x9FFFFFFF  }
0xc9: {  	(tm) =	ssettm $0x7FFFFFFF  }
tec
execute0_lowered:
.L_overlay_start_1:
0x0: {  	(tag) =	ssettag $0x1  }
0x1: {  	s3 =	rddreg [dreg:$0x0]  }
0x2: {  	s4 =	rddreg [dreg:$0x1]  }
0x3: {  	s5 =	rddreg [dreg:$0x2];
	s2 =	srdreg.scid  }
0x4: {  	s0 =	rddreg [dreg:$0x3];
	s1 =	stileid.u32;
	s9 =	simm.s32 $0x1  }
0x5: {  	s10 =	simm.s32 $0x4000;
	s11 =	simm.s32 $0x4200;
	s12 =	simm.s32 $0x0  }
0x6: {  	s6 =	sand.u32 $0x1, s2;
	s2 =	simm.s32 $0x0;
	s7 =	sshll.u32 s1, $0x9  }
0x7: {  	s8 =	sshll.u32 s6, $0x8;
	[smem:$0x7FF] =	sst s2;
	s6 =	ssub.s32 $0x2, s6  }
0x8: {  	s7 =	sor.u32 s8, s7;
	_ =	strace $0x80000047;
	s31 =	sshrl.u32 s6, $0x1  }
0x9: {  	s8 =	simm.s32 $0x10000;
	s3 =	sadd.s32 s7, s3;
	s7 =	sshrl.u32 s7, $0x2  }
0xa: {  	s6 =	ssub.s32 s6, s31;
	s3 =	sadd.s32 $0xE00, s3;
	s4 =	sadd.s32 s4, s7  }
0xb: {  	v0 =	vimm.s32 $0x0;
	s5 =	sadd.s32 s5, s7;
	s6 =	smax.u32 s6, $0x1;
	s7 =	simm.s32 $0x800  }
.LBB2_1:
0xc: {  	[tilespmem:s2], [sflag:$0x1] =	stream.strided.gather [hbm4b:s3+s7], $0x4000, s8, s7, $0x38;
	[tilespmem:$0x4400] =	vst v63  }
0xd: {  	_ =	swait.ge [sflag:s9], $0x4000  }
0xe: {  	[sflag:s9] =	ssyncset.done $0x0  }
0xf: {  	s13 =	simm.s32 $0x0;
	s14 =	simm.s32 $0x0;
	[sflag:s9] =	ssyncadd.s32 $0xFFFFC000  }
.LBB2_2:
0x10: {  	s15 =	sshll.u32 s14, $0x8  }
0x11: {  	s16 =	sand.u32 $0x60, s13;
	s17 =	sand.u32 $0x3FFFFC00, s15  }
0x12: {  	s19 =	sor.u32 s16, s17  }
0x13: {  	s15 =	sor.u32 $0x10, s16;
	v1 =	vld [tilespmem:s19+$0x0]  }
0x14: {  	s18 =	sor.u32 s15, s17;
	v2 =	vld [tilespmem:s19+$0x80]  }
0x15: {  	v3 =	vld [tilespmem:s18+$0x0]  }
0x16: {  	v4 =	vld [tilespmem:s18+$0x80];
	_ =	sdelay $0x2  }
0x17: {  	vm0 =	vgt.f32 v1, $-Inf  }
0x18: {  	vm13 =	vlt.f32 v2, $-Inf;
	vm1 =	vgt.f32 v2, $-Inf;
	vm14 =	vgt.f32 v3, $-Inf  }
0x19: {  	vm15 =	vlt.f32 v4, $-Inf;
	vm4 =	vgt.f32 v4, $-Inf;
	v1 =	vnsel vm0, $0xFF800000, v1  }
0x1a: {  	vm0 =	vmor vm1, vm13;
	v3 =	vnsel vm14, $0xFF800000, v3;
	vm1 =	vmor vm4, vm15  }
0x1b: {  	v6 =	vld [tilespmem:s19+$0x100];
	vm2 =	vgt.f32 v2, v1;
	v5 =	vnsel vm0, $0xFF800000, v2;
	vm6 =	vgt.f32 v4, v3  }
0x1c: {  	vm3 =	vmneg vm2;
	vm7 =	vmneg vm6;
	v9 =	vsel vm2, $0x1, v0  }
0x1d: {  	v8 =	vld [tilespmem:s18+$0x100];
	v11 =	vsel vm6, $0x1, v0;
	v5 =	vsel vm3, v5, v1;
	vm0 =	vmand vm3, vm0  }
0x1e: {  	v1 =	vsel vm3, v1, v2;
	v2 =	vnsel vm1, $0xFF800000, v4;
	vm1 =	vmand vm7, vm1  }
0x1f: {  	v7 =	vsel vm0, $0x1, v0;
	v2 =	vsel vm7, v2, v3;
	v10 =	vsel vm1, $0x1, v0  }
0x20: {  	v13 =	vld [tilespmem:s19+$0x180];
	v3 =	vsel vm7, v3, v4;
	vm8 =	vgt.f32 v6, v5;
	vm9 =	vgt.f32 v6, v1  }
0x21: {  	v5 =	vsel vm8, v6, v5;
	v7 =	vsel vm8, $0x2, v7;
	v14 =	vsel vm9, $0x2, v9  }
0x22: {  	v15 =	vld [tilespmem:s18+$0x180];
	vm10 =	vgt.f32 v8, v2;
	vm11 =	vgt.f32 v8, v3;
	v5 =	vsel vm9, v1, v5  }
0x23: {  	v7 =	vsel vm9, v9, v7;
	v2 =	vsel vm10, v8, v2;
	v10 =	vsel vm10, $0x2, v10  }
0x24: {  	v1 =	vsel vm9, v6, v1;
	v2 =	vsel vm11, v3, v2;
	v10 =	vsel vm11, v11, v10  }
0x25: {  	v16 =	vld [tilespmem:s19+$0x200];
	vm12 =	vgt.f32 v13, v5;
	v3 =	vsel vm11, v8, v3;
	vm13 =	vgt.f32 v13, v1  }
0x26: {  	v11 =	vsel vm11, $0x2, v11;
	v5 =	vsel vm12, v13, v5;
	v7 =	vsel vm12, $0x3, v7  }
0x27: {  	v17 =	vld [tilespmem:s18+$0x200];
	vm14 =	vgt.f32 v15, v2;
	vm15 =	vgt.f32 v15, v3;
	v6 =	vsel vm13, $0x3, v14  }
0x28: {  	v5 =	vsel vm13, v1, v5;
	v7 =	vsel vm13, v14, v7;
	v1 =	vsel vm13, v13, v1  }
0x29: {  	v2 =	vsel vm14, v15, v2;
	v10 =	vsel vm14, $0x3, v10;
	v18 =	vsel vm15, $0x3, v11  }
0x2a: {  	v2 =	vsel vm15, v3, v2;
	v10 =	vsel vm15, v11, v10;
	vm4 =	vgt.f32 v16, v5  }
0x2b: {  	v19 =	vld [tilespmem:s19+$0x280];
	v3 =	vsel vm15, v15, v3;
	vm5 =	vgt.f32 v16, v1;
	v5 =	vsel vm4, v16, v5  }
0x2c: {  	v20 =	vld [tilespmem:s18+$0x280];
	v7 =	vsel vm4, $0x4, v7;
	vm6 =	vgt.f32 v17, v2;
	vm7 =	vgt.f32 v17, v3  }
0x2d: {  	v5 =	vsel vm5, v1, v5;
	v7 =	vsel vm5, v6, v7;
	v1 =	vsel vm5, v16, v1  }
0x2e: {  	v2 =	vsel vm6, v17, v2;
	v6 =	vsel vm5, $0x4, v6;
	v10 =	vsel vm6, $0x4, v10  }
0x2f: {  	v9 =	vsel vm7, $0x4, v18;
	v2 =	vsel vm7, v3, v2;
	v10 =	vsel vm7, v18, v10  }
0x30: {  	v21 =	vld [tilespmem:s19+$0x300];
	v3 =	vsel vm7, v17, v3;
	vm8 =	vgt.f32 v19, v5;
	vm9 =	vgt.f32 v19, v1  }
0x31: {  	v5 =	vsel vm8, v19, v5;
	v7 =	vsel vm8, $0x5, v7;
	vm10 =	vgt.f32 v20, v2  }
0x32: {  	v22 =	vld [tilespmem:s18+$0x300];
	vm11 =	vgt.f32 v20, v3;
	v5 =	vsel vm9, v1, v5;
	v7 =	vsel vm9, v6, v7  }
0x33: {  	v1 =	vsel vm9, v19, v1;
	v2 =	vsel vm10, v20, v2;
	v10 =	vsel vm10, $0x5, v10  }
0x34: {  	v6 =	vsel vm9, $0x5, v6;
	v2 =	vsel vm11, v3, v2;
	v10 =	vsel vm11, v9, v10  }
0x35: {  	v23 =	vld [tilespmem:s19+$0x380];
	vm12 =	vgt.f32 v21, v5;
	v3 =	vsel vm11, v20, v3;
	vm13 =	vgt.f32 v21, v1  }
0x36: {  	v9 =	vsel vm11, $0x5, v9;
	v5 =	vsel vm12, v21, v5;
	v7 =	vsel vm12, $0x6, v7  }
0x37: {  	v24 =	vld [tilespmem:s18+$0x380];
	vm14 =	vgt.f32 v22, v2;
	vm15 =	vgt.f32 v22, v3;
	v5 =	vsel vm13, v1, v5  }
0x38: {  	v7 =	vsel vm13, v6, v7;
	v1 =	vsel vm13, v21, v1;
	v2 =	vsel vm14, v22, v2  }
0x39: {  	s24 =	sadd.s32 $0x800, s17;
	v10 =	vsel vm14, $0x6, v10;
	v6 =	vsel vm13, $0x6, v6;
	v2 =	vsel vm15, v3, v2  }
0x3a: {  	s25 =	sor.u32 s16, s24;
	v10 =	vsel vm15, v9, v10;
	v3 =	vsel vm15, v22, v3;
	vm4 =	vgt.f32 v23, v5  }
0x3b: {  	s18 =	sor.u32 s15, s24;
	v25 =	vld [tilespmem:s25+$0x0];
	v9 =	vsel vm15, $0x6, v9;
	vm5 =	vgt.f32 v23, v1;
	v5 =	vsel vm4, v23, v5  }
0x3c: {  	v26 =	vld [tilespmem:s18+$0x0];
	v7 =	vsel vm4, $0x7, v7;
	vm6 =	vgt.f32 v24, v2;
	vm7 =	vgt.f32 v24, v3  }
0x3d: {  	v5 =	vsel vm5, v1, v5;
	v7 =	vsel vm5, v6, v7;
	v1 =	vsel vm5, v23, v1  }
0x3e: {  	s26 =	sadd.s32 $0x880, s17;
	v2 =	vsel vm6, v24, v2;
	v6 =	vsel vm5, $0x7, v6;
	v10 =	vsel vm6, $0x7, v10  }
0x3f: {  	s28 =	sor.u32 s16, s26;
	v2 =	vsel vm7, v3, v2;
	v10 =	vsel vm7, v9, v10;
	v3 =	vsel vm7, v24, v3  }
0x40: {  	v27 =	vld [tilespmem:s28+$0x0];
	vm8 =	vgt.f32 v25, v5;
	vm9 =	vgt.f32 v25, v1;
	v9 =	vsel vm7, $0x7, v9  }
0x41: {  	s18 =	sor.u32 s15, s26;
	v5 =	vsel vm8, v25, v5;
	v7 =	vsel vm8, $0x8, v7;
	vm10 =	vgt.f32 v26, v2  }
0x42: {  	v28 =	vld [tilespmem:s18+$0x0];
	vm11 =	vgt.f32 v26, v3;
	v5 =	vsel vm9, v1, v5;
	v7 =	vsel vm9, v6, v7  }
0x43: {  	s29 =	sadd.s32 $0x900, s17;
	v1 =	vsel vm9, v25, v1;
	v2 =	vsel vm10, v26, v2;
	v10 =	vsel vm10, $0x8, v10  }
0x44: {  	s30 =	sor.u32 s16, s29;
	v6 =	vsel vm9, $0x8, v6;
	v2 =	vsel vm11, v3, v2;
	v10 =	vsel vm11, v9, v10  }
0x45: {  	v29 =	vld [tilespmem:s30+$0x0];
	vm12 =	vgt.f32 v27, v5;
	v3 =	vsel vm11, v26, v3;
	vm13 =	vgt.f32 v27, v1  }
0x46: {  	s18 =	sor.u32 s15, s29;
	v9 =	vsel vm11, $0x8, v9;
	v5 =	vsel vm12, v27, v5;
	v7 =	vsel vm12, $0x9, v7  }
0x47: {  	v30 =	vld [tilespmem:s18+$0x0];
	vm14 =	vgt.f32 v28, v2;
	vm15 =	vgt.f32 v28, v3;
	v5 =	vsel vm13, v1, v5  }
0x48: {  	v7 =	vsel vm13, v6, v7;
	v1 =	vsel vm13, v27, v1;
	v2 =	vsel vm14, v28, v2  }
0x49: {  	s31 =	sadd.s32 $0x980, s17;
	v10 =	vsel vm14, $0x9, v10;
	v6 =	vsel vm13, $0x9, v6;
	v2 =	vsel vm15, v3, v2  }
0x4a: {  	s20 =	sor.u32 s16, s31;
	v10 =	vsel vm15, v9, v10;
	v3 =	vsel vm15, v28, v3;
	vm4 =	vgt.f32 v29, v5  }
0x4b: {  	v31 =	vld [tilespmem:s20+$0x0];
	s18 =	sor.u32 s15, s31;
	v9 =	vsel vm15, $0x9, v9;
	vm5 =	vgt.f32 v29, v1;
	v5 =	vsel vm4, v29, v5  }
0x4c: {  	v32 =	vld [tilespmem:s18+$0x0];
	v7 =	vsel vm4, $0xA, v7;
	vm6 =	vgt.f32 v30, v2;
	vm7 =	vgt.f32 v30, v3  }
0x4d: {  	v5 =	vsel vm5, v1, v5;
	v7 =	vsel vm5, v6, v7;
	v1 =	vsel vm5, v29, v1  }
0x4e: {  	s21 =	sadd.s32 $0xA00, s17;
	v2 =	vsel vm6, v30, v2;
	v6 =	vsel vm5, $0xA, v6;
	v10 =	vsel vm6, $0xA, v10  }
0x4f: {  	s22 =	sor.u32 s16, s21;
	v2 =	vsel vm7, v3, v2;
	v10 =	vsel vm7, v9, v10;
	v3 =	vsel vm7, v30, v3  }
0x50: {  	v33 =	vld [tilespmem:s22+$0x0];
	vm8 =	vgt.f32 v31, v5;
	vm9 =	vgt.f32 v31, v1;
	v9 =	vsel vm7, $0xA, v9  }
0x51: {  	s18 =	sor.u32 s15, s21;
	v5 =	vsel vm8, v31, v5;
	v7 =	vsel vm8, $0xB, v7;
	vm10 =	vgt.f32 v32, v2  }
0x52: {  	v34 =	vld [tilespmem:s18+$0x0];
	vm11 =	vgt.f32 v32, v3;
	v5 =	vsel vm9, v1, v5;
	v7 =	vsel vm9, v6, v7  }
0x53: {  	s23 =	sadd.s32 $0xA80, s17;
	v1 =	vsel vm9, v31, v1;
	v2 =	vsel vm10, v32, v2;
	v10 =	vsel vm10, $0xB, v10  }
0x54: {  	s24 =	sor.u32 s16, s23;
	v6 =	vsel vm9, $0xB, v6;
	v2 =	vsel vm11, v3, v2;
	v10 =	vsel vm11, v9, v10  }
0x55: {  	v35 =	vld [tilespmem:s24+$0x0];
	vm12 =	vgt.f32 v33, v5;
	v3 =	vsel vm11, v32, v3;
	vm13 =	vgt.f32 v33, v1  }
0x56: {  	s18 =	sor.u32 s15, s23;
	v9 =	vsel vm11, $0xB, v9;
	v5 =	vsel vm12, v33, v5;
	v7 =	vsel vm12, $0xC, v7  }
0x57: {  	v36 =	vld [tilespmem:s18+$0x0];
	vm14 =	vgt.f32 v34, v2;
	vm15 =	vgt.f32 v34, v3;
	v5 =	vsel vm13, v1, v5  }
0x58: {  	v7 =	vsel vm13, v6, v7;
	v1 =	vsel vm13, v33, v1;
	v2 =	vsel vm14, v34, v2  }
0x59: {  	s25 =	sadd.s32 $0xB00, s17;
	v10 =	vsel vm14, $0xC, v10;
	v6 =	vsel vm13, $0xC, v6;
	v2 =	vsel vm15, v3, v2  }
0x5a: {  	s26 =	sor.u32 s16, s25;
	v10 =	vsel vm15, v9, v10;
	v3 =	vsel vm15, v34, v3;
	vm4 =	vgt.f32 v35, v5  }
0x5b: {  	v37 =	vld [tilespmem:s26+$0x0];
	s18 =	sor.u32 s15, s25;
	v9 =	vsel vm15, $0xC, v9;
	vm5 =	vgt.f32 v35, v1;
	v5 =	vsel vm4, v35, v5  }
0x5c: {  	v38 =	vld [tilespmem:s18+$0x0];
	v7 =	vsel vm4, $0xD, v7;
	vm6 =	vgt.f32 v36, v2;
	vm7 =	vgt.f32 v36, v3  }
0x5d: {  	v5 =	vsel vm5, v1, v5;
	v7 =	vsel vm5, v6, v7;
	v1 =	vsel vm5, v35, v1  }
0x5e: {  	s28 =	sadd.s32 $0xB80, s17;
	v2 =	vsel vm6, v36, v2;
	v6 =	vsel vm5, $0xD, v6;
	v10 =	vsel vm6, $0xD, v10  }
0x5f: {  	s29 =	sor.u32 s16, s28;
	v2 =	vsel vm7, v3, v2;
	v10 =	vsel vm7, v9, v10;
	v3 =	vsel vm7, v36, v3  }
0x60: {  	v39 =	vld [tilespmem:s29+$0x0];
	vm8 =	vgt.f32 v37, v5;
	vm9 =	vgt.f32 v37, v1;
	v9 =	vsel vm7, $0xD, v9  }
0x61: {  	s18 =	sor.u32 s15, s28;
	v5 =	vsel vm8, v37, v5;
	v7 =	vsel vm8, $0xE, v7;
	vm10 =	vgt.f32 v38, v2  }
0x62: {  	v40 =	vld [tilespmem:s18+$0x0];
	vm11 =	vgt.f32 v38, v3;
	v5 =	vsel vm9, v1, v5;
	v7 =	vsel vm9, v6, v7  }
0x63: {  	s30 =	sadd.s32 $0x1000, s17;
	v1 =	vsel vm9, v37, v1;
	v2 =	vsel vm10, v38, v2;
	v10 =	vsel vm10, $0xE, v10  }
0x64: {  	s31 =	sor.u32 s16, s30;
	v6 =	vsel vm9, $0xE, v6;
	v2 =	vsel vm11, v3, v2;
	v10 =	vsel vm11, v9, v10  }
0x65: {  	v41 =	vld [tilespmem:s31+$0x0];
	vm12 =	vgt.f32 v39, v5;
	v3 =	vsel vm11, v38, v3;
	vm13 =	vgt.f32 v39, v1  }
0x66: {  	s18 =	sor.u32 s15, s30;
	v9 =	vsel vm11, $0xE, v9;
	v5 =	vsel vm12, v39, v5;
	v7 =	vsel vm12, $0xF, v7  }
0x67: {  	v42 =	vld [tilespmem:s18+$0x0];
	vm14 =	vgt.f32 v40, v2;
	vm15 =	vgt.f32 v40, v3;
	v5 =	vsel vm13, v1, v5  }
0x68: {  	v7 =	vsel vm13, v6, v7;
	v1 =	vsel vm13, v39, v1;
	v2 =	vsel vm14, v40, v2  }
0x69: {  	s20 =	sadd.s32 $0x1080, s17;
	v10 =	vsel vm14, $0xF, v10;
	v6 =	vsel vm13, $0xF, v6;
	v2 =	vsel vm15, v3, v2  }
0x6a: {  	s21 =	sor.u32 s16, s20;
	v10 =	vsel vm15, v9, v10;
	v3 =	vsel vm15, v40, v3;
	vm4 =	vgt.f32 v41, v5  }
0x6b: {  	v43 =	vld [tilespmem:s21+$0x0];
	s18 =	sor.u32 s15, s20;
	v9 =	vsel vm15, $0xF, v9;
	vm5 =	vgt.f32 v41, v1;
	v5 =	vsel vm4, v41, v5  }
0x6c: {  	v44 =	vld [tilespmem:s18+$0x0];
	v7 =	vsel vm4, $0x10, v7;
	vm6 =	vgt.f32 v42, v2;
	vm7 =	vgt.f32 v42, v3  }
0x6d: {  	v5 =	vsel vm5, v1, v5;
	v7 =	vsel vm5, v6, v7;
	v1 =	vsel vm5, v41, v1  }
0x6e: {  	s22 =	sadd.s32 $0x1100, s17;
	v2 =	vsel vm6, v42, v2;
	v6 =	vsel vm5, $0x10, v6;
	v10 =	vsel vm6, $0x10, v10  }
0x6f: {  	s23 =	sor.u32 s16, s22;
	v2 =	vsel vm7, v3, v2;
	v10 =	vsel vm7, v9, v10;
	v3 =	vsel vm7, v42, v3  }
0x70: {  	v45 =	vld [tilespmem:s23+$0x0];
	vm8 =	vgt.f32 v43, v5;
	vm9 =	vgt.f32 v43, v1;
	v9 =	vsel vm7, $0x10, v9  }
0x71: {  	s18 =	sor.u32 s15, s22;
	v5 =	vsel vm8, v43, v5;
	v7 =	vsel vm8, $0x11, v7;
	vm10 =	vgt.f32 v44, v2  }
0x72: {  	v46 =	vld [tilespmem:s18+$0x0];
	vm11 =	vgt.f32 v44, v3;
	v5 =	vsel vm9, v1, v5;
	v7 =	vsel vm9, v6, v7  }
0x73: {  	s24 =	sadd.s32 $0x1180, s17;
	v1 =	vsel vm9, v43, v1;
	v2 =	vsel vm10, v44, v2;
	v10 =	vsel vm10, $0x11, v10  }
0x74: {  	s25 =	sor.u32 s16, s24;
	v6 =	vsel vm9, $0x11, v6;
	v2 =	vsel vm11, v3, v2;
	v10 =	vsel vm11, v9, v10  }
0x75: {  	v47 =	vld [tilespmem:s25+$0x0];
	vm12 =	vgt.f32 v45, v5;
	v3 =	vsel vm11, v44, v3;
	vm13 =	vgt.f32 v45, v1  }
0x76: {  	s18 =	sor.u32 s15, s24;
	v9 =	vsel vm11, $0x11, v9;
	v5 =	vsel vm12, v45, v5;
	v7 =	vsel vm12, $0x12, v7  }
0x77: {  	v48 =	vld [tilespmem:s18+$0x0];
	vm14 =	vgt.f32 v46, v2;
	vm15 =	vgt.f32 v46, v3;
	v5 =	vsel vm13, v1, v5  }
0x78: {  	v7 =	vsel vm13, v6, v7;
	v1 =	vsel vm13, v45, v1;
	v2 =	vsel vm14, v46, v2  }
0x79: {  	s26 =	sadd.s32 $0x1200, s17;
	v10 =	vsel vm14, $0x12, v10;
	v6 =	vsel vm13, $0x12, v6;
	v2 =	vsel vm15, v3, v2  }
0x7a: {  	s28 =	sor.u32 s16, s26;
	v10 =	vsel vm15, v9, v10;
	v3 =	vsel vm15, v46, v3;
	vm4 =	vgt.f32 v47, v5  }
0x7b: {  	v49 =	vld [tilespmem:s28+$0x0];
	s18 =	sor.u32 s15, s26;
	v9 =	vsel vm15, $0x12, v9;
	vm5 =	vgt.f32 v47, v1;
	v5 =	vsel vm4, v47, v5  }
0x7c: {  	v50 =	vld [tilespmem:s18+$0x0];
	v7 =	vsel vm4, $0x13, v7;
	vm6 =	vgt.f32 v48, v2;
	vm7 =	vgt.f32 v48, v3  }
0x7d: {  	v5 =	vsel vm5, v1, v5;
	v7 =	vsel vm5, v6, v7;
	v1 =	vsel vm5, v47, v1  }
0x7e: {  	s29 =	sadd.s32 $0x1280, s17;
	v2 =	vsel vm6, v48, v2;
	v6 =	vsel vm5, $0x13, v6;
	v10 =	vsel vm6, $0x13, v10  }
0x7f: {  	s30 =	sor.u32 s16, s29;
	v2 =	vsel vm7, v3, v2;
	v10 =	vsel vm7, v9, v10;
	v3 =	vsel vm7, v48, v3  }
0x80: {  	v51 =	vld [tilespmem:s30+$0x0];
	vm8 =	vgt.f32 v49, v5;
	vm9 =	vgt.f32 v49, v1;
	v9 =	vsel vm7, $0x13, v9  }
0x81: {  	s18 =	sor.u32 s15, s29;
	v5 =	vsel vm8, v49, v5;
	v7 =	vsel vm8, $0x14, v7;
	vm10 =	vgt.f32 v50, v2  }
0x82: {  	v52 =	vld [tilespmem:s18+$0x0];
	vm11 =	vgt.f32 v50, v3;
	v5 =	vsel vm9, v1, v5;
	v7 =	vsel vm9, v6, v7  }
0x83: {  	s31 =	sadd.s32 $0x1300, s17;
	v1 =	vsel vm9, v49, v1;
	v2 =	vsel vm10, v50, v2;
	v10 =	vsel vm10, $0x14, v10  }
0x84: {  	s20 =	sor.u32 s16, s31;
	v6 =	vsel vm9, $0x14, v6;
	v2 =	vsel vm11, v3, v2;
	v10 =	vsel vm11, v9, v10  }
0x85: {  	v53 =	vld [tilespmem:s20+$0x0];
	vm12 =	vgt.f32 v51, v5;
	v3 =	vsel vm11, v50, v3;
	vm13 =	vgt.f32 v51, v1  }
0x86: {  	s18 =	sor.u32 s15, s31;
	v9 =	vsel vm11, $0x14, v9;
	v5 =	vsel vm12, v51, v5;
	v7 =	vsel vm12, $0x15, v7  }
0x87: {  	v54 =	vld [tilespmem:s18+$0x0];
	vm14 =	vgt.f32 v52, v2;
	vm15 =	vgt.f32 v52, v3;
	v5 =	vsel vm13, v1, v5  }
0x88: {  	v7 =	vsel vm13, v6, v7;
	v1 =	vsel vm13, v51, v1;
	v2 =	vsel vm14, v52, v2  }
0x89: {  	s21 =	sadd.s32 $0x1380, s17;
	v10 =	vsel vm14, $0x15, v10;
	v6 =	vsel vm13, $0x15, v6;
	v2 =	vsel vm15, v3, v2  }
0x8a: {  	s22 =	sor.u32 s16, s21;
	v10 =	vsel vm15, v9, v10;
	v3 =	vsel vm15, v52, v3;
	vm4 =	vgt.f32 v53, v5  }
0x8b: {  	v55 =	vld [tilespmem:s22+$0x0];
	s18 =	sor.u32 s15, s21;
	v9 =	vsel vm15, $0x15, v9;
	vm5 =	vgt.f32 v53, v1;
	v5 =	vsel vm4, v53, v5  }
0x8c: {  	v56 =	vld [tilespmem:s18+$0x0];
	v7 =	vsel vm4, $0x16, v7;
	vm6 =	vgt.f32 v54, v2;
	vm7 =	vgt.f32 v54, v3  }
0x8d: {  	v5 =	vsel vm5, v1, v5;
	v7 =	vsel vm5, v6, v7;
	v1 =	vsel vm5, v53, v1  }
0x8e: {  	s23 =	sadd.s32 $0x1800, s17;
	v2 =	vsel vm6, v54, v2;
	v6 =	vsel vm5, $0x16, v6;
	v10 =	vsel vm6, $0x16, v10  }
0x8f: {  	s24 =	sor.u32 s16, s23;
	v2 =	vsel vm7, v3, v2;
	v10 =	vsel vm7, v9, v10;
	v3 =	vsel vm7, v54, v3  }
0x90: {  	v57 =	vld [tilespmem:s24+$0x0];
	vm8 =	vgt.f32 v55, v5;
	vm9 =	vgt.f32 v55, v1;
	v9 =	vsel vm7, $0x16, v9  }
0x91: {  	s18 =	sor.u32 s15, s23;
	v5 =	vsel vm8, v55, v5;
	v7 =	vsel vm8, $0x17, v7;
	vm10 =	vgt.f32 v56, v2  }
0x92: {  	v58 =	vld [tilespmem:s18+$0x0];
	vm11 =	vgt.f32 v56, v3;
	v5 =	vsel vm9, v1, v5;
	v7 =	vsel vm9, v6, v7  }
0x93: {  	s25 =	sadd.s32 $0x1880, s17;
	v1 =	vsel vm9, v55, v1;
	v2 =	vsel vm10, v56, v2;
	v10 =	vsel vm10, $0x17, v10  }
0x94: {  	s26 =	sor.u32 s16, s25;
	v6 =	vsel vm9, $0x17, v6;
	v2 =	vsel vm11, v3, v2;
	v10 =	vsel vm11, v9, v10  }
0x95: {  	v59 =	vld [tilespmem:s26+$0x0];
	vm12 =	vgt.f32 v57, v5;
	v3 =	vsel vm11, v56, v3;
	vm13 =	vgt.f32 v57, v1  }
0x96: {  	s18 =	sor.u32 s15, s25;
	v9 =	vsel vm11, $0x17, v9;
	v5 =	vsel vm12, v57, v5;
	v7 =	vsel vm12, $0x18, v7  }
0x97: {  	v60 =	vld [tilespmem:s18+$0x0];
	vm14 =	vgt.f32 v58, v2;
	vm15 =	vgt.f32 v58, v3;
	v5 =	vsel vm13, v1, v5  }
0x98: {  	v7 =	vsel vm13, v6, v7;
	v1 =	vsel vm13, v57, v1;
	v2 =	vsel vm14, v58, v2  }
0x99: {  	s28 =	sadd.s32 $0x1900, s17;
	v10 =	vsel vm14, $0x18, v10;
	v6 =	vsel vm13, $0x18, v6;
	v2 =	vsel vm15, v3, v2  }
0x9a: {  	s29 =	sor.u32 s16, s28;
	v10 =	vsel vm15, v9, v10;
	v3 =	vsel vm15, v58, v3;
	vm4 =	vgt.f32 v59, v5  }
0x9b: {  	v61 =	vld [tilespmem:s29+$0x0];
	s18 =	sor.u32 s15, s28;
	v9 =	vsel vm15, $0x18, v9;
	vm5 =	vgt.f32 v59, v1;
	v5 =	vsel vm4, v59, v5  }
0x9c: {  	v62 =	vld [tilespmem:s18+$0x0];
	v7 =	vsel vm4, $0x19, v7;
	vm6 =	vgt.f32 v60, v2;
	vm7 =	vgt.f32 v60, v3  }
0x9d: {  	v5 =	vsel vm5, v1, v5;
	v7 =	vsel vm5, v6, v7;
	v1 =	vsel vm5, v59, v1  }
0x9e: {  	s30 =	sadd.s32 $0x1980, s17;
	v2 =	vsel vm6, v60, v2;
	v6 =	vsel vm5, $0x19, v6;
	v10 =	vsel vm6, $0x19, v10  }
0x9f: {  	s31 =	sor.u32 s16, s30;
	v2 =	vsel vm7, v3, v2;
	v10 =	vsel vm7, v9, v10;
	v3 =	vsel vm7, v60, v3  }
0xa0: {  	v63 =	vld [tilespmem:s31+$0x0];
	vm8 =	vgt.f32 v61, v5;
	vm9 =	vgt.f32 v61, v1;
	v9 =	vsel vm7, $0x19, v9  }
0xa1: {  	s18 =	sor.u32 s15, s30;
	v5 =	vsel vm8, v61, v5;
	v7 =	vsel vm8, $0x1A, v7;
	vm10 =	vgt.f32 v62, v2  }
0xa2: {  	v12 =	vld [tilespmem:s18+$0x0];
	vm11 =	vgt.f32 v62, v3;
	v5 =	vsel vm9, v1, v5;
	v7 =	vsel vm9, v6, v7  }
0xa3: {  	v1 =	vsel vm9, v61, v1;
	v6 =	vsel vm9, $0x1A, v6;
	v2 =	vsel vm10, v62, v2  }
0xa4: {  	s20 =	sadd.s32 $0x1A00, s17;
	v10 =	vsel vm10, $0x1A, v10;
	v61 =	vimm.s32 $0x0;
	v2 =	vsel vm11, v3, v2  }
0xa5: {  	s21 =	sor.u32 s16, s20;
	v10 =	vsel vm11, v9, v10;
	vm12 =	vgt.f32 v63, v5;
	v3 =	vsel vm11, v62, v3  }
0xa6: {  	v13 =	vld [tilespmem:s21+$0x0];
	s18 =	sor.u32 s15, s20;
	vm13 =	vgt.f32 v63, v1;
	v9 =	vsel vm11, $0x1A, v9;
	v5 =	vsel vm12, v63, v5  }
0xa7: {  	v14 =	vld [tilespmem:s18+$0x0];
	v7 =	vsel vm12, $0x1B, v7;
	vm14 =	vgt.f32 v12, v2;
	vm15 =	vgt.f32 v12, v3  }
0xa8: {  	v5 =	vsel vm13, v1, v5;
	v7 =	vsel vm13, v6, v7;
	v1 =	vsel vm13, v63, v1  }
0xa9: {  	s22 =	sadd.s32 $0x1A80, s17;
	v2 =	vsel vm14, v12, v2;
	v10 =	vsel vm14, $0x1B, v10;
	v6 =	vsel vm13, $0x1B, v6  }
0xaa: {  	s23 =	sor.u32 s16, s22;
	v2 =	vsel vm15, v3, v2;
	v10 =	vsel vm15, v9, v10;
	v3 =	vsel vm15, v12, v3  }
0xab: {  	v15 =	vld [tilespmem:s23+$0x0];
	v9 =	vsel vm15, $0x1B, v9;
	vm4 =	vgt.f32 v13, v5;
	vm5 =	vgt.f32 v13, v1  }
0xac: {  	s18 =	sor.u32 s15, s22;
	v5 =	vsel vm4, v13, v5;
	v7 =	vsel vm4, $0x1C, v7;
	vm6 =	vgt.f32 v14, v2  }
0xad: {  	v16 =	vld [tilespmem:s18+$0x0];
	vm7 =	vgt.f32 v14, v3;
	v5 =	vsel vm5, v1, v5;
	v7 =	vsel vm5, v6, v7  }
0xae: {  	s24 =	sadd.s32 $0x1B00, s17;
	v1 =	vsel vm5, v13, v1;
	v2 =	vsel vm6, v14, v2;
	v10 =	vsel vm6, $0x1C, v10  }
0xaf: {  	s25 =	sor.u32 s16, s24;
	v6 =	vsel vm5, $0x1C, v6;
	v2 =	vsel vm7, v3, v2;
	v10 =	vsel vm7, v9, v10  }
0xb0: {  	v17 =	vld [tilespmem:s25+$0x0];
	v3 =	vsel vm7, v14, v3;
	vm8 =	vgt.f32 v15, v5;
	vm9 =	vgt.f32 v15, v1  }
0xb1: {  	s18 =	sor.u32 s15, s24;
	v9 =	vsel vm7, $0x1C, v9;
	v5 =	vsel vm8, v15, v5;
	v7 =	vsel vm8, $0x1D, v7  }
0xb2: {  	v18 =	vld [tilespmem:s18+$0x0];
	vm10 =	vgt.f32 v16, v2;
	vm11 =	vgt.f32 v16, v3;
	v5 =	vsel vm9, v1, v5  }
0xb3: {  	v7 =	vsel vm9, v6, v7;
	v1 =	vsel vm9, v15, v1;
	v6 =	vsel vm9, $0x1D, v6  }
0xb4: {  	s26 =	sadd.s32 $0x1B80, s17;
	v2 =	vsel vm10, v16, v2;
	v10 =	vsel vm10, $0x1D, v10;
	v15 =	vimm.s32 $0x0  }
0xb5: {  	s28 =	sor.u32 s16, s26;
	v2 =	vsel vm11, v3, v2;
	v10 =	vsel vm11, v9, v10;
	vm12 =	vgt.f32 v17, v5  }
0xb6: {  	v19 =	vld [tilespmem:s28+$0x0];
	v3 =	vsel vm11, v16, v3;
	vm13 =	vgt.f32 v17, v1;
	v9 =	vsel vm11, $0x1D, v9  }
0xb7: {  	s18 =	sor.u32 s15, s26;
	v5 =	vsel vm12, v17, v5;
	v7 =	vsel vm12, $0x1E, v7;
	vm14 =	vgt.f32 v18, v2  }
0xb8: {  	v20 =	vld [tilespmem:s18+$0x0];
	vm15 =	vgt.f32 v18, v3;
	v5 =	vsel vm13, v1, v5;
	v7 =	vsel vm13, v6, v7  }
0xb9: {  	v1 =	vsel vm13, v17, v1;
	v2 =	vsel vm14, v18, v2;
	v10 =	vsel vm14, $0x1E, v10  }
0xba: {  	s29 =	sadd.s32 $0x2000, s17;
	v6 =	vsel vm13, $0x1E, v6;
	v17 =	vimm.s32 $0x0;
	v2 =	vsel vm15, v3, v2  }
0xbb: {  	s30 =	sor.u32 s16, s29;
	v10 =	vsel vm15, v9, v10;
	v3 =	vsel vm15, v18, v3;
	vm4 =	vgt.f32 v19, v5  }
0xbc: {  	v21 =	vld [tilespmem:s30+$0x0];
	v9 =	vsel vm15, $0x1E, v9;
	vm5 =	vgt.f32 v19, v1;
	v5 =	vsel vm4, v19, v5  }
0xbd: {  	s18 =	sor.u32 s15, s29;
	v7 =	vsel vm4, $0x1F, v7;
	vm6 =	vgt.f32 v20, v2;
	vm7 =	vgt.f32 v20, v3  }
0xbe: {  	v22 =	vld [tilespmem:s18+$0x0];
	v5 =	vsel vm5, v1, v5;
	v7 =	vsel vm5, v6, v7;
	v1 =	vsel vm5, v19, v1  }
0xbf: {  	s31 =	sadd.s32 $0x2080, s17;
	v2 =	vsel vm6, v20, v2;
	v6 =	vsel vm5, $0x1F, v6;
	v10 =	vsel vm6, $0x1F, v10  }
0xc0: {  	s20 =	sor.u32 s16, s31;
	v19 =	vimm.s32 $0x0;
	v2 =	vsel vm7, v3, v2;
	v10 =	vsel vm7, v9, v10  }
0xc1: {  	v23 =	vld [tilespmem:s20+$0x0];
	v3 =	vsel vm7, v20, v3;
	vm8 =	vgt.f32 v21, v5;
	vm9 =	vgt.f32 v21, v1  }
0xc2: {  	v9 =	vsel vm7, $0x1F, v9;
	v20 =	vimm.s32 $0x0;
	v5 =	vsel vm8, v21, v5  }
0xc3: {  	s18 =	sor.u32 s15, s31;
	v7 =	vsel vm8, $0x20, v7;
	vm10 =	vgt.f32 v22, v2;
	vm11 =	vgt.f32 v22, v3  }
0xc4: {  	v24 =	vld [tilespmem:s18+$0x0];
	v5 =	vsel vm9, v1, v5;
	v7 =	vsel vm9, v6, v7;
	v1 =	vsel vm9, v21, v1  }
0xc5: {  	v6 =	vsel vm9, $0x20, v6;
	v2 =	vsel vm10, v22, v2;
	v10 =	vsel vm10, $0x20, v10  }
0xc6: {  	s21 =	sadd.s32 $0x2100, s17;
	v2 =	vsel vm11, v3, v2;
	v10 =	vsel vm11, v9, v10;
	vm12 =	vgt.f32 v23, v5  }
0xc7: {  	s22 =	sor.u32 s16, s21;
	v3 =	vsel vm11, v22, v3;
	vm13 =	vgt.f32 v23, v1;
	v9 =	vsel vm11, $0x20, v9  }
0xc8: {  	s18 =	sor.u32 s15, s21;
	v25 =	vld [tilespmem:s22+$0x0];
	v22 =	vimm.s32 $0x0;
	v5 =	vsel vm12, v23, v5;
	v7 =	vsel vm12, $0x21, v7  }
0xc9: {  	v26 =	vld [tilespmem:s18+$0x0];
	vm14 =	vgt.f32 v24, v2;
	vm15 =	vgt.f32 v24, v3;
	v5 =	vsel vm13, v1, v5  }
0xca: {  	v7 =	vsel vm13, v6, v7;
	v1 =	vsel vm13, v23, v1;
	v2 =	vsel vm14, v24, v2  }
0xcb: {  	s23 =	sadd.s32 $0x2180, s17;
	v10 =	vsel vm14, $0x21, v10;
	v6 =	vsel vm13, $0x21, v6;
	v23 =	vimm.s32 $0x0  }
0xcc: {  	s24 =	sor.u32 s16, s23;
	v2 =	vsel vm15, v3, v2;
	v10 =	vsel vm15, v9, v10;
	v3 =	vsel vm15, v24, v3  }
0xcd: {  	v27 =	vld [tilespmem:s24+$0x0];
	v9 =	vsel vm15, $0x21, v9;
	vm4 =	vgt.f32 v25, v5;
	vm5 =	vgt.f32 v25, v1  }
0xce: {  	s18 =	sor.u32 s15, s23;
	v5 =	vsel vm4, v25, v5;
	v7 =	vsel vm4, $0x22, v7;
	vm6 =	vgt.f32 v26, v2  }
0xcf: {  	v28 =	vld [tilespmem:s18+$0x0];
	vm7 =	vgt.f32 v26, v3;
	v5 =	vsel vm5, v1, v5;
	v7 =	vsel vm5, v6, v7  }
0xd0: {  	v1 =	vsel vm5, v25, v1;
	v2 =	vsel vm6, v26, v2;
	v6 =	vsel vm5, $0x22, v6  }
0xd1: {  	s25 =	sadd.s32 $0x2200, s17;
	v10 =	vsel vm6, $0x22, v10;
	v25 =	vimm.s32 $0x0;
	v2 =	vsel vm7, v3, v2  }
0xd2: {  	s26 =	sor.u32 s16, s25;
	v10 =	vsel vm7, v9, v10;
	v3 =	vsel vm7, v26, v3;
	vm8 =	vgt.f32 v27, v5  }
0xd3: {  	v29 =	vld [tilespmem:s26+$0x0];
	vm9 =	vgt.f32 v27, v1;
	v9 =	vsel vm7, $0x22, v9;
	v5 =	vsel vm8, v27, v5  }
0xd4: {  	s18 =	sor.u32 s15, s25;
	v7 =	vsel vm8, $0x23, v7;
	vm10 =	vgt.f32 v28, v2;
	vm11 =	vgt.f32 v28, v3  }
0xd5: {  	v30 =	vld [tilespmem:s18+$0x0];
	v5 =	vsel vm9, v1, v5;
	v7 =	vsel vm9, v6, v7;
	v1 =	vsel vm9, v27, v1  }
0xd6: {  	v6 =	vsel vm9, $0x23, v6;
	v2 =	vsel vm10, v28, v2;
	v10 =	vsel vm10, $0x23, v10  }
0xd7: {  	s28 =	sadd.s32 $0x2280, s17;
	v27 =	vimm.s32 $0x0;
	v2 =	vsel vm11, v3, v2;
	v10 =	vsel vm11, v9, v10  }
0xd8: {  	s29 =	sor.u32 s16, s28;
	vm12 =	vgt.f32 v29, v5;
	v3 =	vsel vm11, v28, v3;
	vm13 =	vgt.f32 v29, v1  }
0xd9: {  	v31 =	vld [tilespmem:s29+$0x0];
	v9 =	vsel vm11, $0x23, v9;
	v28 =	vimm.s32 $0x0;
	v5 =	vsel vm12, v29, v5  }
0xda: {  	s18 =	sor.u32 s15, s28;
	v7 =	vsel vm12, $0x24, v7;
	vm14 =	vgt.f32 v30, v2;
	vm15 =	vgt.f32 v30, v3  }
0xdb: {  	v32 =	vld [tilespmem:s18+$0x0];
	v5 =	vsel vm13, v1, v5;
	v7 =	vsel vm13, v6, v7;
	v1 =	vsel vm13, v29, v1  }
0xdc: {  	v2 =	vsel vm14, v30, v2;
	v10 =	vsel vm14, $0x24, v10;
	v6 =	vsel vm13, $0x24, v6  }
0xdd: {  	s30 =	sadd.s32 $0x2300, s17;
	v29 =	vimm.s32 $0x0;
	v2 =	vsel vm15, v3, v2;
	v10 =	vsel vm15, v9, v10  }
0xde: {  	s31 =	sor.u32 s16, s30;
	v3 =	vsel vm15, v30, v3;
	v9 =	vsel vm15, $0x24, v9;
	vm4 =	vgt.f32 v31, v5  }
0xdf: {  	v33 =	vld [tilespmem:s31+$0x0];
	vm5 =	vgt.f32 v31, v1;
	v30 =	vimm.s32 $0x0;
	v5 =	vsel vm4, v31, v5  }
0xe0: {  	s18 =	sor.u32 s15, s30;
	v7 =	vsel vm4, $0x25, v7;
	vm6 =	vgt.f32 v32, v2;
	vm7 =	vgt.f32 v32, v3  }
0xe1: {  	v34 =	vld [tilespmem:s18+$0x0];
	v5 =	vsel vm5, v1, v5;
	v7 =	vsel vm5, v6, v7;
	v1 =	vsel vm5, v31, v1  }
0xe2: {  	s20 =	sadd.s32 $0x2380, s17;
	v2 =	vsel vm6, v32, v2;
	v6 =	vsel vm5, $0x25, v6;
	v10 =	vsel vm6, $0x25, v10  }
0xe3: {  	s21 =	sor.u32 s16, s20;
	v2 =	vsel vm7, v3, v2;
	v10 =	vsel vm7, v9, v10;
	v3 =	vsel vm7, v32, v3  }
0xe4: {  	v35 =	vld [tilespmem:s21+$0x0];
	vm8 =	vgt.f32 v33, v5;
	vm9 =	vgt.f32 v33, v1;
	v9 =	vsel vm7, $0x25, v9  }
0xe5: {  	s18 =	sor.u32 s15, s20;
	v32 =	vimm.s32 $0x0;
	v5 =	vsel vm8, v33, v5;
	v7 =	vsel vm8, $0x26, v7  }
0xe6: {  	v36 =	vld [tilespmem:s18+$0x0];
	vm10 =	vgt.f32 v34, v2;
	vm11 =	vgt.f32 v34, v3;
	v5 =	vsel vm9, v1, v5  }
0xe7: {  	v7 =	vsel vm9, v6, v7;
	v1 =	vsel vm9, v33, v1;
	v2 =	vsel vm10, v34, v2  }
0xe8: {  	s22 =	sadd.s32 $0x2800, s17;
	v6 =	vsel vm9, $0x26, v6;
	v10 =	vsel vm10, $0x26, v10;
	v2 =	vsel vm11, v3, v2  }
0xe9: {  	s23 =	sor.u32 s16, s22;
	v10 =	vsel vm11, v9, v10;
	vm12 =	vgt.f32 v35, v5;
	v3 =	vsel vm11, v34, v3  }
0xea: {  	v37 =	vld [tilespmem:s23+$0x0];
	vm13 =	vgt.f32 v35, v1;
	v9 =	vsel vm11, $0x26, v9;
	v34 =	vimm.s32 $0x0  }
0xeb: {  	s18 =	sor.u32 s15, s22;
	v5 =	vsel vm12, v35, v5;
	v7 =	vsel vm12, $0x27, v7;
	vm14 =	vgt.f32 v36, v2  }
0xec: {  	v38 =	vld [tilespmem:s18+$0x0];
	vm15 =	vgt.f32 v36, v3;
	v5 =	vsel vm13, v1, v5;
	v7 =	vsel vm13, v6, v7  }
0xed: {  	v1 =	vsel vm13, v35, v1;
	v2 =	vsel vm14, v36, v2;
	v10 =	vsel vm14, $0x27, v10  }
0xee: {  	s24 =	sadd.s32 $0x2880, s17;
	v6 =	vsel vm13, $0x27, v6;
	v2 =	vsel vm15, v3, v2;
	v10 =	vsel vm15, v9, v10  }
0xef: {  	s25 =	sor.u32 s16, s24;
	v3 =	vsel vm15, v36, v3;
	v9 =	vsel vm15, $0x27, v9;
	vm4 =	vgt.f32 v37, v5  }
0xf0: {  	v39 =	vld [tilespmem:s25+$0x0];
	vm5 =	vgt.f32 v37, v1;
	v36 =	vimm.s32 $0x0;
	v5 =	vsel vm4, v37, v5  }
0xf1: {  	s18 =	sor.u32 s15, s24;
	v7 =	vsel vm4, $0x28, v7;
	vm6 =	vgt.f32 v38, v2;
	vm7 =	vgt.f32 v38, v3  }
0xf2: {  	v40 =	vld [tilespmem:s18+$0x0];
	v5 =	vsel vm5, v1, v5;
	v7 =	vsel vm5, v6, v7;
	v1 =	vsel vm5, v37, v1  }
0xf3: {  	s26 =	sadd.s32 $0x2900, s17;
	v2 =	vsel vm6, v38, v2;
	v6 =	vsel vm5, $0x28, v6;
	v10 =	vsel vm6, $0x28, v10  }
0xf4: {  	s28 =	sor.u32 s16, s26;
	v37 =	vimm.s32 $0x0;
	v2 =	vsel vm7, v3, v2;
	v10 =	vsel vm7, v9, v10  }
0xf5: {  	v41 =	vld [tilespmem:s28+$0x0];
	v3 =	vsel vm7, v38, v3;
	vm8 =	vgt.f32 v39, v5;
	vm9 =	vgt.f32 v39, v1  }
0xf6: {  	s18 =	sor.u32 s15, s26;
	v9 =	vsel vm7, $0x28, v9;
	v5 =	vsel vm8, v39, v5;
	v7 =	vsel vm8, $0x29, v7  }
0xf7: {  	v42 =	vld [tilespmem:s18+$0x0];
	vm10 =	vgt.f32 v40, v2;
	vm11 =	vgt.f32 v40, v3;
	v5 =	vsel vm9, v1, v5  }
0xf8: {  	v7 =	vsel vm9, v6, v7;
	v1 =	vsel vm9, v39, v1;
	v6 =	vsel vm9, $0x29, v6  }
0xf9: {  	v2 =	vsel vm10, v40, v2;
	v10 =	vsel vm10, $0x29, v10;
	v39 =	vimm.s32 $0x0  }
0xfa: {  	s29 =	sadd.s32 $0x2980, s17;
	v2 =	vsel vm11, v3, v2;
	v10 =	vsel vm11, v9, v10;
	vm12 =	vgt.f32 v41, v5  }
0xfb: {  	s30 =	sor.u32 s16, s29;
	v3 =	vsel vm11, v40, v3;
	vm13 =	vgt.f32 v41, v1;
	v9 =	vsel vm11, $0x29, v9  }
0xfc: {  	s18 =	sor.u32 s15, s29;
	v43 =	vld [tilespmem:s30+$0x0];
	v5 =	vsel vm12, v41, v5;
	v7 =	vsel vm12, $0x2A, v7;
	vm14 =	vgt.f32 v42, v2  }
0xfd: {  	v44 =	vld [tilespmem:s18+$0x0];
	vm15 =	vgt.f32 v42, v3;
	v5 =	vsel vm13, v1, v5;
	v7 =	vsel vm13, v6, v7  }
0xfe: {  	v1 =	vsel vm13, v41, v1;
	v2 =	vsel vm14, v42, v2;
	v10 =	vsel vm14, $0x2A, v10  }
0xff: {  	s31 =	sadd.s32 $0x2A00, s17;
	v6 =	vsel vm13, $0x2A, v6;
	v41 =	vimm.s32 $0x0;
	v2 =	vsel vm15, v3, v2  }
0x100: {  	s20 =	sor.u32 s16, s31;
	v10 =	vsel vm15, v9, v10;
	v3 =	vsel vm15, v42, v3;
	v9 =	vsel vm15, $0x2A, v9  }
0x101: {  	v45 =	vld [tilespmem:s20+$0x0];
	vm4 =	vgt.f32 v43, v5;
	vm5 =	vgt.f32 v43, v1;
	v42 =	vimm.s32 $0x0  }
0x102: {  	s18 =	sor.u32 s15, s31;
	v5 =	vsel vm4, v43, v5;
	v7 =	vsel vm4, $0x2B, v7;
	vm6 =	vgt.f32 v44, v2  }
0x103: {  	v46 =	vld [tilespmem:s18+$0x0];
	vm7 =	vgt.f32 v44, v3;
	v5 =	vsel vm5, v1, v5;
	v7 =	vsel vm5, v6, v7  }
0x104: {  	v1 =	vsel vm5, v43, v1;
	v2 =	vsel vm6, v44, v2;
	v6 =	vsel vm5, $0x2B, v6  }
0x105: {  	s21 =	sadd.s32 $0x2A80, s17;
	v10 =	vsel vm6, $0x2B, v10;
	v43 =	vimm.s32 $0x0;
	v2 =	vsel vm7, v3, v2  }
0x106: {  	s22 =	sor.u32 s16, s21;
	v10 =	vsel vm7, v9, v10;
	v3 =	vsel vm7, v44, v3;
	vm8 =	vgt.f32 v45, v5  }
0x107: {  	v47 =	vld [tilespmem:s22+$0x0];
	vm9 =	vgt.f32 v45, v1;
	v9 =	vsel vm7, $0x2B, v9;
	v5 =	vsel vm8, v45, v5  }
0x108: {  	s18 =	sor.u32 s15, s21;
	v7 =	vsel vm8, $0x2C, v7;
	vm10 =	vgt.f32 v46, v2;
	vm11 =	vgt.f32 v46, v3  }
0x109: {  	v48 =	vld [tilespmem:s18+$0x0];
	v5 =	vsel vm9, v1, v5;
	v7 =	vsel vm9, v6, v7;
	v1 =	vsel vm9, v45, v1  }
0x10a: {  	v6 =	vsel vm9, $0x2C, v6;
	v2 =	vsel vm10, v46, v2;
	v10 =	vsel vm10, $0x2C, v10  }
0x10b: {  	s23 =	sadd.s32 $0x2B00, s17;
	v45 =	vimm.s32 $0x0;
	v2 =	vsel vm11, v3, v2;
	v10 =	vsel vm11, v9, v10  }
0x10c: {  	s24 =	sor.u32 s16, s23;
	vm12 =	vgt.f32 v47, v5;
	v3 =	vsel vm11, v46, v3;
	vm13 =	vgt.f32 v47, v1  }
0x10d: {  	v49 =	vld [tilespmem:s24+$0x0];
	v9 =	vsel vm11, $0x2C, v9;
	v5 =	vsel vm12, v47, v5;
	v7 =	vsel vm12, $0x2D, v7  }
0x10e: {  	s18 =	sor.u32 s15, s23;
	vm14 =	vgt.f32 v48, v2;
	vm15 =	vgt.f32 v48, v3;
	v5 =	vsel vm13, v1, v5  }
0x10f: {  	v50 =	vld [tilespmem:s18+$0x0];
	v7 =	vsel vm13, v6, v7;
	v1 =	vsel vm13, v47, v1;
	v2 =	vsel vm14, v48, v2  }
0x110: {  	s25 =	sadd.s32 $0x2B80, s17;
	v10 =	vsel vm14, $0x2D, v10;
	v6 =	vsel vm13, $0x2D, v6;
	v47 =	vimm.s32 $0x0  }
0x111: {  	s26 =	sor.u32 s16, s25;
	v2 =	vsel vm15, v3, v2;
	v10 =	vsel vm15, v9, v10;
	v3 =	vsel vm15, v48, v3  }
0x112: {  	v51 =	vld [tilespmem:s26+$0x0];
	v9 =	vsel vm15, $0x2D, v9;
	vm4 =	vgt.f32 v49, v5;
	vm5 =	vgt.f32 v49, v1  }
0x113: {  	s18 =	sor.u32 s15, s25;
	v48 =	vimm.s32 $0x0;
	v5 =	vsel vm4, v49, v5;
	v7 =	vsel vm4, $0x2E, v7  }
0x114: {  	v52 =	vld [tilespmem:s18+$0x0];
	vm6 =	vgt.f32 v50, v2;
	vm7 =	vgt.f32 v50, v3;
	v5 =	vsel vm5, v1, v5  }
0x115: {  	v7 =	vsel vm5, v6, v7;
	v1 =	vsel vm5, v49, v1;
	v2 =	vsel vm6, v50, v2  }
0x116: {  	s28 =	sadd.s32 $0x3000, s17;
	v6 =	vsel vm5, $0x2E, v6;
	v10 =	vsel vm6, $0x2E, v10;
	v2 =	vsel vm7, v3, v2  }
0x117: {  	s29 =	sor.u32 s16, s28;
	v10 =	vsel vm7, v9, v10;
	v3 =	vsel vm7, v50, v3;
	vm8 =	vgt.f32 v51, v5  }
0x118: {  	v53 =	vld [tilespmem:s29+$0x0];
	vm9 =	vgt.f32 v51, v1;
	v9 =	vsel vm7, $0x2E, v9;
	v5 =	vsel vm8, v51, v5  }
0x119: {  	s18 =	sor.u32 s15, s28;
	v7 =	vsel vm8, $0x2F, v7;
	vm10 =	vgt.f32 v52, v2;
	vm11 =	vgt.f32 v52, v3  }
0x11a: {  	v54 =	vld [tilespmem:s18+$0x0];
	v5 =	vsel vm9, v1, v5;
	v7 =	vsel vm9, v6, v7;
	v1 =	vsel vm9, v51, v1  }
0x11b: {  	v6 =	vsel vm9, $0x2F, v6;
	v2 =	vsel vm10, v52, v2;
	v10 =	vsel vm10, $0x2F, v10  }
0x11c: {  	s30 =	sadd.s32 $0x3080, s17;
	v51 =	vimm.s32 $0x0;
	v2 =	vsel vm11, v3, v2;
	v10 =	vsel vm11, v9, v10  }
0x11d: {  	s31 =	sor.u32 s16, s30;
	vm12 =	vgt.f32 v53, v5;
	v3 =	vsel vm11, v52, v3;
	vm13 =	vgt.f32 v53, v1  }
0x11e: {  	s18 =	sor.u32 s15, s30;
	v55 =	vld [tilespmem:s31+$0x0];
	v9 =	vsel vm11, $0x2F, v9;
	v52 =	vimm.s32 $0x0;
	v5 =	vsel vm12, v53, v5  }
0x11f: {  	v56 =	vld [tilespmem:s18+$0x0];
	v7 =	vsel vm12, $0x30, v7;
	vm14 =	vgt.f32 v54, v2;
	vm15 =	vgt.f32 v54, v3  }
0x120: {  	s20 =	sadd.s32 $0x3100, s17;
	v5 =	vsel vm13, v1, v5;
	v7 =	vsel vm13, v6, v7;
	v1 =	vsel vm13, v53, v1  }
0x121: {  	s21 =	sor.u32 s16, s20;
	v2 =	vsel vm14, v54, v2;
	v10 =	vsel vm14, $0x30, v10;
	v6 =	vsel vm13, $0x30, v6  }
0x122: {  	s18 =	sor.u32 s15, s20;
	v12 =	vld [tilespmem:s21+$0x0];
	v11 =	vsel vm15, v54, v3;
	v2 =	vsel vm15, v3, v2;
	v10 =	vsel vm15, v9, v10  }
0x123: {  	v13 =	vld [tilespmem:s18+$0x0];
	v9 =	vsel vm15, $0x30, v9;
	vm4 =	vgt.f32 v55, v5;
	vm5 =	vgt.f32 v55, v1  }
0x124: {  	vm7 =	vgt.f32 v56, v11;
	v3 =	vsel vm4, v55, v5;
	v57 =	vsel vm4, $0x31, v7  }
0x125: {  	vm6 =	vgt.f32 v56, v2;
	v8 =	vsel vm5, v55, v1;
	v4 =	vsel vm7, v56, v11  }
0x126: {  	s22 =	sadd.s32 $0x3180, s17;
	v55 =	vimm.s32 $0x0;
	v58 =	vsel vm5, v1, v3;
	v5 =	vsel vm5, v6, v57  }
0x127: {  	s23 =	sor.u32 s16, s22;
	v1 =	vsel vm6, v56, v2;
	v6 =	vsel vm5, $0x31, v6;
	vm1 =	vgt.f32 v12, v8  }
0x128: {  	v14 =	vld [tilespmem:s23+$0x0];
	vm15 =	vgt.f32 v13, v4;
	v2 =	vsel vm7, v11, v1;
	v1 =	vsel vm6, $0x31, v10  }
0x129: {  	v57 =	vimm.s32 $0x0;
	vm8 =	vgt.f32 v12, v58;
	v3 =	vsel vm7, v9, v1  }
0x12a: {  	s19 =	sor.u32 s15, s22;
	v1 =	vsel vm7, $0x31, v9;
	v7 =	vsel vm8, v12, v58;
	v5 =	vsel vm8, $0x32, v5  }
0x12b: {  	v60 =	vld [tilespmem:s19+$0x0];
	vm0 =	vgt.f32 v13, v2;
	v7 =	vsel vm1, v8, v7;
	v8 =	vsel vm1, v12, v8  }
0x12c: {  	s24 =	sadd.s32 $0x3200, s17;
	v62 =	vsel vm0, v13, v2;
	v2 =	vimm.s32 $0x0;
	v3 =	vsel vm0, $0x32, v3  }
0x12d: {  	s20 =	sor.u32 s16, s24;
	vm9 =	vgt.f32 v14, v7;
	vm10 =	vgt.f32 v14, v8;
	v16 =	vsel vm15, v4, v62  }
0x12e: {  	v59 =	vld [tilespmem:s20+$0x0];
	v4 =	vsel vm15, v13, v4;
	v62 =	vimm.s32 $0x0;
	v3 =	vsel vm15, v1, v3  }
0x12f: {  	v1 =	vsel vm15, $0x32, v1;
	v11 =	vsel vm9, $0xFFFFFFFF, v61;
	v2 =	vsel vm10, $0xFFFFFFFF, v2  }
0x130: {  	s18 =	sor.u32 s15, s24;
	v7 =	vsel vm9, v14, v7;
	vm5 =	vgt.f32 v60, v16;
	vm12 =	vgt.f32 v60, v4  }
0x131: {  	v18 =	vld [tilespmem:s18+$0x0];
	v61 =	vimm.s32 $0x0;
	[tilespmem:$0x1FDC0] =	vst v2;
	v2 =	vsel vm1, v6, v5;
	v7 =	vsel vm10, v8, v7  }
0x132: {  	s25 =	sadd.s32 $0x3280, s17;
	v8 =	vsel vm10, v14, v8;
	v13 =	vsel vm5, $0xFFFFFFFF, v19;
	v14 =	vsel vm12, $0xFFFFFFFF, v22  }
0x133: {  	s26 =	sor.u32 s16, s25;
	v5 =	vsel vm5, v60, v16;
	v6 =	vsel vm1, $0x32, v6;
	vm11 =	vgt.f32 v59, v7  }
0x134: {  	v63 =	vld [tilespmem:s26+$0x0];
	[tilespmem:$0x1FDB0] =	vst v11;
	vm2 =	vgt.f32 v59, v8;
	v5 =	vsel vm12, v4, v5;
	v4 =	vsel vm12, v60, v4  }
0x135: {  	s30 =	sor.u32 s15, s25;
	[tilespmem:$0x1FDD0] =	vst v13;
	v11 =	vsel vm11, $0xFFFFFFFF, v17;
	v13 =	vsel vm2, $0xFFFFFFFF, v20;
	v7 =	vsel vm11, v59, v7  }
0x136: {  	s28 =	sadd.s32 $0x3300, s17;
	v24 =	vld [tilespmem:s30+$0x0];
	vm4 =	vgt.f32 v18, v4;
	vm14 =	vgt.f32 v18, v5;
	v17 =	vimm.s32 $0x0  }
0x137: {  	s29 =	sor.u32 s16, s28;
	v20 =	vimm.s32 $0x0;
	v7 =	vsel vm2, v8, v7;
	v8 =	vsel vm2, v59, v8  }
0x138: {  	v21 =	vld [tilespmem:s29+$0x0];
	[tilespmem:$0x1FDE0] =	vst v14;
	v14 =	vsel vm4, $0xFFFFFFFF, v27;
	v5 =	vsel vm14, v18, v5;
	v59 =	vimm.s32 $0x0  }
0x139: {  	v16 =	vld [tilespmem:$0x1FDB0];
	vm13 =	vgt.f32 v63, v7;
	vm2 =	vgt.f32 v63, v8;
	[tilespmem:$0x1FE20] =	vst v14;
	v14 =	vsel vm14, $0xFFFFFFFF, v28  }
0x13a: {  	v5 =	vsel vm4, v4, v5;
	v4 =	vsel vm4, v18, v4;
	v9 =	vsel vm13, $0xFFFFFFFF, v23  }
0x13b: {  	s20 =	sor.u32 s15, s28;
	v10 =	vsel vm2, $0xFFFFFFFF, v25;
	v7 =	vsel vm13, v63, v7;
	vm7 =	vgt.f32 v24, v5  }
0x13c: {  	s31 =	sadd.s32 $0x3380, s17;
	v33 =	vld [tilespmem:s20+$0x0];
	vm9 =	vgt.f32 v24, v4;
	v25 =	vimm.s32 $0x0;
	v7 =	vsel vm2, v8, v7  }
0x13d: {  	s21 =	sor.u32 s16, s31;
	[tilespmem:$0x1FDF0] =	vst v11;
	v8 =	vsel vm2, v63, v8;
	v11 =	vsel vm7, $0xFFFFFFFF, v32;
	v5 =	vsel vm7, v24, v5  }
0x13e: {  	v26 =	vld [tilespmem:s21+$0x0];
	[tilespmem:$0x1FE10] =	vst v14;
	v14 =	vsel vm9, $0xFFFFFFFF, v36;
	vm15 =	vnez.u8 v16;
	vm6 =	vgt.f32 v21, v7  }
0x13f: {  	vm2 =	vgt.f32 v21, v8;
	v5 =	vsel vm9, v4, v5;
	v4 =	vsel vm9, v24, v4  }
0x140: {  	s19 =	sor.u32 s15, s31;
	v23 =	vld [tilespmem:$0x1FDE0];
	v2 =	vsel vm15, $0x33, v2;
	v12 =	vsel vm6, $0xFFFFFFFF, v29;
	v7 =	vsel vm6, v21, v7  }
0x141: {  	s22 =	sadd.s32 $0x3800, s17;
	v38 =	vld [tilespmem:s19+$0x0];
	vm12 =	vgt.f32 v33, v5;
	vm14 =	vgt.f32 v33, v4;
	v29 =	vimm.s32 $0x0  }
0x142: {  	s21 =	sor.u32 s16, s22;
	[tilespmem:$0x1FE70] =	vst v12;
	v12 =	vsel vm2, $0xFFFFFFFF, v30;
	v7 =	vsel vm2, v8, v7;
	v8 =	vsel vm2, v21, v8  }
0x143: {  	v31 =	vld [tilespmem:s21+$0x0];
	[tilespmem:$0x1FE50] =	vst v10;
	v10 =	vsel vm12, $0xFFFFFFFF, v41;
	v5 =	vsel vm12, v33, v5;
	vm8 =	vgt.f32 v26, v7  }
0x144: {  	s23 =	sadd.s32 $0x3880, s17;
	vm10 =	vgt.f32 v26, v8;
	v5 =	vsel vm14, v4, v5;
	v4 =	vsel vm14, v33, v4  }
0x145: {  	s24 =	sor.u32 s16, s23;
	[tilespmem:$0x1FE00] =	vst v13;
	vm0 =	vnez.u8 v23;
	v13 =	vsel vm8, $0xFFFFFFFF, v34;
	v7 =	vsel vm8, v26, v7  }
0x146: {  	s18 =	sor.u32 s15, s22;
	v35 =	vld [tilespmem:s24+$0x0];
	[tilespmem:$0x1FE60] =	vst v14;
	v14 =	vsel vm10, $0xFFFFFFFF, v37;
	vm6 =	vgt.f32 v38, v5;
	vm12 =	vgt.f32 v38, v4  }
0x147: {  	s25 =	sadd.s32 $0x3900, s17;
	v44 =	vld [tilespmem:s18+$0x0];
	v7 =	vsel vm10, v8, v7;
	v8 =	vsel vm10, v26, v8;
	v15 =	vsel vm6, $0xFFFFFFFF, v15  }
0x148: {  	s26 =	sor.u32 s16, s25;
	[tilespmem:$0x1FEA0] =	vst v13;
	v5 =	vsel vm6, v38, v5;
	v13 =	vimm.s32 $0x0;
	vm11 =	vgt.f32 v31, v7  }
0x149: {  	v40 =	vld [tilespmem:s26+$0x0];
	vm13 =	vgt.f32 v31, v8;
	v5 =	vsel vm12, v4, v5;
	v7 =	vsel vm11, v31, v7  }
0x14a: {  	s28 =	sadd.s32 $0x3980, s17;
	[tilespmem:$0x1FE30] =	vst v9;
	v4 =	vsel vm12, v38, v4;
	v9 =	vsel vm11, $0xFFFFFFFF, v39;
	v7 =	vsel vm13, v8, v7  }
0x14b: {  	s29 =	sor.u32 s16, s28;
	[tilespmem:$0x1FE90] =	vst v10;
	v10 =	vsel vm13, $0xFFFFFFFF, v42;
	v8 =	vsel vm13, v31, v8;
	vm5 =	vgt.f32 v35, v7  }
0x14c: {  	v46 =	vld [tilespmem:s29+$0x0];
	[tilespmem:$0x1FEC0] =	vst v14;
	vm9 =	vgt.f32 v44, v5;
	vm7 =	vgt.f32 v35, v8;
	v7 =	vsel vm5, v35, v7  }
0x14d: {  	s30 =	sadd.s32 $0x3A00, s17;
	[tilespmem:$0x1FEF0] =	vst v10;
	v10 =	vsel vm14, $0xFFFFFFFF, v43;
	v14 =	vsel vm9, $0xFFFFFFFF, v51;
	v7 =	vsel vm7, v8, v7  }
0x14e: {  	s22 =	sor.u32 s16, s30;
	v5 =	vsel vm9, v44, v5;
	v8 =	vsel vm7, v35, v8;
	vm8 =	vgt.f32 v40, v7  }
0x14f: {  	s20 =	sor.u32 s15, s23;
	v49 =	vld [tilespmem:s22+$0x0];
	[tilespmem:$0x1FF00] =	vst v14;
	v14 =	vimm.s32 $0x0;
	vm14 =	vgt.f32 v40, v8;
	v7 =	vsel vm8, v40, v7  }
0x150: {  	v50 =	vld [tilespmem:s20+$0x0];
	[tilespmem:$0x1FE80] =	vst v12;
	v12 =	vsel vm5, $0xFFFFFFFF, v45;
	v7 =	vsel vm14, v8, v7;
	v8 =	vsel vm14, v40, v8  }
0x151: {  	s31 =	sadd.s32 $0x3A80, s17;
	[tilespmem:$0x1FED0] =	vst v15;
	v15 =	vsel vm7, $0xFFFFFFFF, v47;
	vm10 =	vgt.f32 v46, v7;
	vm13 =	vgt.f32 v46, v8  }
0x152: {  	s23 =	sor.u32 s16, s31;
	[tilespmem:$0x1FEE0] =	vst v9;
	v9 =	vsel vm10, $0xFFFFFFFF, v52;
	v7 =	vsel vm10, v46, v7;
	vm10 =	vgt.f32 v44, v4  }
0x153: {  	s19 =	sor.u32 s15, s25;
	v53 =	vld [tilespmem:s23+$0x0];
	[tilespmem:$0x1FE40] =	vst v11;
	v11 =	vsel vm8, $0xFFFFFFFF, v48;
	v5 =	vsel vm10, v4, v5;
	v7 =	vsel vm13, v8, v7  }
0x154: {  	v54 =	vld [tilespmem:s19+$0x0];
	v4 =	vsel vm10, v44, v4;
	v8 =	vsel vm13, v46, v8;
	vm11 =	vgt.f32 v49, v7  }
0x155: {  	s24 =	sadd.s32 $0x3B00, s17;
	[tilespmem:$0x1FEB0] =	vst v10;
	vm4 =	vgt.f32 v50, v5;
	vm6 =	vgt.f32 v50, v4;
	v10 =	vsel vm11, $0xFFFFFFFF, v55  }
0x156: {  	s25 =	sor.u32 s16, s24;
	v7 =	vsel vm11, v49, v7;
	vm11 =	vgt.f32 v49, v8;
	v5 =	vsel vm4, v50, v5  }
0x157: {  	s21 =	sor.u32 s15, s28;
	v56 =	vld [tilespmem:s25+$0x0];
	[tilespmem:$0x1FF10] =	vst v12;
	v12 =	vsel vm4, $0xFFFFFFFF, v57;
	v7 =	vsel vm11, v8, v7;
	v5 =	vsel vm6, v4, v5  }
0x158: {  	v58 =	vld [tilespmem:s21+$0x0];
	v8 =	vsel vm11, v49, v8;
	v4 =	vsel vm6, v50, v4;
	vm5 =	vgt.f32 v53, v7  }
0x159: {  	s17 =	sadd.s32 $0x3B80, s17;
	[tilespmem:$0x1FF40] =	vst v11;
	vm7 =	vgt.f32 v54, v5;
	vm9 =	vgt.f32 v53, v8;
	v11 =	vsel vm5, $0xFFFFFFFF, v59  }
0x15a: {  	s26 =	sor.u32 s16, s17;
	[tilespmem:$0x1FF20] =	vst v15;
	v7 =	vsel vm5, v53, v7;
	v15 =	vsel vm7, $0xFFFFFFFF, v61;
	v5 =	vsel vm7, v54, v5  }
0x15b: {  	s18 =	sor.u32 s15, s30;
	v60 =	vld [tilespmem:s26+$0x0];
	vm5 =	vgt.f32 v54, v4;
	v7 =	vsel vm9, v8, v7;
	v8 =	vsel vm9, v53, v8  }
0x15c: {  	v63 =	vld [tilespmem:s18+$0x0];
	v5 =	vsel vm5, v4, v5;
	v4 =	vsel vm5, v54, v4;
	vm8 =	vgt.f32 v56, v7  }
0x15d: {  	[tilespmem:$0x1FF60] =	vst v9;
	vm4 =	vgt.f32 v58, v5;
	v9 =	vsel vm8, $0xFFFFFFFF, v62;
	v7 =	vsel vm8, v56, v7  }
0x15e: {  	[tilespmem:$0x1FF70] =	vst v10;
	vm8 =	vgt.f32 v56, v8;
	v10 =	vsel vm4, $0xFFFFFFFF, v13;
	v5 =	vsel vm4, v58, v5  }
0x15f: {  	s28 =	sor.u32 s15, s31;
	v19 =	vld [tilespmem:$0x1FDC0];
	vm4 =	vgt.f32 v58, v4;
	v7 =	vsel vm8, v8, v7;
	v8 =	vsel vm8, v56, v8  }
0x160: {  	[tilespmem:$0x1FF50] =	vst v15;
	v15 =	vld [tilespmem:s28+$0x0];
	v5 =	vsel vm4, v4, v5;
	v4 =	vsel vm4, v58, v4;
	vm7 =	vgt.f32 v60, v7  }
0x161: {  	v21 =	vld [tilespmem:$0x1FDD0];
	[tilespmem:$0x1FF80] =	vst v10;
	vm15 =	vgt.f32 v63, v5;
	vm3 =	vgt.f32 v63, v4;
	v10 =	vsel vm7, $0xFFFFFFFF, v14  }
0x162: {  	v7 =	vsel vm7, v60, v7;
	vm7 =	vgt.f32 v60, v8;
	v5 =	vsel vm15, v63, v5  }
0x163: {  	v7 =	vsel vm7, v8, v7;
	v8 =	vsel vm7, v60, v8;
	v5 =	vsel vm3, v4, v5  }
0x164: {  	s29 =	sor.u32 s15, s24;
	v24 =	vld [tilespmem:$0x1FDF0];
	v7 =	vsub.f32 v7, v8;
	v8 =	vsel vm15, $0xFFFFFFFF, v17;
	vm15 =	vnez.u8 v19  }
0x165: {  	v18 =	vld [tilespmem:s29+$0x0];
	v4 =	vsel vm3, v63, v4;
	vm1 =	vgt.f32 v15, v5;
	v2 =	vsel vm15, v6, v2  }
0x166: {  	v26 =	vld [tilespmem:$0x1FE00];
	v6 =	vsel vm15, $0x33, v6;
	vm15 =	vnez.u8 v21;
	v5 =	vsel vm1, v15, v5  }
0x167: {  	v27 =	vld [tilespmem:$0x1FE10];
	v7 =	vmul.f32 $1.442695020e+00, v7;
	v3 =	vsel vm15, $0x33, v3;
	vm15 =	vgt.f32 v15, v4  }
0x168: {  	s17 =	sor.u32 s15, s17;
	v28 =	vld [tilespmem:$0x1FE20];
	v3 =	vsel vm0, v1, v3;
	v1 =	vsel vm0, $0x33, v1;
	v5 =	vsel vm15, v4, v5  }
0x169: {  	v22 =	vld [tilespmem:s17+$0x0];
	vm0 =	vnez.u8 v24;
	v4 =	vsel vm15, v15, v4;
	(erf) = vpow2.f32 v7  }
0x16a: {  	v30 =	vld [tilespmem:$0x1FE30];
	v7 =	vsel vm1, $0xFFFFFFFF, v20;
	v2 =	vsel vm0, $0x34, v2;
	vm1 =	vgt.f32 v18, v5  }
0x16b: {  	[tilespmem:$0x1FFB0] =	vst v9;
	vm0 =	vnez.u8 v26;
	vm2 =	vgt.f32 v18, v4;
	v9 =	vsel vm1, $0xFFFFFFFF, v25  }
0x16c: {  	v31 =	vld [tilespmem:$0x1FE40];
	v2 =	vsel vm0, v6, v2;
	v6 =	vsel vm0, $0x34, v6;
	vm0 =	vnez.u8 v27  }
0x16d: {  	v32 =	vld [tilespmem:$0x1FE50];
	v5 =	vsel vm1, v18, v5;
	v3 =	vsel vm0, $0x34, v3;
	vm0 =	vnez.u8 v28  }
0x16e: {  	v34 =	vld [tilespmem:$0x1FE60];
	v5 =	vsel vm2, v4, v5;
	v4 =	vsel vm2, v18, v4;
	v3 =	vsel vm0, v1, v3  }
0x16f: {  	v35 =	vld [tilespmem:$0x1FE70];
	vm1 =	vgt.f32 v22, v5;
	v1 =	vsel vm0, $0x34, v1;
	vm0 =	vnez.u8 v30  }
0x170: {  	v36 =	vld [tilespmem:$0x1FE80];
	[tilespmem:$0x1FFA0] =	vst v8;
	v8 =	vsel vm1, $0xFFFFFFFF, v29;
	v5 =	vsel vm1, v22, v5;
	vm1 =	vgt.f32 v22, v4  }
0x171: {  	v37 =	vld [tilespmem:$0x1FE90];
	v2 =	vsel vm0, $0x35, v2;
	vm0 =	vnez.u8 v31;
	v5 =	vsel vm1, v4, v5  }
0x172: {  	v38 =	vld [tilespmem:$0x1FEA0];
	v4 =	vsel vm1, v22, v4;
	v3 =	vsel vm0, $0x35, v3;
	vm0 =	vnez.u8 v32  }
0x173: {  	v39 =	vld [tilespmem:$0x1FEB0];
	v2 =	vsel vm0, v6, v2;
	v6 =	vsel vm0, $0x35, v6;
	vm0 =	vnez.u8 v34  }
0x174: {  	v3 =	vsel vm0, v1, v3;
	v1 =	vsel vm0, $0x35, v1;
	vm0 =	vnez.u8 v35  }
0x175: {  	v40 =	vld [tilespmem:$0x1FEC0];
	v4 =	vsub.f32 v5, v4;
	v2 =	vsel vm0, $0x36, v2;
	vm0 =	vnez.u8 v36  }
0x176: {  	v41 =	vld [tilespmem:$0x1FED0];
	v33 =	vpop (erf);
	v2 =	vsel vm0, v6, v2;
	v6 =	vsel vm0, $0x36, v6;
	vm0 =	vnez.u8 v37  }
0x177: {  	v42 =	vld [tilespmem:$0x1FEE0];
	v5 =	vadd.f32 $1.000000000e+00, v33;
	v3 =	vsel vm0, $0x36, v3;
	vm0 =	vnez.u8 v38  }
0x178: {  	v43 =	vld [tilespmem:$0x1FEF0];
	v4 =	vmul.f32 $1.442695020e+00, v4;
	v2 =	vsel vm0, $0x37, v2;
	vm0 =	vnez.u8 v39  }
0x179: {  	v45 =	vld [tilespmem:$0x1FF10];
	(erf) = vrcp.f32 v5;
	v3 =	vsel vm0, v1, v3  }
0x17a: {  	v44 =	vld [tilespmem:$0x1FF00];
	v1 =	vsel vm0, $0x36, v1;
	vm0 =	vnez.u8 v40;
	(erf) = vpow2.f32 v4  }
0x17b: {  	v48 =	vld [tilespmem:$0x1FF40];
	v2 =	vsel vm0, v6, v2;
	v4 =	vsel vm0, $0x37, v6;
	vm0 =	vnez.u8 v41  }
0x17c: {  	v46 =	vld [tilespmem:$0x1FF20];
	[tilespmem:$0x1FF30] =	vst v12;
	v3 =	vsel vm0, $0x37, v3;
	vm0 =	vnez.u8 v42  }
0x17d: {  	v47 =	vld [tilespmem:$0x1FF30];
	v2 =	vsel vm0, $0x38, v2  }
0x17e: {  	v50 =	vld [tilespmem:$0x1FF60];
	v3 =	vsel vm12, v1, v3;
	v1 =	vsel vm12, $0x37, v1;
	vm12 =	vnez.u8 v43  }
0x17f: {  	v49 =	vld [tilespmem:$0x1FF50];
	v2 =	vsel vm12, v4, v2;
	v4 =	vsel vm12, $0x38, v4;
	vm12 =	vnez.u8 v44  }
0x180: {  	[tilespmem:$0x1FF90] =	vst v11;
	v53 =	vld [tilespmem:$0x1FF70];
	v3 =	vsel vm12, $0x38, v3;
	vm12 =	vnez.u8 v45  }
0x181: {  	v55 =	vld [tilespmem:$0x1FF90];
	v2 =	vsel vm12, $0x39, v2;
	v3 =	vsel vm10, v1, v3  }
0x182: {  	v56 =	vld [tilespmem:$0x1FFA0];
	v1 =	vsel vm10, $0x38, v1;
	vm12 =	vnez.u8 v46;
	vm10 =	vnez.u8 v47  }
0x183: {  	v54 =	vld [tilespmem:$0x1FF80];
	[tilespmem:$0x1FFC0] =	vst v7;
	v2 =	vsel vm12, v4, v2;
	v4 =	vsel vm12, $0x39, v4;
	vm12 =	vnez.u8 v48  }
0x184: {  	v58 =	vld [tilespmem:$0x1FFC0];
	v3 =	vsel vm10, $0x39, v3;
	vm10 =	vnez.u8 v49;
	v2 =	vsel vm12, $0x3A, v2  }
0x185: {  	[tilespmem:$0x1FFD0] =	vst v10;
	v3 =	vsel vm6, v1, v3;
	v1 =	vsel vm6, $0x39, v1;
	vm12 =	vnez.u8 v50  }
0x186: {  	v59 =	vld [tilespmem:$0x1FFD0];
	vm6 =	vnez.u8 v55;
	v2 =	vsel vm14, v4, v2;
	v4 =	vsel vm14, $0x3A, v4  }
0x187: {  	v3 =	vsel vm10, $0x3A, v3;
	vm14 =	vnez.u8 v53;
	vm10 =	vnez.u8 v56  }
0x188: {  	v57 =	vld [tilespmem:$0x1FFB0];
	v51 =	vpop (erf);
	v2 =	vsel vm12, $0x3B, v2;
	v3 =	vsel vm5, v1, v3;
	v1 =	vsel vm5, $0x3A, v1  }
0x189: {  	v52 =	vpop (erf);
	vm5 =	vnez.u8 v54;
	vm12 =	vnez.u8 v58;
	v2 =	vsel vm13, v4, v2  }
0x18a: {  	v4 =	vsel vm13, $0x3B, v4;
	v6 =	vadd.f32 $1.000000000e+00, v52;
	v2 =	vsel vm14, $0x3C, v2  }
0x18b: {  	v3 =	vsel vm5, $0x3B, v3;
	vm13 =	vnez.u8 v59;
	v2 =	vsel vm11, v4, v2  }
0x18c: {  	[tilespmem:$0x1FFE0] =	vst v9;
	v3 =	vsel vm4, v1, v3;
	v4 =	vsel vm11, $0x3C, v4;
	v2 =	vsel vm6, $0x3D, v2  }
0x18d: {  	v61 =	vld [tilespmem:$0x1FFE0];
	(erf) = vrcp.f32 v6;
	vm11 =	vnez.u8 v57;
	v2 =	vsel vm9, v4, v2  }
0x18e: {  	s30 =	sshll.u32 s14, $0x6;
	[tilespmem:$0x1FFF0] =	vst v8;
	v1 =	vsel vm4, $0x3B, v1;
	v4 =	vsel vm9, $0x3D, v4;
	v2 =	vsel vm11, $0x3E, v2  }
0x18f: {  	s17 =	sand.u32 $0xFFFFFF00, s30;
	v62 =	vld [tilespmem:$0x1FFF0];
	v3 =	vsel vm10, $0x3C, v3;
	v2 =	vsel vm8, v4, v2;
	v4 =	vsel vm8, $0x3E, v4  }
0x190: {  	s16 =	sor.u32 s16, s17;
	s31 =	sor.u32 s17, s13;
	v3 =	vsel vm3, v1, v3;
	v2 =	vsel vm13, $0x3F, v2;
	v60 =	vsel vm7, $0x3F, v4  }
0x191: {  	s18 =	sor.u32 $0x80, s31;
	v1 =	vsel vm3, $0x3C, v1;
	v3 =	vsel vm12, $0x3D, v3;
	v2 =	vsel vm7, v4, v2;
	[tilespmem:s16+$0x4000] =	vst v60  }
0x192: {  	vm14 =	vnez.u8 v61;
	v3 =	vsel vm15, v1, v3;
	[tilespmem:s18+$0x4000] =	vst v2;
	v2 =	vsub.f32 $1.000000000e+00, v51  }
0x193: {  	v1 =	vsel vm15, $0x3D, v1;
	v3 =	vsel vm14, $0x3E, v3  }
0x194: {  	p0 =	sne.s32 s14, $0x7;
	vm15 =	vnez.u8 v62;
	v3 =	vsel vm2, v1, v3;
	v1 =	vsel vm2, $0x3E, v1;
	[tilespmem:s16+$0x4200] =	vst v51  }
.Ltmp0:
0x195: {  	s15 =	sor.u32 s17, s15;
	v3 =	vsel vm15, $0x3F, v3;
	v63 =	vsel vm1, $0x3F, v1;
	[tilespmem:s18+$0x4200] =	vst v2;
	(pc) =	sbr.rel @p0 .LBB2_2-.Ltmp0, $4  }
0x196: {  	v1 =	vsel vm1, v1, v3;
	[tilespmem:s15+$0x4000] =	vst v63;
	v2 =	vpop (erf)  }
0x197: {  	[tilespmem:s15+$0x4080] =	vst v1;
	v1 =	vsub.f32 $1.000000000e+00, v2  }
0x198: {  	[tilespmem:s15+$0x4200] =	vst v2  }
0x199: {  	s14 =	sadd.s32 $0x1, s14;
	s13 =	sadd.s32 $0x20, s13;
	[tilespmem:s15+$0x4280] =	vst v1  }
0x19a: {  	[hbm4b:s4+s2] =	stream.linear.scatter [tilespmem:s10], [sflag:$0x1], $0x200, $0x38;
	[tilespmem:$0x4400] =	vst v63  }
0x19b: {  	s12 =	sadd.s32 $0x1, s12;
	_ =	swait.ge [sflag:s9], $0x200  }
0x19c: {  	p0 =	sne.s32 s12, s6;
	[sflag:s9] =	ssyncset.done $0x0  }
.Ltmp1:
0x19d: {  	[sflag:s9] =	ssyncadd.s32 $0xFFFFFE00;
	(pc) =	sbr.rel @p0 .LBB2_1-.Ltmp1, $4  }
0x19e: {  	[hbm4b:s5+s2] =	stream.linear.scatter [tilespmem:s11], [sflag:$0x1], $0x200, $0x38;
	[tilespmem:$0x4400] =	vst v63  }
0x19f: {  	_ =	swait.ge [sflag:s9], $0x200  }
0x1a0: {  	[sflag:s9] =	ssyncset.done $0x0  }
0x1a1: {  	[sflag:s9] =	ssyncadd.s32 $0xFFFFFE00  }
0x1a2: {  	_ =	sfence.sel $0x180000  }
0x1a3: {  	[bflag:$0x0] =	sbarrier.arrive $0xFFFF  }
0x1a4: {  	p0 =	sne.s32 s1, $0x0;
	_ =	strace $0x90000047  }
0x1a5: {  	s0 =	sadd.s32 @!p0 $0x100000, s0;
	[bflag:$0x2] =	sbarrier.arrive $0xFFFF  }
0x1a6: {  	[sflag:s0] =	ssyncadd.tile.s32 @!p0 $0x1;
	_ =	shalt  }
.Lfunc_end2:
_tile_overlayer_lowered:
.L_overlay_start_2:
0x1a7: {  	(tag) =	ssettag $0x2  }
0x1a8: {  	s0 =	rddreg [dreg:$0x0];
	s2 =	stileid.u32  }
0x1a9: {  	s1 =	rddreg [dreg:$0x1];
	p0 =	sne.s32 s2, $0x0  }
0x1aa: {  	s3 =	rddreg [dreg:$0x2];
	[bflag:$0x3] =	sbarrier.arrive $0xFFFF;
	s2 =	simm.s32 @!p0 $0x1C01  }
0x1ab: {  	[timem:s3], [sflag:s2] =	dma.local @!p0 [hbm:s0], s1  }
0x1ac: {  	s0 =	simm.s32 @!p0 $0x1  }
0x1ad: {  	_ =	swait.ge @!p0 [sflag:s0], s1  }
0x1ae: {  	s1 =	ssub.s32 @!p0 $0x0, s1;
	[sflag:s0] =	ssyncset.done @!p0 $0x0  }
0x1af: {  	[sflag:s0] =	ssyncadd.s32 @!p0 s1  }
0x1b0: {  	[bflag:$0x3] =	sbarrier.arrive $0xFFFF  }
0x1b1: {  	_ =	shalt  }

</sc_bundles>
